<compile_context>
chip_gen: v7x
topology: tpu7x:2x2x1
jax: 0.10.2.dev20260603
libtpu: 0.0.44.dev20260713+nightly
codegen_flags: <defaults>
</compile_context>

<pallas_src>
import functools

import jax
import jax.numpy as jnp
from jax import lax
from jax.experimental import pallas as pl
from jax.experimental.pallas import tpu as pltpu
from jax.experimental.pallas import tpu_sc as plsc

_NUM_WORKERS = 32
_CHUNK = 128
_GROUP = 4
_LANES = 16


@functools.lru_cache(maxsize=None)
def _build_detile(num_rows: int, embed_dim: int):
    assert embed_dim == 32 and num_rows == 1000000
    jt_n = embed_dim // 8
    full_p = num_rows // 128
    tail = num_rows - full_p * 128
    per_w = full_p // _NUM_WORKERS
    n_left = full_p - per_w * _NUM_WORKERS
    assert per_w % 2 == 0
    mesh = plsc.VectorSubcoreMesh(core_axis_name="c", subcore_axis_name="s")

    @functools.partial(
        pl.kernel,
        out_type=jax.ShapeDtypeStruct((num_rows * embed_dim,), jnp.float32),
        mesh=mesh,
        scratch_types=[
            pltpu.VMEM((jt_n, 8, 128), jnp.float32),
            pltpu.VMEM((jt_n, 8, 128), jnp.float32),
            pltpu.VMEM((128 * embed_dim,), jnp.float32),
            pltpu.VMEM((128 * embed_dim,), jnp.float32),
            pltpu.VMEM((128 * (embed_dim + 1),), jnp.float32),
            pltpu.SemaphoreType.DMA,
            pltpu.SemaphoreType.DMA,
            pltpu.SemaphoreType.DMA,
            pltpu.SemaphoreType.DMA,
        ],
        compiler_params=pltpu.CompilerParams(
            use_tc_tiling_on_sc=True, needs_layout_passes=False,
            disable_bounds_checks=True,
        ),
    )
    def detile_kernel(wt_hbm, wtail_hbm, out_hbm, in_a, in_b, tr_a, tr_b,
                      pad_v, sem_ia, sem_ib, sem_oa, sem_ob):
        num_cores = lax.axis_size("c")
        wid = lax.axis_index("s") * num_cores + lax.axis_index("c")
        lane33 = lax.iota(jnp.int32, _LANES) * (embed_dim + 1)

        def fire_in(p, buf, sem):
            for t in range(jt_n):
                pltpu.async_copy(
                    wt_hbm.at[pl.ds(8 * t, 8), pl.ds(p * 128, 128)],
                    buf.at[t], sem,
                )

        def drain_in(buf, sem):
            for t in range(jt_n):
                pltpu.make_async_copy(
                    wt_hbm.at[pl.ds(0, 8), pl.ds(0, 128)], buf.at[t], sem
                ).wait()

        def transpose(buf, tr, csteps):
            assert csteps == 8

            @plsc.parallel_loop(0, embed_dim * csteps, 1, unroll=16)
            def scat(v):
                m = v >> 3
                c = v & 7
                t = m >> 3
                j = m & 7
                vec = buf[t, j, pl.ds(c * _LANES, _LANES)]
                plsc.store_scatter(
                    pad_v, [lane33 + (c * _LANES * (embed_dim + 1) + m)], vec
                )

            @plsc.parallel_loop(0, embed_dim * csteps, 1, unroll=16)
            def comp(k):
                s = (k << 4) + (k >> 1)
                tr[pl.ds(k * _LANES, _LANES)] = pad_v[pl.ds(s, _LANES)]

        def write_out(p, tr, sem):
            pltpu.async_copy(
                tr, out_hbm.at[pl.ds(p * 128 * embed_dim, 128 * embed_dim)], sem
            )

        def drain_out(tr, sem):
            pltpu.make_async_copy(
                out_hbm.at[pl.ds(0, 128 * embed_dim)], tr, sem
            ).wait()

        fire_in(wid, in_a, sem_ia)

        def body(k, carry):
            p0 = wid + _NUM_WORKERS * 2 * k
            fire_in(p0 + _NUM_WORKERS, in_b, sem_ib)
            drain_in(in_a, sem_ia)

            @pl.when(k > 0)
            def _():
                drain_out(tr_a, sem_oa)

            transpose(in_a, tr_a, 8)
            write_out(p0, tr_a, sem_oa)

            @pl.when(k + 1 < per_w // 2)
            def _():
                fire_in(p0 + 2 * _NUM_WORKERS, in_a, sem_ia)

            drain_in(in_b, sem_ib)

            @pl.when(k > 0)
            def _():
                drain_out(tr_b, sem_ob)

            transpose(in_b, tr_b, 8)
            write_out(p0 + _NUM_WORKERS, tr_b, sem_ob)
            return carry

        lax.fori_loop(0, per_w // 2, body, 0)
        drain_out(tr_a, sem_oa)
        drain_out(tr_b, sem_ob)

        p_extra = wid + _NUM_WORKERS * per_w

        @pl.when(jnp.logical_and(wid < n_left, p_extra < full_p))
        def _():
            fire_in(p_extra, in_a, sem_ia)
            drain_in(in_a, sem_ia)
            transpose(in_a, tr_a, 8)
            write_out(p_extra, tr_a, sem_oa)
            drain_out(tr_a, sem_oa)

        if tail:
            @pl.when(p_extra == full_p)
            def _():
                pltpu.sync_copy(wtail_hbm, tr_a.at[pl.ds(0, tail * embed_dim)])
                pltpu.sync_copy(
                    tr_a.at[pl.ds(0, tail * embed_dim)],
                    out_hbm.at[pl.ds(full_p * 128 * embed_dim, tail * embed_dim)],
                )

    return detile_kernel


@functools.lru_cache(maxsize=None)
def _build_gather(batch: int, num_fields: int, embed_dim: int):
    assert batch % (_NUM_WORKERS * _CHUNK) == 0
    cols_per_w = batch // _NUM_WORKERS
    chunks_per_f = cols_per_w // _CHUNK
    steps = num_fields * chunks_per_f
    assert steps % (2 * _GROUP) == 0
    grows = _GROUP * _CHUNK
    mesh = plsc.VectorSubcoreMesh(core_axis_name="c", subcore_axis_name="s")

    assert chunks_per_f == _GROUP
    jt_n = embed_dim // 8
    pairs = ngroups_pairs = num_fields // 2

    @functools.partial(
        pl.kernel,
        out_type=jax.ShapeDtypeStruct((num_fields * batch * embed_dim,), jnp.float32),
        mesh=mesh,
        scratch_types=[
            pltpu.VMEM((num_fields, cols_per_w), jnp.int32),
            pltpu.VMEM((grows, embed_dim), jnp.float32),
            pltpu.VMEM((grows, embed_dim), jnp.float32),
            pltpu.VMEM((grows * embed_dim,), jnp.float32),
            pltpu.VMEM((grows * embed_dim,), jnp.float32),
            pltpu.VMEM((_CHUNK * (embed_dim + 1),), jnp.float32),
            pltpu.SemaphoreType.DMA,
            pltpu.SemaphoreType.DMA,
            pltpu.SemaphoreType.DMA,
            pltpu.SemaphoreType.DMA,
        ],
        compiler_params=pltpu.CompilerParams(
            use_tc_tiling_on_sc=False, needs_layout_passes=False
        ),
    )
    def gather_kernel(table_hbm, xt_hbm, out_hbm, idx_v, buf_a, buf_b,
                      tr_a, tr_b, pad_v, sem_a, sem_b, sem_wa, sem_wb):
        num_cores = lax.axis_size("c")
        wid = lax.axis_index("s") * num_cores + lax.axis_index("c")
        base = wid * cols_per_w
        lane129 = lax.iota(jnp.int32, _LANES) * (_CHUNK + 1)
        pltpu.sync_copy(xt_hbm.at[:, pl.ds(base, cols_per_w)], idx_v)

        def fire(f, buf, sem):
            for k in range(_GROUP):
                pltpu.async_copy(
                    table_hbm.at[idx_v.at[f, pl.ds(k * _CHUNK, _CHUNK)]],
                    buf.at[pl.ds(k * _CHUNK, _CHUNK)],
                    sem,
                )

        def drain_gather(buf, sem):
            pltpu.make_async_copy(table_hbm.at[pl.ds(0, grows)], buf, sem).wait()

        def transpose_chunk(buf, tr, k):
            @plsc.parallel_loop(0, 2 * _CHUNK, 1, unroll=8)
            def scat(m):
                bi = m >> 1
                h = m & 1
                vec = buf[k * _CHUNK + bi, pl.ds(h * _LANES, _LANES)]
                plsc.store_scatter(
                    pad_v, [lane129 + (h * _LANES * (_CHUNK + 1) + bi)], vec
                )

            @plsc.parallel_loop(0, 2 * _CHUNK, 1, unroll=8)
            def comp(k2):
                s = (k2 << 4) + (k2 >> 3)
                tr[pl.ds(k * _CHUNK * embed_dim + k2 * _LANES, _LANES)] = \
                    pad_v[pl.ds(s, _LANES)]

        def fire_writes(f, tr, sem):
            for k in range(_GROUP):
                bt = wid * _GROUP + k
                for jt in range(jt_n):
                    pltpu.async_copy(
                        tr.at[pl.ds((k * embed_dim + jt * 8) * _CHUNK, 8 * _CHUNK)],
                        out_hbm.at[pl.ds(((f * jt_n + jt) * (batch // _CHUNK) + bt)
                                         * 8 * _CHUNK, 8 * _CHUNK)],
                        sem,
                    )

        def drain_writes(tr, sem):
            pltpu.make_async_copy(out_hbm.at[pl.ds(0, grows * embed_dim)], tr,
                                  sem).wait()

        def process(f, buf, tr, sem, sem_w, first):
            drain_gather(buf, sem)

            @pl.when(jnp.logical_not(first))
            def _():
                drain_writes(tr, sem_w)

            for k in range(_GROUP):
                transpose_chunk(buf, tr, k)
            fire_writes(f, tr, sem_w)

        fire(0, buf_a, sem_a)

        def body(p, carry):
            f = 2 * p
            fire(f + 1, buf_b, sem_b)
            process(f, buf_a, tr_a, sem_a, sem_wa, p == 0)

            @pl.when(p + 1 < pairs)
            def _():
                fire(f + 2, buf_a, sem_a)

            process(f + 1, buf_b, tr_b, sem_b, sem_wb, p == 0)
            return carry

        lax.fori_loop(0, pairs, body, 0)
        drain_writes(tr_a, sem_wa)
        drain_writes(tr_b, sem_wb)

    return gather_kernel


def kernel(x, weight):
    batch, num_fields = x.shape
    num_rows, embed_dim = weight.shape
    tail_rows = num_rows - (num_rows // 128) * 128
    wtail = weight[num_rows - tail_rows:].reshape(tail_rows * embed_dim)
    flat = _build_detile(num_rows, embed_dim)(weight.T, wtail)
    wlin = flat.reshape(num_rows, embed_dim)
    out_t = _build_gather(batch, num_fields, embed_dim)(
        wlin, x.T.astype(jnp.int32)
    )
    return (
        out_t.reshape(num_fields, embed_dim // 8, batch // 128, 8, 128)
        .transpose(2, 4, 0, 1, 3)
        .reshape(batch, num_fields, embed_dim)
    )

# --- scband reference (transcript-rebuilt; emitter-appended) ---
"""Pipeline reference for scband-cpu-embedding-75411035783683 (READ-ONLY COPY).

The authoritative reference and input builder live on the scoring server;
editing this copy changes nothing except your own understanding.
"""

import jax, jax.numpy as jnp
import numpy as np

NUM_EMBEDDINGS = 1000000
EMBED_DIM = 32
BATCH = 16384
NUM_FIELDS = 26


def setup_inputs(seed: int = 0) -> dict:
    key = jax.random.key(seed)
    k_idx, k_w = jax.random.split(key)
    x = jax.random.randint(k_idx, (BATCH, NUM_FIELDS), 0, NUM_EMBEDDINGS, dtype=jnp.int64 if jax.config.jax_enable_x64 else jnp.int32)
    # xavier_uniform init for weight of shape (num_embeddings, embed_dim)
    fan_in, fan_out = NUM_EMBEDDINGS, EMBED_DIM
    limit = float(np.sqrt(6.0 / (fan_in + fan_out)))
    weight = jax.random.uniform(k_w, (NUM_EMBEDDINGS, EMBED_DIM), dtype=jnp.float32, minval=-limit, maxval=limit)
    return {"x": x, "weight": weight}


def reference(x, weight):
    # weight[x] -> gather rows: shape (batch, num_fields, embed_dim)
    return jnp.take(weight, x, axis=0)

if __name__ == "__main__":
    import jax
    _d = setup_inputs()
    print(jax.jit(kernel)(*tuple(_d.values())))

</pallas_src>

<mosaic_0001>
#map = affine_map<(d0, d1) -> (0, 0)>
#map1 = affine_map<(d0, d1) -> (0)>
module attributes {stable_mosaic.version = 14 : i64} {
  func.func @detile_kernel(%arg0: i32, %arg1: i32, %arg2: memref<32x1000000xf32, #tpu.memory_space<hbm>>, %arg3: memref<2048xf32, #tpu.memory_space<hbm>>, %arg4: memref<32000000xf32, #tpu.memory_space<hbm>>, %arg5: memref<4x8x128xf32, #tpu.memory_space<vmem>>, %arg6: memref<4x8x128xf32, #tpu.memory_space<vmem>>, %arg7: memref<4096xf32, #tpu.memory_space<vmem>>, %arg8: memref<4096xf32, #tpu.memory_space<vmem>>, %arg9: memref<4224xf32, #tpu.memory_space<vmem>>, %arg10: memref<!tpu.dma_semaphore, #tpu.memory_space<semaphore_mem>>, %arg11: memref<!tpu.dma_semaphore, #tpu.memory_space<semaphore_mem>>, %arg12: memref<!tpu.dma_semaphore, #tpu.memory_space<semaphore_mem>>, %arg13: memref<!tpu.dma_semaphore, #tpu.memory_space<semaphore_mem>>) attributes {dimension_semantics = [#tpu.dimension_semantics<core_parallel>, #tpu.dimension_semantics<subcore_parallel>], iteration_bounds = array<i64: 2, 16>, scalar_prefetch = 0 : i64, scratch_operands = 9 : i64, tpu.core_type = #tpu.core_type<sc_vector_subcore>, window_params = [{transform_indices = #map}, {transform_indices = #map1}, {transform_indices = #map1}]} {
    %mul3A = arith.constant 2 : i32
    %mul3A_0 = arith.muli %arg1, %mul3A : i32
    %add3A = arith.addi %mul3A_0, %arg0 : i32
    %iota3A = tpu.iota {dimensions = array<i32: 0>} : vector<16xi32>
    %mul3A_1 = arith.constant 33 : i32
    %mul3A_2 = vector.broadcast %mul3A_1 : i32 to vector<16xi32>
    %mul3A_3 = arith.muli %iota3A, %mul3A_2 : vector<16xi32>
    %mul3A_4 = arith.constant 128 : i32
    %mul3A_5 = arith.muli %add3A, %mul3A_4 : i32
    %dma_start3A = arith.constant 0 : i32
    %dma_start3A_6 = arith.constant 0 : i32
    %dma_start3A_7 = arith.constant 0 : i32
    %dma_start3A_8 = tpu.memref_slice %arg5[%dma_start3A, %dma_start3A_6, %dma_start3A_7] : memref<4x8x128xf32, #tpu.memory_space<vmem>> -> memref<1x8x128xf32, #tpu.memory_space<vmem>>
    %dma_start3A_9 = tpu.memref_squeeze %dma_start3A_8 : memref<1x8x128xf32, #tpu.memory_space<vmem>> -> memref<8x128xf32, #tpu.memory_space<vmem>>
    %dma_start3A_10 = arith.constant 0 : i32
    %dma_start3A_11 = tpu.memref_slice %arg2[%dma_start3A_10, %mul3A_5] : memref<32x1000000xf32, #tpu.memory_space<hbm>> -> memref<8x128xf32, #tpu.memory_space<hbm>>
    %dma_start3A_12 = arith.constant 0 : i32
    %dma_start3A_13 = arith.constant 0 : i32
    %dma_start3A_14 = tpu.memref_slice %arg5[%dma_start3A, %dma_start3A_12, %dma_start3A_13] : memref<4x8x128xf32, #tpu.memory_space<vmem>> -> memref<1x8x128xf32, #tpu.memory_space<vmem>>
    %dma_start3A_15 = tpu.memref_squeeze %dma_start3A_14 : memref<1x8x128xf32, #tpu.memory_space<vmem>> -> memref<8x128xf32, #tpu.memory_space<vmem>>
    %dma_start3A_16 = arith.constant 0 : i32
    %dma_start3A_17 = tpu.memref_slice %arg2[%dma_start3A_16, %mul3A_5] : memref<32x1000000xf32, #tpu.memory_space<hbm>> -> memref<8x128xf32, #tpu.memory_space<hbm>>
    tpu.enqueue_dma source(%dma_start3A_17 : memref<8x128xf32, #tpu.memory_space<hbm>>) target(%dma_start3A_15 : memref<8x128xf32, #tpu.memory_space<vmem>>) target_semaphore(%arg10 : memref<!tpu.dma_semaphore, #tpu.memory_space<semaphore_mem>>)
    %mul3A_18 = arith.constant 128 : i32
    %mul3A_19 = arith.muli %add3A, %mul3A_18 : i32
    %dma_start3A_20 = arith.constant 1 : i32
    %dma_start3A_21 = arith.constant 0 : i32
    %dma_start3A_22 = arith.constant 0 : i32
    %dma_start3A_23 = tpu.memref_slice %arg5[%dma_start3A_20, %dma_start3A_21, %dma_start3A_22] : memref<4x8x128xf32, #tpu.memory_space<vmem>> -> memref<1x8x128xf32, #tpu.memory_space<vmem>>
    %dma_start3A_24 = tpu.memref_squeeze %dma_start3A_23 : memref<1x8x128xf32, #tpu.memory_space<vmem>> -> memref<8x128xf32, #tpu.memory_space<vmem>>
    %dma_start3A_25 = arith.constant 8 : i32
    %dma_start3A_26 = tpu.memref_slice %arg2[%dma_start3A_25, %mul3A_19] : memref<32x1000000xf32, #tpu.memory_space<hbm>> -> memref<8x128xf32, #tpu.memory_space<hbm>>
    %dma_start3A_27 = arith.constant 0 : i32
    %dma_start3A_28 = arith.constant 0 : i32
    %dma_start3A_29 = tpu.memref_slice %arg5[%dma_start3A_20, %dma_start3A_27, %dma_start3A_28] : memref<4x8x128xf32, #tpu.memory_space<vmem>> -> memref<1x8x128xf32, #tpu.memory_space<vmem>>
    %dma_start3A_30 = tpu.memref_squeeze %dma_start3A_29 : memref<1x8x128xf32, #tpu.memory_space<vmem>> -> memref<8x128xf32, #tpu.memory_space<vmem>>
    %dma_start3A_31 = arith.constant 8 : i32
    %dma_start3A_32 = tpu.memref_slice %arg2[%dma_start3A_31, %mul3A_19] : memref<32x1000000xf32, #tpu.memory_space<hbm>> -> memref<8x128xf32, #tpu.memory_space<hbm>>
    tpu.enqueue_dma source(%dma_start3A_32 : memref<8x128xf32, #tpu.memory_space<hbm>>) target(%dma_start3A_30 : memref<8x128xf32, #tpu.memory_space<vmem>>) target_semaphore(%arg10 : memref<!tpu.dma_semaphore, #tpu.memory_space<semaphore_mem>>)
    %mul3A_33 = arith.constant 128 : i32
    %mul3A_34 = arith.muli %add3A, %mul3A_33 : i32
    %dma_start3A_35 = arith.constant 2 : i32
    %dma_start3A_36 = arith.constant 0 : i32
    %dma_start3A_37 = arith.constant 0 : i32
    %dma_start3A_38 = tpu.memref_slice %arg5[%dma_start3A_35, %dma_start3A_36, %dma_start3A_37] : memref<4x8x128xf32, #tpu.memory_space<vmem>> -> memref<1x8x128xf32, #tpu.memory_space<vmem>>
    %dma_start3A_39 = tpu.memref_squeeze %dma_start3A_38 : memref<1x8x128xf32, #tpu.memory_space<vmem>> -> memref<8x128xf32, #tpu.memory_space<vmem>>
    %dma_start3A_40 = arith.constant 16 : i32
    %dma_start3A_41 = tpu.memref_slice %arg2[%dma_start3A_40, %mul3A_34] : memref<32x1000000xf32, #tpu.memory_space<hbm>> -> memref<8x128xf32, #tpu.memory_space<hbm>>
    %dma_start3A_42 = arith.constant 0 : i32
    %dma_start3A_43 = arith.constant 0 : i32
    %dma_start3A_44 = tpu.memref_slice %arg5[%dma_start3A_35, %dma_start3A_42, %dma_start3A_43] : memref<4x8x128xf32, #tpu.memory_space<vmem>> -> memref<1x8x128xf32, #tpu.memory_space<vmem>>
    %dma_start3A_45 = tpu.memref_squeeze %dma_start3A_44 : memref<1x8x128xf32, #tpu.memory_space<vmem>> -> memref<8x128xf32, #tpu.memory_space<vmem>>
    %dma_start3A_46 = arith.constant 16 : i32
    %dma_start3A_47 = tpu.memref_slice %arg2[%dma_start3A_46, %mul3A_34] : memref<32x1000000xf32, #tpu.memory_space<hbm>> -> memref<8x128xf32, #tpu.memory_space<hbm>>
    tpu.enqueue_dma source(%dma_start3A_47 : memref<8x128xf32, #tpu.memory_space<hbm>>) target(%dma_start3A_45 : memref<8x128xf32, #tpu.memory_space<vmem>>) target_semaphore(%arg10 : memref<!tpu.dma_semaphore, #tpu.memory_space<semaphore_mem>>)
    %mul3A_48 = arith.constant 128 : i32
    %mul3A_49 = arith.muli %add3A, %mul3A_48 : i32
    %dma_start3A_50 = arith.constant 3 : i32
    %dma_start3A_51 = arith.constant 0 : i32
    %dma_start3A_52 = arith.constant 0 : i32
    %dma_start3A_53 = tpu.memref_slice %arg5[%dma_start3A_50, %dma_start3A_51, %dma_start3A_52] : memref<4x8x128xf32, #tpu.memory_space<vmem>> -> memref<1x8x128xf32, #tpu.memory_space<vmem>>
    %dma_start3A_54 = tpu.memref_squeeze %dma_start3A_53 : memref<1x8x128xf32, #tpu.memory_space<vmem>> -> memref<8x128xf32, #tpu.memory_space<vmem>>
    %dma_start3A_55 = arith.constant 24 : i32
    %dma_start3A_56 = tpu.memref_slice %arg2[%dma_start3A_55, %mul3A_49] : memref<32x1000000xf32, #tpu.memory_space<hbm>> -> memref<8x128xf32, #tpu.memory_space<hbm>>
    %dma_start3A_57 = arith.constant 0 : i32
    %dma_start3A_58 = arith.constant 0 : i32
    %dma_start3A_59 = tpu.memref_slice %arg5[%dma_start3A_50, %dma_start3A_57, %dma_start3A_58] : memref<4x8x128xf32, #tpu.memory_space<vmem>> -> memref<1x8x128xf32, #tpu.memory_space<vmem>>
    %dma_start3A_60 = tpu.memref_squeeze %dma_start3A_59 : memref<1x8x128xf32, #tpu.memory_space<vmem>> -> memref<8x128xf32, #tpu.memory_space<vmem>>
    %dma_start3A_61 = arith.constant 24 : i32
    %dma_start3A_62 = tpu.memref_slice %arg2[%dma_start3A_61, %mul3A_49] : memref<32x1000000xf32, #tpu.memory_space<hbm>> -> memref<8x128xf32, #tpu.memory_space<hbm>>
    tpu.enqueue_dma source(%dma_start3A_62 : memref<8x128xf32, #tpu.memory_space<hbm>>) target(%dma_start3A_60 : memref<8x128xf32, #tpu.memory_space<vmem>>) target_semaphore(%arg10 : memref<!tpu.dma_semaphore, #tpu.memory_space<semaphore_mem>>)
    %scan3A = arith.constant 0 : i32
    %scan3A_63 = arith.constant 0 : i32
    %scan3A_64 = arith.constant 122 : i32
    %scan3A_65 = arith.addi %scan3A_63, %scan3A_64 : i32
    %scan3A_66 = arith.constant 1 : i32
    scf.for %scan3A_85 = %scan3A_63 to %scan3A_65 step %scan3A_66  : i32 {
      %mul3A_86 = arith.constant 64 : i32
      %mul3A_87 = arith.muli %mul3A_86, %scan3A_85 : i32
      %add3A_88 = arith.addi %add3A, %mul3A_87 : i32
      %add3A_89 = arith.constant 32 : i32
      %add3A_90 = arith.addi %add3A_88, %add3A_89 : i32
      %mul3A_91 = arith.constant 128 : i32
      %mul3A_92 = arith.muli %add3A_90, %mul3A_91 : i32
      %dma_start3A_93 = arith.constant 0 : i32
      %dma_start3A_94 = arith.constant 0 : i32
      %dma_start3A_95 = arith.constant 0 : i32
      %dma_start3A_96 = tpu.memref_slice %arg6[%dma_start3A_93, %dma_start3A_94, %dma_start3A_95] : memref<4x8x128xf32, #tpu.memory_space<vmem>> -> memref<1x8x128xf32, #tpu.memory_space<vmem>>
      %dma_start3A_97 = tpu.memref_squeeze %dma_start3A_96 : memref<1x8x128xf32, #tpu.memory_space<vmem>> -> memref<8x128xf32, #tpu.memory_space<vmem>>
      %dma_start3A_98 = arith.constant 0 : i32
      %dma_start3A_99 = tpu.memref_slice %arg2[%dma_start3A_98, %mul3A_92] : memref<32x1000000xf32, #tpu.memory_space<hbm>> -> memref<8x128xf32, #tpu.memory_space<hbm>>
      %dma_start3A_100 = arith.constant 0 : i32
      %dma_start3A_101 = arith.constant 0 : i32
      %dma_start3A_102 = tpu.memref_slice %arg6[%dma_start3A_93, %dma_start3A_100, %dma_start3A_101] : memref<4x8x128xf32, #tpu.memory_space<vmem>> -> memref<1x8x128xf32, #tpu.memory_space<vmem>>
      %dma_start3A_103 = tpu.memref_squeeze %dma_start3A_102 : memref<1x8x128xf32, #tpu.memory_space<vmem>> -> memref<8x128xf32, #tpu.memory_space<vmem>>
      %dma_start3A_104 = arith.constant 0 : i32
      %dma_start3A_105 = tpu.memref_slice %arg2[%dma_start3A_104, %mul3A_92] : memref<32x1000000xf32, #tpu.memory_space<hbm>> -> memref<8x128xf32, #tpu.memory_space<hbm>>
      tpu.enqueue_dma source(%dma_start3A_105 : memref<8x128xf32, #tpu.memory_space<hbm>>) target(%dma_start3A_103 : memref<8x128xf32, #tpu.memory_space<vmem>>) target_semaphore(%arg11 : memref<!tpu.dma_semaphore, #tpu.memory_space<semaphore_mem>>)
      %mul3A_106 = arith.constant 128 : i32
      %mul3A_107 = arith.muli %add3A_90, %mul3A_106 : i32
      %dma_start3A_108 = arith.constant 1 : i32
      %dma_start3A_109 = arith.constant 0 : i32
      %dma_start3A_110 = arith.constant 0 : i32
      %dma_start3A_111 = tpu.memref_slice %arg6[%dma_start3A_108, %dma_start3A_109, %dma_start3A_110] : memref<4x8x128xf32, #tpu.memory_space<vmem>> -> memref<1x8x128xf32, #tpu.memory_space<vmem>>
      %dma_start3A_112 = tpu.memref_squeeze %dma_start3A_111 : memref<1x8x128xf32, #tpu.memory_space<vmem>> -> memref<8x128xf32, #tpu.memory_space<vmem>>
      %dma_start3A_113 = arith.constant 8 : i32
      %dma_start3A_114 = tpu.memref_slice %arg2[%dma_start3A_113, %mul3A_107] : memref<32x1000000xf32, #tpu.memory_space<hbm>> -> memref<8x128xf32, #tpu.memory_space<hbm>>
      %dma_start3A_115 = arith.constant 0 : i32
      %dma_start3A_116 = arith.constant 0 : i32
      %dma_start3A_117 = tpu.memref_slice %arg6[%dma_start3A_108, %dma_start3A_115, %dma_start3A_116] : memref<4x8x128xf32, #tpu.memory_space<vmem>> -> memref<1x8x128xf32, #tpu.memory_space<vmem>>
      %dma_start3A_118 = tpu.memref_squeeze %dma_start3A_117 : memref<1x8x128xf32, #tpu.memory_space<vmem>> -> memref<8x128xf32, #tpu.memory_space<vmem>>
      %dma_start3A_119 = arith.constant 8 : i32
      %dma_start3A_120 = tpu.memref_slice %arg2[%dma_start3A_119, %mul3A_107] : memref<32x1000000xf32, #tpu.memory_space<hbm>> -> memref<8x128xf32, #tpu.memory_space<hbm>>
      tpu.enqueue_dma source(%dma_start3A_120 : memref<8x128xf32, #tpu.memory_space<hbm>>) target(%dma_start3A_118 : memref<8x128xf32, #tpu.memory_space<vmem>>) target_semaphore(%arg11 : memref<!tpu.dma_semaphore, #tpu.memory_space<semaphore_mem>>)
      %mul3A_121 = arith.constant 128 : i32
      %mul3A_122 = arith.muli %add3A_90, %mul3A_121 : i32
      %dma_start3A_123 = arith.constant 2 : i32
      %dma_start3A_124 = arith.constant 0 : i32
      %dma_start3A_125 = arith.constant 0 : i32
      %dma_start3A_126 = tpu.memref_slice %arg6[%dma_start3A_123, %dma_start3A_124, %dma_start3A_125] : memref<4x8x128xf32, #tpu.memory_space<vmem>> -> memref<1x8x128xf32, #tpu.memory_space<vmem>>
      %dma_start3A_127 = tpu.memref_squeeze %dma_start3A_126 : memref<1x8x128xf32, #tpu.memory_space<vmem>> -> memref<8x128xf32, #tpu.memory_space<vmem>>
      %dma_start3A_128 = arith.constant 16 : i32
      %dma_start3A_129 = tpu.memref_slice %arg2[%dma_start3A_128, %mul3A_122] : memref<32x1000000xf32, #tpu.memory_space<hbm>> -> memref<8x128xf32, #tpu.memory_space<hbm>>
      %dma_start3A_130 = arith.constant 0 : i32
      %dma_start3A_131 = arith.constant 0 : i32
      %dma_start3A_132 = tpu.memref_slice %arg6[%dma_start3A_123, %dma_start3A_130, %dma_start3A_131] : memref<4x8x128xf32, #tpu.memory_space<vmem>> -> memref<1x8x128xf32, #tpu.memory_space<vmem>>
      %dma_start3A_133 = tpu.memref_squeeze %dma_start3A_132 : memref<1x8x128xf32, #tpu.memory_space<vmem>> -> memref<8x128xf32, #tpu.memory_space<vmem>>
      %dma_start3A_134 = arith.constant 16 : i32
      %dma_start3A_135 = tpu.memref_slice %arg2[%dma_start3A_134, %mul3A_122] : memref<32x1000000xf32, #tpu.memory_space<hbm>> -> memref<8x128xf32, #tpu.memory_space<hbm>>
      tpu.enqueue_dma source(%dma_start3A_135 : memref<8x128xf32, #tpu.memory_space<hbm>>) target(%dma_start3A_133 : memref<8x128xf32, #tpu.memory_space<vmem>>) target_semaphore(%arg11 : memref<!tpu.dma_semaphore, #tpu.memory_space<semaphore_mem>>)
      %mul3A_136 = arith.constant 128 : i32
      %mul3A_137 = arith.muli %add3A_90, %mul3A_136 : i32
      %dma_start3A_138 = arith.constant 3 : i32
      %dma_start3A_139 = arith.constant 0 : i32
      %dma_start3A_140 = arith.constant 0 : i32
      %dma_start3A_141 = tpu.memref_slice %arg6[%dma_start3A_138, %dma_start3A_139, %dma_start3A_140] : memref<4x8x128xf32, #tpu.memory_space<vmem>> -> memref<1x8x128xf32, #tpu.memory_space<vmem>>
      %dma_start3A_142 = tpu.memref_squeeze %dma_start3A_141 : memref<1x8x128xf32, #tpu.memory_space<vmem>> -> memref<8x128xf32, #tpu.memory_space<vmem>>
      %dma_start3A_143 = arith.constant 24 : i32
      %dma_start3A_144 = tpu.memref_slice %arg2[%dma_start3A_143, %mul3A_137] : memref<32x1000000xf32, #tpu.memory_space<hbm>> -> memref<8x128xf32, #tpu.memory_space<hbm>>
      %dma_start3A_145 = arith.constant 0 : i32
      %dma_start3A_146 = arith.constant 0 : i32
      %dma_start3A_147 = tpu.memref_slice %arg6[%dma_start3A_138, %dma_start3A_145, %dma_start3A_146] : memref<4x8x128xf32, #tpu.memory_space<vmem>> -> memref<1x8x128xf32, #tpu.memory_space<vmem>>
      %dma_start3A_148 = tpu.memref_squeeze %dma_start3A_147 : memref<1x8x128xf32, #tpu.memory_space<vmem>> -> memref<8x128xf32, #tpu.memory_space<vmem>>
      %dma_start3A_149 = arith.constant 24 : i32
      %dma_start3A_150 = tpu.memref_slice %arg2[%dma_start3A_149, %mul3A_137] : memref<32x1000000xf32, #tpu.memory_space<hbm>> -> memref<8x128xf32, #tpu.memory_space<hbm>>
      tpu.enqueue_dma source(%dma_start3A_150 : memref<8x128xf32, #tpu.memory_space<hbm>>) target(%dma_start3A_148 : memref<8x128xf32, #tpu.memory_space<vmem>>) target_semaphore(%arg11 : memref<!tpu.dma_semaphore, #tpu.memory_space<semaphore_mem>>)
      %dma_wait3A_151 = arith.constant 0 : i32
      %dma_wait3A_152 = arith.constant 0 : i32
      %dma_wait3A_153 = arith.constant 0 : i32
      %dma_wait3A_154 = tpu.memref_slice %arg5[%dma_wait3A_151, %dma_wait3A_152, %dma_wait3A_153] : memref<4x8x128xf32, #tpu.memory_space<vmem>> -> memref<1x8x128xf32, #tpu.memory_space<vmem>>
      %dma_wait3A_155 = tpu.memref_squeeze %dma_wait3A_154 : memref<1x8x128xf32, #tpu.memory_space<vmem>> -> memref<8x128xf32, #tpu.memory_space<vmem>>
      %dma_wait3A_156 = arith.constant 0 : i32
      %dma_wait3A_157 = arith.constant 0 : i32
      %dma_wait3A_158 = tpu.memref_slice %arg2[%dma_wait3A_156, %dma_wait3A_157] : memref<32x1000000xf32, #tpu.memory_space<hbm>> -> memref<8x128xf32, #tpu.memory_space<hbm>>
      %dma_wait3A_159 = arith.constant 0 : i32
      %dma_wait3A_160 = arith.constant 0 : i32
      %dma_wait3A_161 = tpu.memref_slice %arg5[%dma_wait3A_151, %dma_wait3A_159, %dma_wait3A_160] : memref<4x8x128xf32, #tpu.memory_space<vmem>> -> memref<1x8x128xf32, #tpu.memory_space<vmem>>
      %dma_wait3A_162 = tpu.memref_squeeze %dma_wait3A_161 : memref<1x8x128xf32, #tpu.memory_space<vmem>> -> memref<8x128xf32, #tpu.memory_space<vmem>>
      %dma_wait3A_163 = arith.constant 0 : i32
      %dma_wait3A_164 = arith.constant 0 : i32
      %dma_wait3A_165 = tpu.memref_slice %arg2[%dma_wait3A_163, %dma_wait3A_164] : memref<32x1000000xf32, #tpu.memory_space<hbm>> -> memref<8x128xf32, #tpu.memory_space<hbm>>
      tpu.wait_dma2 semaphore(%arg10 : memref<!tpu.dma_semaphore, #tpu.memory_space<semaphore_mem>>) src(%dma_wait3A_165 : memref<8x128xf32, #tpu.memory_space<hbm>>) dst(%dma_wait3A_162 : memref<8x128xf32, #tpu.memory_space<vmem>>)
      %dma_wait3A_166 = arith.constant 1 : i32
      %dma_wait3A_167 = arith.constant 0 : i32
      %dma_wait3A_168 = arith.constant 0 : i32
      %dma_wait3A_169 = tpu.memref_slice %arg5[%dma_wait3A_166, %dma_wait3A_167, %dma_wait3A_168] : memref<4x8x128xf32, #tpu.memory_space<vmem>> -> memref<1x8x128xf32, #tpu.memory_space<vmem>>
      %dma_wait3A_170 = tpu.memref_squeeze %dma_wait3A_169 : memref<1x8x128xf32, #tpu.memory_space<vmem>> -> memref<8x128xf32, #tpu.memory_space<vmem>>
      %dma_wait3A_171 = arith.constant 0 : i32
      %dma_wait3A_172 = arith.constant 0 : i32
      %dma_wait3A_173 = tpu.memref_slice %arg2[%dma_wait3A_171, %dma_wait3A_172] : memref<32x1000000xf32, #tpu.memory_space<hbm>> -> memref<8x128xf32, #tpu.memory_space<hbm>>
      %dma_wait3A_174 = arith.constant 0 : i32
      %dma_wait3A_175 = arith.constant 0 : i32
      %dma_wait3A_176 = tpu.memref_slice %arg5[%dma_wait3A_166, %dma_wait3A_174, %dma_wait3A_175] : memref<4x8x128xf32, #tpu.memory_space<vmem>> -> memref<1x8x128xf32, #tpu.memory_space<vmem>>
      %dma_wait3A_177 = tpu.memref_squeeze %dma_wait3A_176 : memref<1x8x128xf32, #tpu.memory_space<vmem>> -> memref<8x128xf32, #tpu.memory_space<vmem>>
      %dma_wait3A_178 = arith.constant 0 : i32
      %dma_wait3A_179 = arith.constant 0 : i32
      %dma_wait3A_180 = tpu.memref_slice %arg2[%dma_wait3A_178, %dma_wait3A_179] : memref<32x1000000xf32, #tpu.memory_space<hbm>> -> memref<8x128xf32, #tpu.memory_space<hbm>>
      tpu.wait_dma2 semaphore(%arg10 : memref<!tpu.dma_semaphore, #tpu.memory_space<semaphore_mem>>) src(%dma_wait3A_180 : memref<8x128xf32, #tpu.memory_space<hbm>>) dst(%dma_wait3A_177 : memref<8x128xf32, #tpu.memory_space<vmem>>)
      %dma_wait3A_181 = arith.constant 2 : i32
      %dma_wait3A_182 = arith.constant 0 : i32
      %dma_wait3A_183 = arith.constant 0 : i32
      %dma_wait3A_184 = tpu.memref_slice %arg5[%dma_wait3A_181, %dma_wait3A_182, %dma_wait3A_183] : memref<4x8x128xf32, #tpu.memory_space<vmem>> -> memref<1x8x128xf32, #tpu.memory_space<vmem>>
      %dma_wait3A_185 = tpu.memref_squeeze %dma_wait3A_184 : memref<1x8x128xf32, #tpu.memory_space<vmem>> -> memref<8x128xf32, #tpu.memory_space<vmem>>
      %dma_wait3A_186 = arith.constant 0 : i32
      %dma_wait3A_187 = arith.constant 0 : i32
      %dma_wait3A_188 = tpu.memref_slice %arg2[%dma_wait3A_186, %dma_wait3A_187] : memref<32x1000000xf32, #tpu.memory_space<hbm>> -> memref<8x128xf32, #tpu.memory_space<hbm>>
      %dma_wait3A_189 = arith.constant 0 : i32
      %dma_wait3A_190 = arith.constant 0 : i32
      %dma_wait3A_191 = tpu.memref_slice %arg5[%dma_wait3A_181, %dma_wait3A_189, %dma_wait3A_190] : memref<4x8x128xf32, #tpu.memory_space<vmem>> -> memref<1x8x128xf32, #tpu.memory_space<vmem>>
      %dma_wait3A_192 = tpu.memref_squeeze %dma_wait3A_191 : memref<1x8x128xf32, #tpu.memory_space<vmem>> -> memref<8x128xf32, #tpu.memory_space<vmem>>
      %dma_wait3A_193 = arith.constant 0 : i32
      %dma_wait3A_194 = arith.constant 0 : i32
      %dma_wait3A_195 = tpu.memref_slice %arg2[%dma_wait3A_193, %dma_wait3A_194] : memref<32x1000000xf32, #tpu.memory_space<hbm>> -> memref<8x128xf32, #tpu.memory_space<hbm>>
      tpu.wait_dma2 semaphore(%arg10 : memref<!tpu.dma_semaphore, #tpu.memory_space<semaphore_mem>>) src(%dma_wait3A_195 : memref<8x128xf32, #tpu.memory_space<hbm>>) dst(%dma_wait3A_192 : memref<8x128xf32, #tpu.memory_space<vmem>>)
      %dma_wait3A_196 = arith.constant 3 : i32
      %dma_wait3A_197 = arith.constant 0 : i32
      %dma_wait3A_198 = arith.constant 0 : i32
      %dma_wait3A_199 = tpu.memref_slice %arg5[%dma_wait3A_196, %dma_wait3A_197, %dma_wait3A_198] : memref<4x8x128xf32, #tpu.memory_space<vmem>> -> memref<1x8x128xf32, #tpu.memory_space<vmem>>
      %dma_wait3A_200 = tpu.memref_squeeze %dma_wait3A_199 : memref<1x8x128xf32, #tpu.memory_space<vmem>> -> memref<8x128xf32, #tpu.memory_space<vmem>>
      %dma_wait3A_201 = arith.constant 0 : i32
      %dma_wait3A_202 = arith.constant 0 : i32
      %dma_wait3A_203 = tpu.memref_slice %arg2[%dma_wait3A_201, %dma_wait3A_202] : memref<32x1000000xf32, #tpu.memory_space<hbm>> -> memref<8x128xf32, #tpu.memory_space<hbm>>
      %dma_wait3A_204 = arith.constant 0 : i32
      %dma_wait3A_205 = arith.constant 0 : i32
      %dma_wait3A_206 = tpu.memref_slice %arg5[%dma_wait3A_196, %dma_wait3A_204, %dma_wait3A_205] : memref<4x8x128xf32, #tpu.memory_space<vmem>> -> memref<1x8x128xf32, #tpu.memory_space<vmem>>
      %dma_wait3A_207 = tpu.memref_squeeze %dma_wait3A_206 : memref<1x8x128xf32, #tpu.memory_space<vmem>> -> memref<8x128xf32, #tpu.memory_space<vmem>>
      %dma_wait3A_208 = arith.constant 0 : i32
      %dma_wait3A_209 = arith.constant 0 : i32
      %dma_wait3A_210 = tpu.memref_slice %arg2[%dma_wait3A_208, %dma_wait3A_209] : memref<32x1000000xf32, #tpu.memory_space<hbm>> -> memref<8x128xf32, #tpu.memory_space<hbm>>
      tpu.wait_dma2 semaphore(%arg10 : memref<!tpu.dma_semaphore, #tpu.memory_space<semaphore_mem>>) src(%dma_wait3A_210 : memref<8x128xf32, #tpu.memory_space<hbm>>) dst(%dma_wait3A_207 : memref<8x128xf32, #tpu.memory_space<vmem>>)
      %gt3A = arith.constant 0 : i32
      %gt3A_211 = arith.cmpi sgt, %scan3A_85, %gt3A : i32
      %convert_element_type3A_212 = arith.extui %gt3A_211 : i1 to i32
      %cond3A_213 = arith.constant 0 : i32
      %cond3A_214 = arith.cmpi ne, %convert_element_type3A_212, %cond3A_213 : i32
      scf.if %cond3A_214 {
        %dma_wait3A_312 = arith.constant 0 : i32
        %dma_wait3A_313 = tpu.memref_slice %arg4[%dma_wait3A_312] : memref<32000000xf32, #tpu.memory_space<hbm>> -> memref<4096xf32, #tpu.memory_space<hbm>>
        %dma_wait3A_314 = arith.constant 0 : i32
        %dma_wait3A_315 = tpu.memref_slice %arg4[%dma_wait3A_314] : memref<32000000xf32, #tpu.memory_space<hbm>> -> memref<4096xf32, #tpu.memory_space<hbm>>
        tpu.wait_dma2 semaphore(%arg12 : memref<!tpu.dma_semaphore, #tpu.memory_space<semaphore_mem>>) src(%dma_wait3A_315 : memref<4096xf32, #tpu.memory_space<hbm>>) dst(%arg7 : memref<4096xf32, #tpu.memory_space<vmem>>)
      } else {
      }
      %parallel_loop3A = arith.constant 0 : i32
      %parallel_loop3A_215 = arith.constant 256 : i32
      %parallel_loop3A_216 = arith.constant 1 : i32
      scf.for %parallel_loop3A_312 = %parallel_loop3A to %parallel_loop3A_215 step %parallel_loop3A_216  : i32 {
        %parallel_loop3A_313 = arith.constant 3 : i32
        %parallel_loop3A_314 = arith.shrsi %parallel_loop3A_312, %parallel_loop3A_313 : i32
        %parallel_loop3A_315 = arith.constant 7 : i32
        %parallel_loop3A_316 = arith.andi %parallel_loop3A_312, %parallel_loop3A_315 : i32
        %parallel_loop3A_317 = arith.constant 3 : i32
        %parallel_loop3A_318 = arith.shrsi %parallel_loop3A_314, %parallel_loop3A_317 : i32
        %parallel_loop3A_319 = arith.constant 7 : i32
        %parallel_loop3A_320 = arith.andi %parallel_loop3A_314, %parallel_loop3A_319 : i32
        %parallel_loop3A_321 = arith.constant 16 : i32
        %parallel_loop3A_322 = arith.muli %parallel_loop3A_316, %parallel_loop3A_321 : i32
        %parallel_loop3A_323 = arith.index_cast %parallel_loop3A_318 : i32 to index
        %parallel_loop3A_324 = arith.index_cast %parallel_loop3A_320 : i32 to index
        %parallel_loop3A_325 = arith.index_cast %parallel_loop3A_322 : i32 to index
        %parallel_loop3A_326 = tpu.vector_load %arg5[%parallel_loop3A_323, %parallel_loop3A_324, %parallel_loop3A_325] {strides = array<i32>} : memref<4x8x128xf32, #tpu.memory_space<vmem>>, vector<16xf32>,
        %parallel_loop3A_327 = arith.constant 16 : i32
        %parallel_loop3A_328 = arith.muli %parallel_loop3A_316, %parallel_loop3A_327 : i32
        %parallel_loop3A_329 = arith.constant 33 : i32
        %parallel_loop3A_330 = arith.muli %parallel_loop3A_328, %parallel_loop3A_329 : i32
        %parallel_loop3A_331 = arith.addi %parallel_loop3A_330, %parallel_loop3A_314 : i32
        %parallel_loop3A_332 = vector.broadcast %parallel_loop3A_331 : i32 to vector<16xi32>
        %parallel_loop3A_333 = arith.addi %mul3A_3, %parallel_loop3A_332 : vector<16xi32>
        tpu.vector_store_idx %arg9[%parallel_loop3A_333], %parallel_loop3A_326 : memref<4224xf32, #tpu.memory_space<vmem>>[vector<16xi32>], vector<16xf32>,
      } {sc.loop_unroll_factor = 16 : i64, sc.parallel_access}
      %parallel_loop3A_217 = arith.constant 0 : i32
      %parallel_loop3A_218 = arith.constant 256 : i32
      %parallel_loop3A_219 = arith.constant 1 : i32
      scf.for %parallel_loop3A_312 = %parallel_loop3A_217 to %parallel_loop3A_218 step %parallel_loop3A_219  : i32 {
        %parallel_loop3A_313 = arith.constant 4 : i32
        %parallel_loop3A_314 = arith.shli %parallel_loop3A_312, %parallel_loop3A_313 : i32
        %parallel_loop3A_315 = arith.constant 1 : i32
        %parallel_loop3A_316 = arith.shrsi %parallel_loop3A_312, %parallel_loop3A_315 : i32
        %parallel_loop3A_317 = arith.addi %parallel_loop3A_314, %parallel_loop3A_316 : i32
        %parallel_loop3A_318 = arith.index_cast %parallel_loop3A_317 : i32 to index
        %parallel_loop3A_319 = tpu.vector_load %arg9[%parallel_loop3A_318] {strides = array<i32>} : memref<4224xf32, #tpu.memory_space<vmem>>, vector<16xf32>,
        %parallel_loop3A_320 = arith.constant 16 : i32
        %parallel_loop3A_321 = arith.muli %parallel_loop3A_312, %parallel_loop3A_320 : i32
        %parallel_loop3A_322 = arith.index_cast %parallel_loop3A_321 : i32 to index
        %parallel_loop3A_323 = tpu.vector_load %arg7[%parallel_loop3A_322] {strides = array<i32>} : memref<4096xf32, #tpu.memory_space<vmem>>, vector<16xf32>,
        tpu.vector_store %arg7[%parallel_loop3A_322], %parallel_loop3A_319 {strides = array<i32>} : memref<4096xf32, #tpu.memory_space<vmem>>, vector<16xf32>,
      } {sc.loop_unroll_factor = 16 : i64, sc.parallel_access}
      %mul3A_220 = arith.constant 128 : i32
      %mul3A_221 = arith.muli %add3A_88, %mul3A_220 : i32
      %mul3A_222 = arith.constant 32 : i32
      %mul3A_223 = arith.muli %mul3A_221, %mul3A_222 : i32
      %dma_start3A_224 = tpu.memref_slice %arg4[%mul3A_223] : memref<32000000xf32, #tpu.memory_space<hbm>> -> memref<4096xf32, #tpu.memory_space<hbm>>
      %dma_start3A_225 = tpu.memref_slice %arg4[%mul3A_223] : memref<32000000xf32, #tpu.memory_space<hbm>> -> memref<4096xf32, #tpu.memory_space<hbm>>
      tpu.enqueue_dma source(%arg7 : memref<4096xf32, #tpu.memory_space<vmem>>) target(%dma_start3A_225 : memref<4096xf32, #tpu.memory_space<hbm>>) target_semaphore(%arg12 : memref<!tpu.dma_semaphore, #tpu.memory_space<semaphore_mem>>)
      %add3A_226 = arith.constant 1 : i32
      %add3A_227 = arith.addi %scan3A_85, %add3A_226 : i32
      %lt3A_228 = arith.constant 122 : i32
      %lt3A_229 = arith.cmpi slt, %add3A_227, %lt3A_228 : i32
      %convert_element_type3A_230 = arith.extui %lt3A_229 : i1 to i32
      %cond3A_231 = arith.constant 0 : i32
      %cond3A_232 = arith.cmpi ne, %convert_element_type3A_230, %cond3A_231 : i32
      scf.if %cond3A_232 {
        %add3A_312 = arith.constant 64 : i32
        %add3A_313 = arith.addi %add3A_88, %add3A_312 : i32
        %mul3A_314 = arith.constant 128 : i32
        %mul3A_315 = arith.muli %add3A_313, %mul3A_314 : i32
        %dma_start3A_316 = arith.constant 0 : i32
        %dma_start3A_317 = arith.constant 0 : i32
        %dma_start3A_318 = arith.constant 0 : i32
        %dma_start3A_319 = tpu.memref_slice %arg5[%dma_start3A_316, %dma_start3A_317, %dma_start3A_318] : memref<4x8x128xf32, #tpu.memory_space<vmem>> -> memref<1x8x128xf32, #tpu.memory_space<vmem>>
        %dma_start3A_320 = tpu.memref_squeeze %dma_start3A_319 : memref<1x8x128xf32, #tpu.memory_space<vmem>> -> memref<8x128xf32, #tpu.memory_space<vmem>>
        %dma_start3A_321 = arith.constant 0 : i32
        %dma_start3A_322 = tpu.memref_slice %arg2[%dma_start3A_321, %mul3A_315] : memref<32x1000000xf32, #tpu.memory_space<hbm>> -> memref<8x128xf32, #tpu.memory_space<hbm>>
        %dma_start3A_323 = arith.constant 0 : i32
        %dma_start3A_324 = arith.constant 0 : i32
        %dma_start3A_325 = tpu.memref_slice %arg5[%dma_start3A_316, %dma_start3A_323, %dma_start3A_324] : memref<4x8x128xf32, #tpu.memory_space<vmem>> -> memref<1x8x128xf32, #tpu.memory_space<vmem>>
        %dma_start3A_326 = tpu.memref_squeeze %dma_start3A_325 : memref<1x8x128xf32, #tpu.memory_space<vmem>> -> memref<8x128xf32, #tpu.memory_space<vmem>>
        %dma_start3A_327 = arith.constant 0 : i32
        %dma_start3A_328 = tpu.memref_slice %arg2[%dma_start3A_327, %mul3A_315] : memref<32x1000000xf32, #tpu.memory_space<hbm>> -> memref<8x128xf32, #tpu.memory_space<hbm>>
        tpu.enqueue_dma source(%dma_start3A_328 : memref<8x128xf32, #tpu.memory_space<hbm>>) target(%dma_start3A_326 : memref<8x128xf32, #tpu.memory_space<vmem>>) target_semaphore(%arg10 : memref<!tpu.dma_semaphore, #tpu.memory_space<semaphore_mem>>)
        %mul3A_329 = arith.constant 128 : i32
        %mul3A_330 = arith.muli %add3A_313, %mul3A_329 : i32
        %dma_start3A_331 = arith.constant 1 : i32
        %dma_start3A_332 = arith.constant 0 : i32
        %dma_start3A_333 = arith.constant 0 : i32
        %dma_start3A_334 = tpu.memref_slice %arg5[%dma_start3A_331, %dma_start3A_332, %dma_start3A_333] : memref<4x8x128xf32, #tpu.memory_space<vmem>> -> memref<1x8x128xf32, #tpu.memory_space<vmem>>
        %dma_start3A_335 = tpu.memref_squeeze %dma_start3A_334 : memref<1x8x128xf32, #tpu.memory_space<vmem>> -> memref<8x128xf32, #tpu.memory_space<vmem>>
        %dma_start3A_336 = arith.constant 8 : i32
        %dma_start3A_337 = tpu.memref_slice %arg2[%dma_start3A_336, %mul3A_330] : memref<32x1000000xf32, #tpu.memory_space<hbm>> -> memref<8x128xf32, #tpu.memory_space<hbm>>
        %dma_start3A_338 = arith.constant 0 : i32
        %dma_start3A_339 = arith.constant 0 : i32
        %dma_start3A_340 = tpu.memref_slice %arg5[%dma_start3A_331, %dma_start3A_338, %dma_start3A_339] : memref<4x8x128xf32, #tpu.memory_space<vmem>> -> memref<1x8x128xf32, #tpu.memory_space<vmem>>
        %dma_start3A_341 = tpu.memref_squeeze %dma_start3A_340 : memref<1x8x128xf32, #tpu.memory_space<vmem>> -> memref<8x128xf32, #tpu.memory_space<vmem>>
        %dma_start3A_342 = arith.constant 8 : i32
        %dma_start3A_343 = tpu.memref_slice %arg2[%dma_start3A_342, %mul3A_330] : memref<32x1000000xf32, #tpu.memory_space<hbm>> -> memref<8x128xf32, #tpu.memory_space<hbm>>
        tpu.enqueue_dma source(%dma_start3A_343 : memref<8x128xf32, #tpu.memory_space<hbm>>) target(%dma_start3A_341 : memref<8x128xf32, #tpu.memory_space<vmem>>) target_semaphore(%arg10 : memref<!tpu.dma_semaphore, #tpu.memory_space<semaphore_mem>>)
        %mul3A_344 = arith.constant 128 : i32
        %mul3A_345 = arith.muli %add3A_313, %mul3A_344 : i32
        %dma_start3A_346 = arith.constant 2 : i32
        %dma_start3A_347 = arith.constant 0 : i32
        %dma_start3A_348 = arith.constant 0 : i32
        %dma_start3A_349 = tpu.memref_slice %arg5[%dma_start3A_346, %dma_start3A_347, %dma_start3A_348] : memref<4x8x128xf32, #tpu.memory_space<vmem>> -> memref<1x8x128xf32, #tpu.memory_space<vmem>>
        %dma_start3A_350 = tpu.memref_squeeze %dma_start3A_349 : memref<1x8x128xf32, #tpu.memory_space<vmem>> -> memref<8x128xf32, #tpu.memory_space<vmem>>
        %dma_start3A_351 = arith.constant 16 : i32
        %dma_start3A_352 = tpu.memref_slice %arg2[%dma_start3A_351, %mul3A_345] : memref<32x1000000xf32, #tpu.memory_space<hbm>> -> memref<8x128xf32, #tpu.memory_space<hbm>>
        %dma_start3A_353 = arith.constant 0 : i32
        %dma_start3A_354 = arith.constant 0 : i32
        %dma_start3A_355 = tpu.memref_slice %arg5[%dma_start3A_346, %dma_start3A_353, %dma_start3A_354] : memref<4x8x128xf32, #tpu.memory_space<vmem>> -> memref<1x8x128xf32, #tpu.memory_space<vmem>>
        %dma_start3A_356 = tpu.memref_squeeze %dma_start3A_355 : memref<1x8x128xf32, #tpu.memory_space<vmem>> -> memref<8x128xf32, #tpu.memory_space<vmem>>
        %dma_start3A_357 = arith.constant 16 : i32
        %dma_start3A_358 = tpu.memref_slice %arg2[%dma_start3A_357, %mul3A_345] : memref<32x1000000xf32, #tpu.memory_space<hbm>> -> memref<8x128xf32, #tpu.memory_space<hbm>>
        tpu.enqueue_dma source(%dma_start3A_358 : memref<8x128xf32, #tpu.memory_space<hbm>>) target(%dma_start3A_356 : memref<8x128xf32, #tpu.memory_space<vmem>>) target_semaphore(%arg10 : memref<!tpu.dma_semaphore, #tpu.memory_space<semaphore_mem>>)
        %mul3A_359 = arith.constant 128 : i32
        %mul3A_360 = arith.muli %add3A_313, %mul3A_359 : i32
        %dma_start3A_361 = arith.constant 3 : i32
        %dma_start3A_362 = arith.constant 0 : i32
        %dma_start3A_363 = arith.constant 0 : i32
        %dma_start3A_364 = tpu.memref_slice %arg5[%dma_start3A_361, %dma_start3A_362, %dma_start3A_363] : memref<4x8x128xf32, #tpu.memory_space<vmem>> -> memref<1x8x128xf32, #tpu.memory_space<vmem>>
        %dma_start3A_365 = tpu.memref_squeeze %dma_start3A_364 : memref<1x8x128xf32, #tpu.memory_space<vmem>> -> memref<8x128xf32, #tpu.memory_space<vmem>>
        %dma_start3A_366 = arith.constant 24 : i32
        %dma_start3A_367 = tpu.memref_slice %arg2[%dma_start3A_366, %mul3A_360] : memref<32x1000000xf32, #tpu.memory_space<hbm>> -> memref<8x128xf32, #tpu.memory_space<hbm>>
        %dma_start3A_368 = arith.constant 0 : i32
        %dma_start3A_369 = arith.constant 0 : i32
        %dma_start3A_370 = tpu.memref_slice %arg5[%dma_start3A_361, %dma_start3A_368, %dma_start3A_369] : memref<4x8x128xf32, #tpu.memory_space<vmem>> -> memref<1x8x128xf32, #tpu.memory_space<vmem>>
        %dma_start3A_371 = tpu.memref_squeeze %dma_start3A_370 : memref<1x8x128xf32, #tpu.memory_space<vmem>> -> memref<8x128xf32, #tpu.memory_space<vmem>>
        %dma_start3A_372 = arith.constant 24 : i32
        %dma_start3A_373 = tpu.memref_slice %arg2[%dma_start3A_372, %mul3A_360] : memref<32x1000000xf32, #tpu.memory_space<hbm>> -> memref<8x128xf32, #tpu.memory_space<hbm>>
        tpu.enqueue_dma source(%dma_start3A_373 : memref<8x128xf32, #tpu.memory_space<hbm>>) target(%dma_start3A_371 : memref<8x128xf32, #tpu.memory_space<vmem>>) target_semaphore(%arg10 : memref<!tpu.dma_semaphore, #tpu.memory_space<semaphore_mem>>)
      } else {
      }
      %dma_wait3A_233 = arith.constant 0 : i32
      %dma_wait3A_234 = arith.constant 0 : i32
      %dma_wait3A_235 = arith.constant 0 : i32
      %dma_wait3A_236 = tpu.memref_slice %arg6[%dma_wait3A_233, %dma_wait3A_234, %dma_wait3A_235] : memref<4x8x128xf32, #tpu.memory_space<vmem>> -> memref<1x8x128xf32, #tpu.memory_space<vmem>>
      %dma_wait3A_237 = tpu.memref_squeeze %dma_wait3A_236 : memref<1x8x128xf32, #tpu.memory_space<vmem>> -> memref<8x128xf32, #tpu.memory_space<vmem>>
      %dma_wait3A_238 = arith.constant 0 : i32
      %dma_wait3A_239 = arith.constant 0 : i32
      %dma_wait3A_240 = tpu.memref_slice %arg2[%dma_wait3A_238, %dma_wait3A_239] : memref<32x1000000xf32, #tpu.memory_space<hbm>> -> memref<8x128xf32, #tpu.memory_space<hbm>>
      %dma_wait3A_241 = arith.constant 0 : i32
      %dma_wait3A_242 = arith.constant 0 : i32
      %dma_wait3A_243 = tpu.memref_slice %arg6[%dma_wait3A_233, %dma_wait3A_241, %dma_wait3A_242] : memref<4x8x128xf32, #tpu.memory_space<vmem>> -> memref<1x8x128xf32, #tpu.memory_space<vmem>>
      %dma_wait3A_244 = tpu.memref_squeeze %dma_wait3A_243 : memref<1x8x128xf32, #tpu.memory_space<vmem>> -> memref<8x128xf32, #tpu.memory_space<vmem>>
      %dma_wait3A_245 = arith.constant 0 : i32
      %dma_wait3A_246 = arith.constant 0 : i32
      %dma_wait3A_247 = tpu.memref_slice %arg2[%dma_wait3A_245, %dma_wait3A_246] : memref<32x1000000xf32, #tpu.memory_space<hbm>> -> memref<8x128xf32, #tpu.memory_space<hbm>>
      tpu.wait_dma2 semaphore(%arg11 : memref<!tpu.dma_semaphore, #tpu.memory_space<semaphore_mem>>) src(%dma_wait3A_247 : memref<8x128xf32, #tpu.memory_space<hbm>>) dst(%dma_wait3A_244 : memref<8x128xf32, #tpu.memory_space<vmem>>)
      %dma_wait3A_248 = arith.constant 1 : i32
      %dma_wait3A_249 = arith.constant 0 : i32
      %dma_wait3A_250 = arith.constant 0 : i32
      %dma_wait3A_251 = tpu.memref_slice %arg6[%dma_wait3A_248, %dma_wait3A_249, %dma_wait3A_250] : memref<4x8x128xf32, #tpu.memory_space<vmem>> -> memref<1x8x128xf32, #tpu.memory_space<vmem>>
      %dma_wait3A_252 = tpu.memref_squeeze %dma_wait3A_251 : memref<1x8x128xf32, #tpu.memory_space<vmem>> -> memref<8x128xf32, #tpu.memory_space<vmem>>
      %dma_wait3A_253 = arith.constant 0 : i32
      %dma_wait3A_254 = arith.constant 0 : i32
      %dma_wait3A_255 = tpu.memref_slice %arg2[%dma_wait3A_253, %dma_wait3A_254] : memref<32x1000000xf32, #tpu.memory_space<hbm>> -> memref<8x128xf32, #tpu.memory_space<hbm>>
      %dma_wait3A_256 = arith.constant 0 : i32
      %dma_wait3A_257 = arith.constant 0 : i32
      %dma_wait3A_258 = tpu.memref_slice %arg6[%dma_wait3A_248, %dma_wait3A_256, %dma_wait3A_257] : memref<4x8x128xf32, #tpu.memory_space<vmem>> -> memref<1x8x128xf32, #tpu.memory_space<vmem>>
      %dma_wait3A_259 = tpu.memref_squeeze %dma_wait3A_258 : memref<1x8x128xf32, #tpu.memory_space<vmem>> -> memref<8x128xf32, #tpu.memory_space<vmem>>
      %dma_wait3A_260 = arith.constant 0 : i32
      %dma_wait3A_261 = arith.constant 0 : i32
      %dma_wait3A_262 = tpu.memref_slice %arg2[%dma_wait3A_260, %dma_wait3A_261] : memref<32x1000000xf32, #tpu.memory_space<hbm>> -> memref<8x128xf32, #tpu.memory_space<hbm>>
      tpu.wait_dma2 semaphore(%arg11 : memref<!tpu.dma_semaphore, #tpu.memory_space<semaphore_mem>>) src(%dma_wait3A_262 : memref<8x128xf32, #tpu.memory_space<hbm>>) dst(%dma_wait3A_259 : memref<8x128xf32, #tpu.memory_space<vmem>>)
      %dma_wait3A_263 = arith.constant 2 : i32
      %dma_wait3A_264 = arith.constant 0 : i32
      %dma_wait3A_265 = arith.constant 0 : i32
      %dma_wait3A_266 = tpu.memref_slice %arg6[%dma_wait3A_263, %dma_wait3A_264, %dma_wait3A_265] : memref<4x8x128xf32, #tpu.memory_space<vmem>> -> memref<1x8x128xf32, #tpu.memory_space<vmem>>
      %dma_wait3A_267 = tpu.memref_squeeze %dma_wait3A_266 : memref<1x8x128xf32, #tpu.memory_space<vmem>> -> memref<8x128xf32, #tpu.memory_space<vmem>>
      %dma_wait3A_268 = arith.constant 0 : i32
      %dma_wait3A_269 = arith.constant 0 : i32
      %dma_wait3A_270 = tpu.memref_slice %arg2[%dma_wait3A_268, %dma_wait3A_269] : memref<32x1000000xf32, #tpu.memory_space<hbm>> -> memref<8x128xf32, #tpu.memory_space<hbm>>
      %dma_wait3A_271 = arith.constant 0 : i32
      %dma_wait3A_272 = arith.constant 0 : i32
      %dma_wait3A_273 = tpu.memref_slice %arg6[%dma_wait3A_263, %dma_wait3A_271, %dma_wait3A_272] : memref<4x8x128xf32, #tpu.memory_space<vmem>> -> memref<1x8x128xf32, #tpu.memory_space<vmem>>
      %dma_wait3A_274 = tpu.memref_squeeze %dma_wait3A_273 : memref<1x8x128xf32, #tpu.memory_space<vmem>> -> memref<8x128xf32, #tpu.memory_space<vmem>>
      %dma_wait3A_275 = arith.constant 0 : i32
      %dma_wait3A_276 = arith.constant 0 : i32
      %dma_wait3A_277 = tpu.memref_slice %arg2[%dma_wait3A_275, %dma_wait3A_276] : memref<32x1000000xf32, #tpu.memory_space<hbm>> -> memref<8x128xf32, #tpu.memory_space<hbm>>
      tpu.wait_dma2 semaphore(%arg11 : memref<!tpu.dma_semaphore, #tpu.memory_space<semaphore_mem>>) src(%dma_wait3A_277 : memref<8x128xf32, #tpu.memory_space<hbm>>) dst(%dma_wait3A_274 : memref<8x128xf32, #tpu.memory_space<vmem>>)
      %dma_wait3A_278 = arith.constant 3 : i32
      %dma_wait3A_279 = arith.constant 0 : i32
      %dma_wait3A_280 = arith.constant 0 : i32
      %dma_wait3A_281 = tpu.memref_slice %arg6[%dma_wait3A_278, %dma_wait3A_279, %dma_wait3A_280] : memref<4x8x128xf32, #tpu.memory_space<vmem>> -> memref<1x8x128xf32, #tpu.memory_space<vmem>>
      %dma_wait3A_282 = tpu.memref_squeeze %dma_wait3A_281 : memref<1x8x128xf32, #tpu.memory_space<vmem>> -> memref<8x128xf32, #tpu.memory_space<vmem>>
      %dma_wait3A_283 = arith.constant 0 : i32
      %dma_wait3A_284 = arith.constant 0 : i32
      %dma_wait3A_285 = tpu.memref_slice %arg2[%dma_wait3A_283, %dma_wait3A_284] : memref<32x1000000xf32, #tpu.memory_space<hbm>> -> memref<8x128xf32, #tpu.memory_space<hbm>>
      %dma_wait3A_286 = arith.constant 0 : i32
      %dma_wait3A_287 = arith.constant 0 : i32
      %dma_wait3A_288 = tpu.memref_slice %arg6[%dma_wait3A_278, %dma_wait3A_286, %dma_wait3A_287] : memref<4x8x128xf32, #tpu.memory_space<vmem>> -> memref<1x8x128xf32, #tpu.memory_space<vmem>>
      %dma_wait3A_289 = tpu.memref_squeeze %dma_wait3A_288 : memref<1x8x128xf32, #tpu.memory_space<vmem>> -> memref<8x128xf32, #tpu.memory_space<vmem>>
      %dma_wait3A_290 = arith.constant 0 : i32
      %dma_wait3A_291 = arith.constant 0 : i32
      %dma_wait3A_292 = tpu.memref_slice %arg2[%dma_wait3A_290, %dma_wait3A_291] : memref<32x1000000xf32, #tpu.memory_space<hbm>> -> memref<8x128xf32, #tpu.memory_space<hbm>>
      tpu.wait_dma2 semaphore(%arg11 : memref<!tpu.dma_semaphore, #tpu.memory_space<semaphore_mem>>) src(%dma_wait3A_292 : memref<8x128xf32, #tpu.memory_space<hbm>>) dst(%dma_wait3A_289 : memref<8x128xf32, #tpu.memory_space<vmem>>)
      %gt3A_293 = arith.constant 0 : i32
      %gt3A_294 = arith.cmpi sgt, %scan3A_85, %gt3A_293 : i32
      %convert_element_type3A_295 = arith.extui %gt3A_294 : i1 to i32
      %cond3A_296 = arith.constant 0 : i32
      %cond3A_297 = arith.cmpi ne, %convert_element_type3A_295, %cond3A_296 : i32
      scf.if %cond3A_297 {
        %dma_wait3A_312 = arith.constant 0 : i32
        %dma_wait3A_313 = tpu.memref_slice %arg4[%dma_wait3A_312] : memref<32000000xf32, #tpu.memory_space<hbm>> -> memref<4096xf32, #tpu.memory_space<hbm>>
        %dma_wait3A_314 = arith.constant 0 : i32
        %dma_wait3A_315 = tpu.memref_slice %arg4[%dma_wait3A_314] : memref<32000000xf32, #tpu.memory_space<hbm>> -> memref<4096xf32, #tpu.memory_space<hbm>>
        tpu.wait_dma2 semaphore(%arg13 : memref<!tpu.dma_semaphore, #tpu.memory_space<semaphore_mem>>) src(%dma_wait3A_315 : memref<4096xf32, #tpu.memory_space<hbm>>) dst(%arg8 : memref<4096xf32, #tpu.memory_space<vmem>>)
      } else {
      }
      %parallel_loop3A_298 = arith.constant 0 : i32
      %parallel_loop3A_299 = arith.constant 256 : i32
      %parallel_loop3A_300 = arith.constant 1 : i32
      scf.for %parallel_loop3A_312 = %parallel_loop3A_298 to %parallel_loop3A_299 step %parallel_loop3A_300  : i32 {
        %parallel_loop3A_313 = arith.constant 3 : i32
        %parallel_loop3A_314 = arith.shrsi %parallel_loop3A_312, %parallel_loop3A_313 : i32
        %parallel_loop3A_315 = arith.constant 7 : i32
        %parallel_loop3A_316 = arith.andi %parallel_loop3A_312, %parallel_loop3A_315 : i32
        %parallel_loop3A_317 = arith.constant 3 : i32
        %parallel_loop3A_318 = arith.shrsi %parallel_loop3A_314, %parallel_loop3A_317 : i32
        %parallel_loop3A_319 = arith.constant 7 : i32
        %parallel_loop3A_320 = arith.andi %parallel_loop3A_314, %parallel_loop3A_319 : i32
        %parallel_loop3A_321 = arith.constant 16 : i32
        %parallel_loop3A_322 = arith.muli %parallel_loop3A_316, %parallel_loop3A_321 : i32
        %parallel_loop3A_323 = arith.index_cast %parallel_loop3A_318 : i32 to index
        %parallel_loop3A_324 = arith.index_cast %parallel_loop3A_320 : i32 to index
        %parallel_loop3A_325 = arith.index_cast %parallel_loop3A_322 : i32 to index
        %parallel_loop3A_326 = tpu.vector_load %arg6[%parallel_loop3A_323, %parallel_loop3A_324, %parallel_loop3A_325] {strides = array<i32>} : memref<4x8x128xf32, #tpu.memory_space<vmem>>, vector<16xf32>,
        %parallel_loop3A_327 = arith.constant 16 : i32
        %parallel_loop3A_328 = arith.muli %parallel_loop3A_316, %parallel_loop3A_327 : i32
        %parallel_loop3A_329 = arith.constant 33 : i32
        %parallel_loop3A_330 = arith.muli %parallel_loop3A_328, %parallel_loop3A_329 : i32
        %parallel_loop3A_331 = arith.addi %parallel_loop3A_330, %parallel_loop3A_314 : i32
        %parallel_loop3A_332 = vector.broadcast %parallel_loop3A_331 : i32 to vector<16xi32>
        %parallel_loop3A_333 = arith.addi %mul3A_3, %parallel_loop3A_332 : vector<16xi32>
        tpu.vector_store_idx %arg9[%parallel_loop3A_333], %parallel_loop3A_326 : memref<4224xf32, #tpu.memory_space<vmem>>[vector<16xi32>], vector<16xf32>,
      } {sc.loop_unroll_factor = 16 : i64, sc.parallel_access}
      %parallel_loop3A_301 = arith.constant 0 : i32
      %parallel_loop3A_302 = arith.constant 256 : i32
      %parallel_loop3A_303 = arith.constant 1 : i32
      scf.for %parallel_loop3A_312 = %parallel_loop3A_301 to %parallel_loop3A_302 step %parallel_loop3A_303  : i32 {
        %parallel_loop3A_313 = arith.constant 4 : i32
        %parallel_loop3A_314 = arith.shli %parallel_loop3A_312, %parallel_loop3A_313 : i32
        %parallel_loop3A_315 = arith.constant 1 : i32
        %parallel_loop3A_316 = arith.shrsi %parallel_loop3A_312, %parallel_loop3A_315 : i32
        %parallel_loop3A_317 = arith.addi %parallel_loop3A_314, %parallel_loop3A_316 : i32
        %parallel_loop3A_318 = arith.index_cast %parallel_loop3A_317 : i32 to index
        %parallel_loop3A_319 = tpu.vector_load %arg9[%parallel_loop3A_318] {strides = array<i32>} : memref<4224xf32, #tpu.memory_space<vmem>>, vector<16xf32>,
        %parallel_loop3A_320 = arith.constant 16 : i32
        %parallel_loop3A_321 = arith.muli %parallel_loop3A_312, %parallel_loop3A_320 : i32
        %parallel_loop3A_322 = arith.index_cast %parallel_loop3A_321 : i32 to index
        %parallel_loop3A_323 = tpu.vector_load %arg8[%parallel_loop3A_322] {strides = array<i32>} : memref<4096xf32, #tpu.memory_space<vmem>>, vector<16xf32>,
        tpu.vector_store %arg8[%parallel_loop3A_322], %parallel_loop3A_319 {strides = array<i32>} : memref<4096xf32, #tpu.memory_space<vmem>>, vector<16xf32>,
      } {sc.loop_unroll_factor = 16 : i64, sc.parallel_access}
      %add3A_304 = arith.constant 32 : i32
      %add3A_305 = arith.addi %add3A_88, %add3A_304 : i32
      %mul3A_306 = arith.constant 128 : i32
      %mul3A_307 = arith.muli %add3A_305, %mul3A_306 : i32
      %mul3A_308 = arith.constant 32 : i32
      %mul3A_309 = arith.muli %mul3A_307, %mul3A_308 : i32
      %dma_start3A_310 = tpu.memref_slice %arg4[%mul3A_309] : memref<32000000xf32, #tpu.memory_space<hbm>> -> memref<4096xf32, #tpu.memory_space<hbm>>
      %dma_start3A_311 = tpu.memref_slice %arg4[%mul3A_309] : memref<32000000xf32, #tpu.memory_space<hbm>> -> memref<4096xf32, #tpu.memory_space<hbm>>
      tpu.enqueue_dma source(%arg8 : memref<4096xf32, #tpu.memory_space<vmem>>) target(%dma_start3A_311 : memref<4096xf32, #tpu.memory_space<hbm>>) target_semaphore(%arg13 : memref<!tpu.dma_semaphore, #tpu.memory_space<semaphore_mem>>)
    }
    %scan3A_67 = arith.constant 122 : i32
    %dma_wait3A = arith.constant 0 : i32
    %dma_wait3A_68 = tpu.memref_slice %arg4[%dma_wait3A] : memref<32000000xf32, #tpu.memory_space<hbm>> -> memref<4096xf32, #tpu.memory_space<hbm>>
    %dma_wait3A_69 = arith.constant 0 : i32
    %dma_wait3A_70 = tpu.memref_slice %arg4[%dma_wait3A_69] : memref<32000000xf32, #tpu.memory_space<hbm>> -> memref<4096xf32, #tpu.memory_space<hbm>>
    tpu.wait_dma2 semaphore(%arg12 : memref<!tpu.dma_semaphore, #tpu.memory_space<semaphore_mem>>) src(%dma_wait3A_70 : memref<4096xf32, #tpu.memory_space<hbm>>) dst(%arg7 : memref<4096xf32, #tpu.memory_space<vmem>>)
    %dma_wait3A_71 = arith.constant 0 : i32
    %dma_wait3A_72 = tpu.memref_slice %arg4[%dma_wait3A_71] : memref<32000000xf32, #tpu.memory_space<hbm>> -> memref<4096xf32, #tpu.memory_space<hbm>>
    %dma_wait3A_73 = arith.constant 0 : i32
    %dma_wait3A_74 = tpu.memref_slice %arg4[%dma_wait3A_73] : memref<32000000xf32, #tpu.memory_space<hbm>> -> memref<4096xf32, #tpu.memory_space<hbm>>
    tpu.wait_dma2 semaphore(%arg13 : memref<!tpu.dma_semaphore, #tpu.memory_space<semaphore_mem>>) src(%dma_wait3A_74 : memref<4096xf32, #tpu.memory_space<hbm>>) dst(%arg8 : memref<4096xf32, #tpu.memory_space<vmem>>)
    %add3A_75 = arith.constant 7808 : i32
    %add3A_76 = arith.addi %add3A, %add3A_75 : i32
    %lt3A = arith.constant 4 : i32
    %lt3A_77 = arith.cmpi slt, %add3A, %lt3A : i32
    %lt3A_78 = arith.constant 7812 : i32
    %lt3A_79 = arith.cmpi slt, %add3A_76, %lt3A_78 : i32
    %and3A = arith.andi %lt3A_77, %lt3A_79 : i1
    %convert_element_type3A = arith.extui %and3A : i1 to i32
    %cond3A = arith.constant 0 : i32
    %cond3A_80 = arith.cmpi ne, %convert_element_type3A, %cond3A : i32
    scf.if %cond3A_80 {
      %mul3A_85 = arith.constant 128 : i32
      %mul3A_86 = arith.muli %add3A_76, %mul3A_85 : i32
      %dma_start3A_87 = arith.constant 0 : i32
      %dma_start3A_88 = arith.constant 0 : i32
      %dma_start3A_89 = arith.constant 0 : i32
      %dma_start3A_90 = tpu.memref_slice %arg5[%dma_start3A_87, %dma_start3A_88, %dma_start3A_89] : memref<4x8x128xf32, #tpu.memory_space<vmem>> -> memref<1x8x128xf32, #tpu.memory_space<vmem>>
      %dma_start3A_91 = tpu.memref_squeeze %dma_start3A_90 : memref<1x8x128xf32, #tpu.memory_space<vmem>> -> memref<8x128xf32, #tpu.memory_space<vmem>>
      %dma_start3A_92 = arith.constant 0 : i32
      %dma_start3A_93 = tpu.memref_slice %arg2[%dma_start3A_92, %mul3A_86] : memref<32x1000000xf32, #tpu.memory_space<hbm>> -> memref<8x128xf32, #tpu.memory_space<hbm>>
      %dma_start3A_94 = arith.constant 0 : i32
      %dma_start3A_95 = arith.constant 0 : i32
      %dma_start3A_96 = tpu.memref_slice %arg5[%dma_start3A_87, %dma_start3A_94, %dma_start3A_95] : memref<4x8x128xf32, #tpu.memory_space<vmem>> -> memref<1x8x128xf32, #tpu.memory_space<vmem>>
      %dma_start3A_97 = tpu.memref_squeeze %dma_start3A_96 : memref<1x8x128xf32, #tpu.memory_space<vmem>> -> memref<8x128xf32, #tpu.memory_space<vmem>>
      %dma_start3A_98 = arith.constant 0 : i32
      %dma_start3A_99 = tpu.memref_slice %arg2[%dma_start3A_98, %mul3A_86] : memref<32x1000000xf32, #tpu.memory_space<hbm>> -> memref<8x128xf32, #tpu.memory_space<hbm>>
      tpu.enqueue_dma source(%dma_start3A_99 : memref<8x128xf32, #tpu.memory_space<hbm>>) target(%dma_start3A_97 : memref<8x128xf32, #tpu.memory_space<vmem>>) target_semaphore(%arg10 : memref<!tpu.dma_semaphore, #tpu.memory_space<semaphore_mem>>)
      %mul3A_100 = arith.constant 128 : i32
      %mul3A_101 = arith.muli %add3A_76, %mul3A_100 : i32
      %dma_start3A_102 = arith.constant 1 : i32
      %dma_start3A_103 = arith.constant 0 : i32
      %dma_start3A_104 = arith.constant 0 : i32
      %dma_start3A_105 = tpu.memref_slice %arg5[%dma_start3A_102, %dma_start3A_103, %dma_start3A_104] : memref<4x8x128xf32, #tpu.memory_space<vmem>> -> memref<1x8x128xf32, #tpu.memory_space<vmem>>
      %dma_start3A_106 = tpu.memref_squeeze %dma_start3A_105 : memref<1x8x128xf32, #tpu.memory_space<vmem>> -> memref<8x128xf32, #tpu.memory_space<vmem>>
      %dma_start3A_107 = arith.constant 8 : i32
      %dma_start3A_108 = tpu.memref_slice %arg2[%dma_start3A_107, %mul3A_101] : memref<32x1000000xf32, #tpu.memory_space<hbm>> -> memref<8x128xf32, #tpu.memory_space<hbm>>
      %dma_start3A_109 = arith.constant 0 : i32
      %dma_start3A_110 = arith.constant 0 : i32
      %dma_start3A_111 = tpu.memref_slice %arg5[%dma_start3A_102, %dma_start3A_109, %dma_start3A_110] : memref<4x8x128xf32, #tpu.memory_space<vmem>> -> memref<1x8x128xf32, #tpu.memory_space<vmem>>
      %dma_start3A_112 = tpu.memref_squeeze %dma_start3A_111 : memref<1x8x128xf32, #tpu.memory_space<vmem>> -> memref<8x128xf32, #tpu.memory_space<vmem>>
      %dma_start3A_113 = arith.constant 8 : i32
      %dma_start3A_114 = tpu.memref_slice %arg2[%dma_start3A_113, %mul3A_101] : memref<32x1000000xf32, #tpu.memory_space<hbm>> -> memref<8x128xf32, #tpu.memory_space<hbm>>
      tpu.enqueue_dma source(%dma_start3A_114 : memref<8x128xf32, #tpu.memory_space<hbm>>) target(%dma_start3A_112 : memref<8x128xf32, #tpu.memory_space<vmem>>) target_semaphore(%arg10 : memref<!tpu.dma_semaphore, #tpu.memory_space<semaphore_mem>>)
      %mul3A_115 = arith.constant 128 : i32
      %mul3A_116 = arith.muli %add3A_76, %mul3A_115 : i32
      %dma_start3A_117 = arith.constant 2 : i32
      %dma_start3A_118 = arith.constant 0 : i32
      %dma_start3A_119 = arith.constant 0 : i32
      %dma_start3A_120 = tpu.memref_slice %arg5[%dma_start3A_117, %dma_start3A_118, %dma_start3A_119] : memref<4x8x128xf32, #tpu.memory_space<vmem>> -> memref<1x8x128xf32, #tpu.memory_space<vmem>>
      %dma_start3A_121 = tpu.memref_squeeze %dma_start3A_120 : memref<1x8x128xf32, #tpu.memory_space<vmem>> -> memref<8x128xf32, #tpu.memory_space<vmem>>
      %dma_start3A_122 = arith.constant 16 : i32
      %dma_start3A_123 = tpu.memref_slice %arg2[%dma_start3A_122, %mul3A_116] : memref<32x1000000xf32, #tpu.memory_space<hbm>> -> memref<8x128xf32, #tpu.memory_space<hbm>>
      %dma_start3A_124 = arith.constant 0 : i32
      %dma_start3A_125 = arith.constant 0 : i32
      %dma_start3A_126 = tpu.memref_slice %arg5[%dma_start3A_117, %dma_start3A_124, %dma_start3A_125] : memref<4x8x128xf32, #tpu.memory_space<vmem>> -> memref<1x8x128xf32, #tpu.memory_space<vmem>>
      %dma_start3A_127 = tpu.memref_squeeze %dma_start3A_126 : memref<1x8x128xf32, #tpu.memory_space<vmem>> -> memref<8x128xf32, #tpu.memory_space<vmem>>
      %dma_start3A_128 = arith.constant 16 : i32
      %dma_start3A_129 = tpu.memref_slice %arg2[%dma_start3A_128, %mul3A_116] : memref<32x1000000xf32, #tpu.memory_space<hbm>> -> memref<8x128xf32, #tpu.memory_space<hbm>>
      tpu.enqueue_dma source(%dma_start3A_129 : memref<8x128xf32, #tpu.memory_space<hbm>>) target(%dma_start3A_127 : memref<8x128xf32, #tpu.memory_space<vmem>>) target_semaphore(%arg10 : memref<!tpu.dma_semaphore, #tpu.memory_space<semaphore_mem>>)
      %mul3A_130 = arith.constant 128 : i32
      %mul3A_131 = arith.muli %add3A_76, %mul3A_130 : i32
      %dma_start3A_132 = arith.constant 3 : i32
      %dma_start3A_133 = arith.constant 0 : i32
      %dma_start3A_134 = arith.constant 0 : i32
      %dma_start3A_135 = tpu.memref_slice %arg5[%dma_start3A_132, %dma_start3A_133, %dma_start3A_134] : memref<4x8x128xf32, #tpu.memory_space<vmem>> -> memref<1x8x128xf32, #tpu.memory_space<vmem>>
      %dma_start3A_136 = tpu.memref_squeeze %dma_start3A_135 : memref<1x8x128xf32, #tpu.memory_space<vmem>> -> memref<8x128xf32, #tpu.memory_space<vmem>>
      %dma_start3A_137 = arith.constant 24 : i32
      %dma_start3A_138 = tpu.memref_slice %arg2[%dma_start3A_137, %mul3A_131] : memref<32x1000000xf32, #tpu.memory_space<hbm>> -> memref<8x128xf32, #tpu.memory_space<hbm>>
      %dma_start3A_139 = arith.constant 0 : i32
      %dma_start3A_140 = arith.constant 0 : i32
      %dma_start3A_141 = tpu.memref_slice %arg5[%dma_start3A_132, %dma_start3A_139, %dma_start3A_140] : memref<4x8x128xf32, #tpu.memory_space<vmem>> -> memref<1x8x128xf32, #tpu.memory_space<vmem>>
      %dma_start3A_142 = tpu.memref_squeeze %dma_start3A_141 : memref<1x8x128xf32, #tpu.memory_space<vmem>> -> memref<8x128xf32, #tpu.memory_space<vmem>>
      %dma_start3A_143 = arith.constant 24 : i32
      %dma_start3A_144 = tpu.memref_slice %arg2[%dma_start3A_143, %mul3A_131] : memref<32x1000000xf32, #tpu.memory_space<hbm>> -> memref<8x128xf32, #tpu.memory_space<hbm>>
      tpu.enqueue_dma source(%dma_start3A_144 : memref<8x128xf32, #tpu.memory_space<hbm>>) target(%dma_start3A_142 : memref<8x128xf32, #tpu.memory_space<vmem>>) target_semaphore(%arg10 : memref<!tpu.dma_semaphore, #tpu.memory_space<semaphore_mem>>)
      %dma_wait3A_145 = arith.constant 0 : i32
      %dma_wait3A_146 = arith.constant 0 : i32
      %dma_wait3A_147 = arith.constant 0 : i32
      %dma_wait3A_148 = tpu.memref_slice %arg5[%dma_wait3A_145, %dma_wait3A_146, %dma_wait3A_147] : memref<4x8x128xf32, #tpu.memory_space<vmem>> -> memref<1x8x128xf32, #tpu.memory_space<vmem>>
      %dma_wait3A_149 = tpu.memref_squeeze %dma_wait3A_148 : memref<1x8x128xf32, #tpu.memory_space<vmem>> -> memref<8x128xf32, #tpu.memory_space<vmem>>
      %dma_wait3A_150 = arith.constant 0 : i32
      %dma_wait3A_151 = arith.constant 0 : i32
      %dma_wait3A_152 = tpu.memref_slice %arg2[%dma_wait3A_150, %dma_wait3A_151] : memref<32x1000000xf32, #tpu.memory_space<hbm>> -> memref<8x128xf32, #tpu.memory_space<hbm>>
      %dma_wait3A_153 = arith.constant 0 : i32
      %dma_wait3A_154 = arith.constant 0 : i32
      %dma_wait3A_155 = tpu.memref_slice %arg5[%dma_wait3A_145, %dma_wait3A_153, %dma_wait3A_154] : memref<4x8x128xf32, #tpu.memory_space<vmem>> -> memref<1x8x128xf32, #tpu.memory_space<vmem>>
      %dma_wait3A_156 = tpu.memref_squeeze %dma_wait3A_155 : memref<1x8x128xf32, #tpu.memory_space<vmem>> -> memref<8x128xf32, #tpu.memory_space<vmem>>
      %dma_wait3A_157 = arith.constant 0 : i32
      %dma_wait3A_158 = arith.constant 0 : i32
      %dma_wait3A_159 = tpu.memref_slice %arg2[%dma_wait3A_157, %dma_wait3A_158] : memref<32x1000000xf32, #tpu.memory_space<hbm>> -> memref<8x128xf32, #tpu.memory_space<hbm>>
      tpu.wait_dma2 semaphore(%arg10 : memref<!tpu.dma_semaphore, #tpu.memory_space<semaphore_mem>>) src(%dma_wait3A_159 : memref<8x128xf32, #tpu.memory_space<hbm>>) dst(%dma_wait3A_156 : memref<8x128xf32, #tpu.memory_space<vmem>>)
      %dma_wait3A_160 = arith.constant 1 : i32
      %dma_wait3A_161 = arith.constant 0 : i32
      %dma_wait3A_162 = arith.constant 0 : i32
      %dma_wait3A_163 = tpu.memref_slice %arg5[%dma_wait3A_160, %dma_wait3A_161, %dma_wait3A_162] : memref<4x8x128xf32, #tpu.memory_space<vmem>> -> memref<1x8x128xf32, #tpu.memory_space<vmem>>
      %dma_wait3A_164 = tpu.memref_squeeze %dma_wait3A_163 : memref<1x8x128xf32, #tpu.memory_space<vmem>> -> memref<8x128xf32, #tpu.memory_space<vmem>>
      %dma_wait3A_165 = arith.constant 0 : i32
      %dma_wait3A_166 = arith.constant 0 : i32
      %dma_wait3A_167 = tpu.memref_slice %arg2[%dma_wait3A_165, %dma_wait3A_166] : memref<32x1000000xf32, #tpu.memory_space<hbm>> -> memref<8x128xf32, #tpu.memory_space<hbm>>
      %dma_wait3A_168 = arith.constant 0 : i32
      %dma_wait3A_169 = arith.constant 0 : i32
      %dma_wait3A_170 = tpu.memref_slice %arg5[%dma_wait3A_160, %dma_wait3A_168, %dma_wait3A_169] : memref<4x8x128xf32, #tpu.memory_space<vmem>> -> memref<1x8x128xf32, #tpu.memory_space<vmem>>
      %dma_wait3A_171 = tpu.memref_squeeze %dma_wait3A_170 : memref<1x8x128xf32, #tpu.memory_space<vmem>> -> memref<8x128xf32, #tpu.memory_space<vmem>>
      %dma_wait3A_172 = arith.constant 0 : i32
      %dma_wait3A_173 = arith.constant 0 : i32
      %dma_wait3A_174 = tpu.memref_slice %arg2[%dma_wait3A_172, %dma_wait3A_173] : memref<32x1000000xf32, #tpu.memory_space<hbm>> -> memref<8x128xf32, #tpu.memory_space<hbm>>
      tpu.wait_dma2 semaphore(%arg10 : memref<!tpu.dma_semaphore, #tpu.memory_space<semaphore_mem>>) src(%dma_wait3A_174 : memref<8x128xf32, #tpu.memory_space<hbm>>) dst(%dma_wait3A_171 : memref<8x128xf32, #tpu.memory_space<vmem>>)
      %dma_wait3A_175 = arith.constant 2 : i32
      %dma_wait3A_176 = arith.constant 0 : i32
      %dma_wait3A_177 = arith.constant 0 : i32
      %dma_wait3A_178 = tpu.memref_slice %arg5[%dma_wait3A_175, %dma_wait3A_176, %dma_wait3A_177] : memref<4x8x128xf32, #tpu.memory_space<vmem>> -> memref<1x8x128xf32, #tpu.memory_space<vmem>>
      %dma_wait3A_179 = tpu.memref_squeeze %dma_wait3A_178 : memref<1x8x128xf32, #tpu.memory_space<vmem>> -> memref<8x128xf32, #tpu.memory_space<vmem>>
      %dma_wait3A_180 = arith.constant 0 : i32
      %dma_wait3A_181 = arith.constant 0 : i32
      %dma_wait3A_182 = tpu.memref_slice %arg2[%dma_wait3A_180, %dma_wait3A_181] : memref<32x1000000xf32, #tpu.memory_space<hbm>> -> memref<8x128xf32, #tpu.memory_space<hbm>>
      %dma_wait3A_183 = arith.constant 0 : i32
      %dma_wait3A_184 = arith.constant 0 : i32
      %dma_wait3A_185 = tpu.memref_slice %arg5[%dma_wait3A_175, %dma_wait3A_183, %dma_wait3A_184] : memref<4x8x128xf32, #tpu.memory_space<vmem>> -> memref<1x8x128xf32, #tpu.memory_space<vmem>>
      %dma_wait3A_186 = tpu.memref_squeeze %dma_wait3A_185 : memref<1x8x128xf32, #tpu.memory_space<vmem>> -> memref<8x128xf32, #tpu.memory_space<vmem>>
      %dma_wait3A_187 = arith.constant 0 : i32
      %dma_wait3A_188 = arith.constant 0 : i32
      %dma_wait3A_189 = tpu.memref_slice %arg2[%dma_wait3A_187, %dma_wait3A_188] : memref<32x1000000xf32, #tpu.memory_space<hbm>> -> memref<8x128xf32, #tpu.memory_space<hbm>>
      tpu.wait_dma2 semaphore(%arg10 : memref<!tpu.dma_semaphore, #tpu.memory_space<semaphore_mem>>) src(%dma_wait3A_189 : memref<8x128xf32, #tpu.memory_space<hbm>>) dst(%dma_wait3A_186 : memref<8x128xf32, #tpu.memory_space<vmem>>)
      %dma_wait3A_190 = arith.constant 3 : i32
      %dma_wait3A_191 = arith.constant 0 : i32
      %dma_wait3A_192 = arith.constant 0 : i32
      %dma_wait3A_193 = tpu.memref_slice %arg5[%dma_wait3A_190, %dma_wait3A_191, %dma_wait3A_192] : memref<4x8x128xf32, #tpu.memory_space<vmem>> -> memref<1x8x128xf32, #tpu.memory_space<vmem>>
      %dma_wait3A_194 = tpu.memref_squeeze %dma_wait3A_193 : memref<1x8x128xf32, #tpu.memory_space<vmem>> -> memref<8x128xf32, #tpu.memory_space<vmem>>
      %dma_wait3A_195 = arith.constant 0 : i32
      %dma_wait3A_196 = arith.constant 0 : i32
      %dma_wait3A_197 = tpu.memref_slice %arg2[%dma_wait3A_195, %dma_wait3A_196] : memref<32x1000000xf32, #tpu.memory_space<hbm>> -> memref<8x128xf32, #tpu.memory_space<hbm>>
      %dma_wait3A_198 = arith.constant 0 : i32
      %dma_wait3A_199 = arith.constant 0 : i32
      %dma_wait3A_200 = tpu.memref_slice %arg5[%dma_wait3A_190, %dma_wait3A_198, %dma_wait3A_199] : memref<4x8x128xf32, #tpu.memory_space<vmem>> -> memref<1x8x128xf32, #tpu.memory_space<vmem>>
      %dma_wait3A_201 = tpu.memref_squeeze %dma_wait3A_200 : memref<1x8x128xf32, #tpu.memory_space<vmem>> -> memref<8x128xf32, #tpu.memory_space<vmem>>
      %dma_wait3A_202 = arith.constant 0 : i32
      %dma_wait3A_203 = arith.constant 0 : i32
      %dma_wait3A_204 = tpu.memref_slice %arg2[%dma_wait3A_202, %dma_wait3A_203] : memref<32x1000000xf32, #tpu.memory_space<hbm>> -> memref<8x128xf32, #tpu.memory_space<hbm>>
      tpu.wait_dma2 semaphore(%arg10 : memref<!tpu.dma_semaphore, #tpu.memory_space<semaphore_mem>>) src(%dma_wait3A_204 : memref<8x128xf32, #tpu.memory_space<hbm>>) dst(%dma_wait3A_201 : memref<8x128xf32, #tpu.memory_space<vmem>>)
      %parallel_loop3A = arith.constant 0 : i32
      %parallel_loop3A_205 = arith.constant 256 : i32
      %parallel_loop3A_206 = arith.constant 1 : i32
      scf.for %parallel_loop3A_220 = %parallel_loop3A to %parallel_loop3A_205 step %parallel_loop3A_206  : i32 {
        %parallel_loop3A_221 = arith.constant 3 : i32
        %parallel_loop3A_222 = arith.shrsi %parallel_loop3A_220, %parallel_loop3A_221 : i32
        %parallel_loop3A_223 = arith.constant 7 : i32
        %parallel_loop3A_224 = arith.andi %parallel_loop3A_220, %parallel_loop3A_223 : i32
        %parallel_loop3A_225 = arith.constant 3 : i32
        %parallel_loop3A_226 = arith.shrsi %parallel_loop3A_222, %parallel_loop3A_225 : i32
        %parallel_loop3A_227 = arith.constant 7 : i32
        %parallel_loop3A_228 = arith.andi %parallel_loop3A_222, %parallel_loop3A_227 : i32
        %parallel_loop3A_229 = arith.constant 16 : i32
        %parallel_loop3A_230 = arith.muli %parallel_loop3A_224, %parallel_loop3A_229 : i32
        %parallel_loop3A_231 = arith.index_cast %parallel_loop3A_226 : i32 to index
        %parallel_loop3A_232 = arith.index_cast %parallel_loop3A_228 : i32 to index
        %parallel_loop3A_233 = arith.index_cast %parallel_loop3A_230 : i32 to index
        %parallel_loop3A_234 = tpu.vector_load %arg5[%parallel_loop3A_231, %parallel_loop3A_232, %parallel_loop3A_233] {strides = array<i32>} : memref<4x8x128xf32, #tpu.memory_space<vmem>>, vector<16xf32>,
        %parallel_loop3A_235 = arith.constant 16 : i32
        %parallel_loop3A_236 = arith.muli %parallel_loop3A_224, %parallel_loop3A_235 : i32
        %parallel_loop3A_237 = arith.constant 33 : i32
        %parallel_loop3A_238 = arith.muli %parallel_loop3A_236, %parallel_loop3A_237 : i32
        %parallel_loop3A_239 = arith.addi %parallel_loop3A_238, %parallel_loop3A_222 : i32
        %parallel_loop3A_240 = vector.broadcast %parallel_loop3A_239 : i32 to vector<16xi32>
        %parallel_loop3A_241 = arith.addi %mul3A_3, %parallel_loop3A_240 : vector<16xi32>
        tpu.vector_store_idx %arg9[%parallel_loop3A_241], %parallel_loop3A_234 : memref<4224xf32, #tpu.memory_space<vmem>>[vector<16xi32>], vector<16xf32>,
      } {sc.loop_unroll_factor = 16 : i64, sc.parallel_access}
      %parallel_loop3A_207 = arith.constant 0 : i32
      %parallel_loop3A_208 = arith.constant 256 : i32
      %parallel_loop3A_209 = arith.constant 1 : i32
      scf.for %parallel_loop3A_220 = %parallel_loop3A_207 to %parallel_loop3A_208 step %parallel_loop3A_209  : i32 {
        %parallel_loop3A_221 = arith.constant 4 : i32
        %parallel_loop3A_222 = arith.shli %parallel_loop3A_220, %parallel_loop3A_221 : i32
        %parallel_loop3A_223 = arith.constant 1 : i32
        %parallel_loop3A_224 = arith.shrsi %parallel_loop3A_220, %parallel_loop3A_223 : i32
        %parallel_loop3A_225 = arith.addi %parallel_loop3A_222, %parallel_loop3A_224 : i32
        %parallel_loop3A_226 = arith.index_cast %parallel_loop3A_225 : i32 to index
        %parallel_loop3A_227 = tpu.vector_load %arg9[%parallel_loop3A_226] {strides = array<i32>} : memref<4224xf32, #tpu.memory_space<vmem>>, vector<16xf32>,
        %parallel_loop3A_228 = arith.constant 16 : i32
        %parallel_loop3A_229 = arith.muli %parallel_loop3A_220, %parallel_loop3A_228 : i32
        %parallel_loop3A_230 = arith.index_cast %parallel_loop3A_229 : i32 to index
        %parallel_loop3A_231 = tpu.vector_load %arg7[%parallel_loop3A_230] {strides = array<i32>} : memref<4096xf32, #tpu.memory_space<vmem>>, vector<16xf32>,
        tpu.vector_store %arg7[%parallel_loop3A_230], %parallel_loop3A_227 {strides = array<i32>} : memref<4096xf32, #tpu.memory_space<vmem>>, vector<16xf32>,
      } {sc.loop_unroll_factor = 16 : i64, sc.parallel_access}
      %mul3A_210 = arith.constant 128 : i32
      %mul3A_211 = arith.muli %add3A_76, %mul3A_210 : i32
      %mul3A_212 = arith.constant 32 : i32
      %mul3A_213 = arith.muli %mul3A_211, %mul3A_212 : i32
      %dma_start3A_214 = tpu.memref_slice %arg4[%mul3A_213] : memref<32000000xf32, #tpu.memory_space<hbm>> -> memref<4096xf32, #tpu.memory_space<hbm>>
      %dma_start3A_215 = tpu.memref_slice %arg4[%mul3A_213] : memref<32000000xf32, #tpu.memory_space<hbm>> -> memref<4096xf32, #tpu.memory_space<hbm>>
      tpu.enqueue_dma source(%arg7 : memref<4096xf32, #tpu.memory_space<vmem>>) target(%dma_start3A_215 : memref<4096xf32, #tpu.memory_space<hbm>>) target_semaphore(%arg12 : memref<!tpu.dma_semaphore, #tpu.memory_space<semaphore_mem>>)
      %dma_wait3A_216 = arith.constant 0 : i32
      %dma_wait3A_217 = tpu.memref_slice %arg4[%dma_wait3A_216] : memref<32000000xf32, #tpu.memory_space<hbm>> -> memref<4096xf32, #tpu.memory_space<hbm>>
      %dma_wait3A_218 = arith.constant 0 : i32
      %dma_wait3A_219 = tpu.memref_slice %arg4[%dma_wait3A_218] : memref<32000000xf32, #tpu.memory_space<hbm>> -> memref<4096xf32, #tpu.memory_space<hbm>>
      tpu.wait_dma2 semaphore(%arg12 : memref<!tpu.dma_semaphore, #tpu.memory_space<semaphore_mem>>) src(%dma_wait3A_219 : memref<4096xf32, #tpu.memory_space<hbm>>) dst(%arg7 : memref<4096xf32, #tpu.memory_space<vmem>>)
    } else {
    }
    %eq3A = arith.constant 7812 : i32
    %eq3A_81 = arith.cmpi eq, %add3A_76, %eq3A : i32
    %convert_element_type3A_82 = arith.extui %eq3A_81 : i1 to i32
    %cond3A_83 = arith.constant 0 : i32
    %cond3A_84 = arith.cmpi ne, %convert_element_type3A_82, %cond3A_83 : i32
    scf.if %cond3A_84 {
      "tpu.region"() ({
        %run_scoped3A = tpu.sem_alloc : memref<!tpu.dma_semaphore, #tpu.memory_space<semaphore_mem>>
        %dma_start3A_85 = arith.constant 0 : i32
        %dma_start3A_86 = tpu.memref_slice %arg7[%dma_start3A_85] : memref<4096xf32, #tpu.memory_space<vmem>> -> memref<2048xf32, #tpu.memory_space<vmem>>
        %dma_start3A_87 = arith.constant 0 : i32
        %dma_start3A_88 = tpu.memref_slice %arg7[%dma_start3A_87] : memref<4096xf32, #tpu.memory_space<vmem>> -> memref<2048xf32, #tpu.memory_space<vmem>>
        tpu.enqueue_dma source(%arg3 : memref<2048xf32, #tpu.memory_space<hbm>>) target(%dma_start3A_88 : memref<2048xf32, #tpu.memory_space<vmem>>) target_semaphore(%run_scoped3A : memref<!tpu.dma_semaphore, #tpu.memory_space<semaphore_mem>>)
        %dma_wait3A_89 = arith.constant 0 : i32
        %dma_wait3A_90 = tpu.memref_slice %arg7[%dma_wait3A_89] : memref<4096xf32, #tpu.memory_space<vmem>> -> memref<2048xf32, #tpu.memory_space<vmem>>
        %dma_wait3A_91 = arith.constant 0 : i32
        %dma_wait3A_92 = tpu.memref_slice %arg7[%dma_wait3A_91] : memref<4096xf32, #tpu.memory_space<vmem>> -> memref<2048xf32, #tpu.memory_space<vmem>>
        tpu.wait_dma2 semaphore(%run_scoped3A : memref<!tpu.dma_semaphore, #tpu.memory_space<semaphore_mem>>) src(%arg3 : memref<2048xf32, #tpu.memory_space<hbm>>) dst(%dma_wait3A_92 : memref<2048xf32, #tpu.memory_space<vmem>>)
        tpu.yield
      }) : () -> ()
      "tpu.region"() ({
        %run_scoped3A = tpu.sem_alloc : memref<!tpu.dma_semaphore, #tpu.memory_space<semaphore_mem>>
        %dma_start3A_85 = arith.constant 0 : i32
        %dma_start3A_86 = tpu.memref_slice %arg7[%dma_start3A_85] : memref<4096xf32, #tpu.memory_space<vmem>> -> memref<2048xf32, #tpu.memory_space<vmem>>
        %dma_start3A_87 = arith.constant 31997952 : i32
        %dma_start3A_88 = tpu.memref_slice %arg4[%dma_start3A_87] : memref<32000000xf32, #tpu.memory_space<hbm>> -> memref<2048xf32, #tpu.memory_space<hbm>>
        %dma_start3A_89 = arith.constant 31997952 : i32
        %dma_start3A_90 = tpu.memref_slice %arg4[%dma_start3A_89] : memref<32000000xf32, #tpu.memory_space<hbm>> -> memref<2048xf32, #tpu.memory_space<hbm>>
        %dma_start3A_91 = arith.constant 0 : i32
        %dma_start3A_92 = tpu.memref_slice %arg7[%dma_start3A_91] : memref<4096xf32, #tpu.memory_space<vmem>> -> memref<2048xf32, #tpu.memory_space<vmem>>
        tpu.enqueue_dma source(%dma_start3A_92 : memref<2048xf32, #tpu.memory_space<vmem>>) target(%dma_start3A_90 : memref<2048xf32, #tpu.memory_space<hbm>>) target_semaphore(%run_scoped3A : memref<!tpu.dma_semaphore, #tpu.memory_space<semaphore_mem>>)
        %dma_wait3A_93 = arith.constant 0 : i32
        %dma_wait3A_94 = tpu.memref_slice %arg7[%dma_wait3A_93] : memref<4096xf32, #tpu.memory_space<vmem>> -> memref<2048xf32, #tpu.memory_space<vmem>>
        %dma_wait3A_95 = arith.constant 31997952 : i32
        %dma_wait3A_96 = tpu.memref_slice %arg4[%dma_wait3A_95] : memref<32000000xf32, #tpu.memory_space<hbm>> -> memref<2048xf32, #tpu.memory_space<hbm>>
        %dma_wait3A_97 = arith.constant 31997952 : i32
        %dma_wait3A_98 = tpu.memref_slice %arg4[%dma_wait3A_97] : memref<32000000xf32, #tpu.memory_space<hbm>> -> memref<2048xf32, #tpu.memory_space<hbm>>
        %dma_wait3A_99 = arith.constant 0 : i32
        %dma_wait3A_100 = tpu.memref_slice %arg7[%dma_wait3A_99] : memref<4096xf32, #tpu.memory_space<vmem>> -> memref<2048xf32, #tpu.memory_space<vmem>>
        tpu.wait_dma2 semaphore(%run_scoped3A : memref<!tpu.dma_semaphore, #tpu.memory_space<semaphore_mem>>) src(%dma_wait3A_100 : memref<2048xf32, #tpu.memory_space<vmem>>) dst(%dma_wait3A_98 : memref<2048xf32, #tpu.memory_space<hbm>>)
        tpu.yield
      }) : () -> ()
    } else {
    }
    return
  }
}

#map = affine_map<(d0, d1) -> (0, 0)>
#map1 = affine_map<(d0, d1) -> (0)>
module attributes {stable_mosaic.version = 14 : i64} {
  func.func @gather_kernel(%arg0: i32, %arg1: i32, %arg2: memref<1000000x32xf32, #tpu.memory_space<hbm>>, %arg3: memref<26x16384xi32, #tpu.memory_space<hbm>>, %arg4: memref<13631488xf32, #tpu.memory_space<hbm>>, %arg5: memref<26x512xi32, #tpu.memory_space<vmem>>, %arg6: memref<512x32xf32, #tpu.memory_space<vmem>>, %arg7: memref<512x32xf32, #tpu.memory_space<vmem>>, %arg8: memref<16384xf32, #tpu.memory_space<vmem>>, %arg9: memref<16384xf32, #tpu.memory_space<vmem>>, %arg10: memref<4224xf32, #tpu.memory_space<vmem>>, %arg11: memref<!tpu.dma_semaphore, #tpu.memory_space<semaphore_mem>>, %arg12: memref<!tpu.dma_semaphore, #tpu.memory_space<semaphore_mem>>, %arg13: memref<!tpu.dma_semaphore, #tpu.memory_space<semaphore_mem>>, %arg14: memref<!tpu.dma_semaphore, #tpu.memory_space<semaphore_mem>>) attributes {dimension_semantics = [#tpu.dimension_semantics<core_parallel>, #tpu.dimension_semantics<subcore_parallel>], iteration_bounds = array<i64: 2, 16>, scalar_prefetch = 0 : i64, scratch_operands = 10 : i64, tpu.core_type = #tpu.core_type<sc_vector_subcore>, window_params = [{transform_indices = #map}, {transform_indices = #map}, {transform_indices = #map1}]} {
    %mul3A = arith.constant 2 : i32
    %mul3A_0 = arith.muli %arg1, %mul3A : i32
    %add3A = arith.addi %mul3A_0, %arg0 : i32
    %mul3A_1 = arith.constant 512 : i32
    %mul3A_2 = arith.muli %add3A, %mul3A_1 : i32
    %iota3A = tpu.iota {dimensions = array<i32: 0>} : vector<16xi32>
    %mul3A_3 = arith.constant 129 : i32
    %mul3A_4 = vector.broadcast %mul3A_3 : i32 to vector<16xi32>
    %mul3A_5 = arith.muli %iota3A, %mul3A_4 : vector<16xi32>
    "tpu.region"() ({
      %run_scoped3A = tpu.sem_alloc : memref<!tpu.dma_semaphore, #tpu.memory_space<semaphore_mem>>
      %dma_start3A_57 = arith.constant 0 : i32
      %dma_start3A_58 = tpu.memref_slice %arg3[%dma_start3A_57, %mul3A_2] : memref<26x16384xi32, #tpu.memory_space<hbm>> -> memref<26x512xi32, #tpu.memory_space<hbm>>
      %dma_start3A_59 = arith.constant 0 : i32
      %dma_start3A_60 = tpu.memref_slice %arg3[%dma_start3A_59, %mul3A_2] : memref<26x16384xi32, #tpu.memory_space<hbm>> -> memref<26x512xi32, #tpu.memory_space<hbm>>
      tpu.enqueue_dma source(%dma_start3A_60 : memref<26x512xi32, #tpu.memory_space<hbm>>) target(%arg5 : memref<26x512xi32, #tpu.memory_space<vmem>>) target_semaphore(%run_scoped3A : memref<!tpu.dma_semaphore, #tpu.memory_space<semaphore_mem>>)
      %dma_wait3A_61 = arith.constant 0 : i32
      %dma_wait3A_62 = tpu.memref_slice %arg3[%dma_wait3A_61, %mul3A_2] : memref<26x16384xi32, #tpu.memory_space<hbm>> -> memref<26x512xi32, #tpu.memory_space<hbm>>
      %dma_wait3A_63 = arith.constant 0 : i32
      %dma_wait3A_64 = tpu.memref_slice %arg3[%dma_wait3A_63, %mul3A_2] : memref<26x16384xi32, #tpu.memory_space<hbm>> -> memref<26x512xi32, #tpu.memory_space<hbm>>
      tpu.wait_dma2 semaphore(%run_scoped3A : memref<!tpu.dma_semaphore, #tpu.memory_space<semaphore_mem>>) src(%dma_wait3A_64 : memref<26x512xi32, #tpu.memory_space<hbm>>) dst(%arg5 : memref<26x512xi32, #tpu.memory_space<vmem>>)
      tpu.yield
    }) : () -> ()
    %dma_start3A = arith.constant 0 : i32
    %dma_start3A_6 = arith.constant 0 : i32
    %dma_start3A_7 = arith.constant 0 : i32
    %dma_start3A_8 = tpu.memref_slice %arg6[%dma_start3A_6, %dma_start3A_7] : memref<512x32xf32, #tpu.memory_space<vmem>> -> memref<128x32xf32, #tpu.memory_space<vmem>>
    %dma_start3A_9 = arith.constant 0 : i32
    %dma_start3A_10 = tpu.memref_slice %arg5[%dma_start3A, %dma_start3A_9] : memref<26x512xi32, #tpu.memory_space<vmem>> -> memref<1x128xi32, #tpu.memory_space<vmem>>
    %dma_start3A_11 = tpu.memref_squeeze %dma_start3A_10 : memref<1x128xi32, #tpu.memory_space<vmem>> -> memref<128xi32, #tpu.memory_space<vmem>>
    %dma_start3A_12 = arith.constant 0 : i32
    %dma_start3A_13 = arith.constant 0 : i32
    %dma_start3A_14 = tpu.memref_slice %arg2[%dma_start3A_12, %dma_start3A_13] : memref<1000000x32xf32, #tpu.memory_space<hbm>> -> memref<1000000x32xf32, #tpu.memory_space<hbm>>
    tpu.enqueue_indirect_dma source(%dma_start3A_14 : memref<1000000x32xf32, #tpu.memory_space<hbm>>) target(%dma_start3A_8 : memref<128x32xf32, #tpu.memory_space<vmem>>) offsets(%dma_start3A_11 : memref<128xi32, #tpu.memory_space<vmem>>) semaphore(%arg11 : memref<!tpu.dma_semaphore, #tpu.memory_space<semaphore_mem>>)
    %dma_start3A_15 = arith.constant 0 : i32
    %dma_start3A_16 = arith.constant 128 : i32
    %dma_start3A_17 = arith.constant 0 : i32
    %dma_start3A_18 = tpu.memref_slice %arg6[%dma_start3A_16, %dma_start3A_17] : memref<512x32xf32, #tpu.memory_space<vmem>> -> memref<128x32xf32, #tpu.memory_space<vmem>>
    %dma_start3A_19 = arith.constant 128 : i32
    %dma_start3A_20 = tpu.memref_slice %arg5[%dma_start3A_15, %dma_start3A_19] : memref<26x512xi32, #tpu.memory_space<vmem>> -> memref<1x128xi32, #tpu.memory_space<vmem>>
    %dma_start3A_21 = tpu.memref_squeeze %dma_start3A_20 : memref<1x128xi32, #tpu.memory_space<vmem>> -> memref<128xi32, #tpu.memory_space<vmem>>
    %dma_start3A_22 = arith.constant 0 : i32
    %dma_start3A_23 = arith.constant 0 : i32
    %dma_start3A_24 = tpu.memref_slice %arg2[%dma_start3A_22, %dma_start3A_23] : memref<1000000x32xf32, #tpu.memory_space<hbm>> -> memref<1000000x32xf32, #tpu.memory_space<hbm>>
    tpu.enqueue_indirect_dma source(%dma_start3A_24 : memref<1000000x32xf32, #tpu.memory_space<hbm>>) target(%dma_start3A_18 : memref<128x32xf32, #tpu.memory_space<vmem>>) offsets(%dma_start3A_21 : memref<128xi32, #tpu.memory_space<vmem>>) semaphore(%arg11 : memref<!tpu.dma_semaphore, #tpu.memory_space<semaphore_mem>>)
    %dma_start3A_25 = arith.constant 0 : i32
    %dma_start3A_26 = arith.constant 256 : i32
    %dma_start3A_27 = arith.constant 0 : i32
    %dma_start3A_28 = tpu.memref_slice %arg6[%dma_start3A_26, %dma_start3A_27] : memref<512x32xf32, #tpu.memory_space<vmem>> -> memref<128x32xf32, #tpu.memory_space<vmem>>
    %dma_start3A_29 = arith.constant 256 : i32
    %dma_start3A_30 = tpu.memref_slice %arg5[%dma_start3A_25, %dma_start3A_29] : memref<26x512xi32, #tpu.memory_space<vmem>> -> memref<1x128xi32, #tpu.memory_space<vmem>>
    %dma_start3A_31 = tpu.memref_squeeze %dma_start3A_30 : memref<1x128xi32, #tpu.memory_space<vmem>> -> memref<128xi32, #tpu.memory_space<vmem>>
    %dma_start3A_32 = arith.constant 0 : i32
    %dma_start3A_33 = arith.constant 0 : i32
    %dma_start3A_34 = tpu.memref_slice %arg2[%dma_start3A_32, %dma_start3A_33] : memref<1000000x32xf32, #tpu.memory_space<hbm>> -> memref<1000000x32xf32, #tpu.memory_space<hbm>>
    tpu.enqueue_indirect_dma source(%dma_start3A_34 : memref<1000000x32xf32, #tpu.memory_space<hbm>>) target(%dma_start3A_28 : memref<128x32xf32, #tpu.memory_space<vmem>>) offsets(%dma_start3A_31 : memref<128xi32, #tpu.memory_space<vmem>>) semaphore(%arg11 : memref<!tpu.dma_semaphore, #tpu.memory_space<semaphore_mem>>)
    %dma_start3A_35 = arith.constant 0 : i32
    %dma_start3A_36 = arith.constant 384 : i32
    %dma_start3A_37 = arith.constant 0 : i32
    %dma_start3A_38 = tpu.memref_slice %arg6[%dma_start3A_36, %dma_start3A_37] : memref<512x32xf32, #tpu.memory_space<vmem>> -> memref<128x32xf32, #tpu.memory_space<vmem>>
    %dma_start3A_39 = arith.constant 384 : i32
    %dma_start3A_40 = tpu.memref_slice %arg5[%dma_start3A_35, %dma_start3A_39] : memref<26x512xi32, #tpu.memory_space<vmem>> -> memref<1x128xi32, #tpu.memory_space<vmem>>
    %dma_start3A_41 = tpu.memref_squeeze %dma_start3A_40 : memref<1x128xi32, #tpu.memory_space<vmem>> -> memref<128xi32, #tpu.memory_space<vmem>>
    %dma_start3A_42 = arith.constant 0 : i32
    %dma_start3A_43 = arith.constant 0 : i32
    %dma_start3A_44 = tpu.memref_slice %arg2[%dma_start3A_42, %dma_start3A_43] : memref<1000000x32xf32, #tpu.memory_space<hbm>> -> memref<1000000x32xf32, #tpu.memory_space<hbm>>
    tpu.enqueue_indirect_dma source(%dma_start3A_44 : memref<1000000x32xf32, #tpu.memory_space<hbm>>) target(%dma_start3A_38 : memref<128x32xf32, #tpu.memory_space<vmem>>) offsets(%dma_start3A_41 : memref<128xi32, #tpu.memory_space<vmem>>) semaphore(%arg11 : memref<!tpu.dma_semaphore, #tpu.memory_space<semaphore_mem>>)
    %scan3A = arith.constant 0 : i32
    %scan3A_45 = arith.constant 0 : i32
    %scan3A_46 = arith.constant 13 : i32
    %scan3A_47 = arith.addi %scan3A_45, %scan3A_46 : i32
    %scan3A_48 = arith.constant 1 : i32
    scf.for %scan3A_57 = %scan3A_45 to %scan3A_47 step %scan3A_48  : i32 {
      %mul3A_58 = arith.constant 2 : i32
      %mul3A_59 = arith.muli %mul3A_58, %scan3A_57 : i32
      %add3A_60 = arith.constant 1 : i32
      %add3A_61 = arith.addi %mul3A_59, %add3A_60 : i32
      %dma_start3A_62 = arith.constant 0 : i32
      %dma_start3A_63 = arith.constant 0 : i32
      %dma_start3A_64 = tpu.memref_slice %arg7[%dma_start3A_62, %dma_start3A_63] : memref<512x32xf32, #tpu.memory_space<vmem>> -> memref<128x32xf32, #tpu.memory_space<vmem>>
      %dma_start3A_65 = arith.constant 0 : i32
      %dma_start3A_66 = tpu.memref_slice %arg5[%add3A_61, %dma_start3A_65] : memref<26x512xi32, #tpu.memory_space<vmem>> -> memref<1x128xi32, #tpu.memory_space<vmem>>
      %dma_start3A_67 = tpu.memref_squeeze %dma_start3A_66 : memref<1x128xi32, #tpu.memory_space<vmem>> -> memref<128xi32, #tpu.memory_space<vmem>>
      %dma_start3A_68 = arith.constant 0 : i32
      %dma_start3A_69 = arith.constant 0 : i32
      %dma_start3A_70 = tpu.memref_slice %arg2[%dma_start3A_68, %dma_start3A_69] : memref<1000000x32xf32, #tpu.memory_space<hbm>> -> memref<1000000x32xf32, #tpu.memory_space<hbm>>
      tpu.enqueue_indirect_dma source(%dma_start3A_70 : memref<1000000x32xf32, #tpu.memory_space<hbm>>) target(%dma_start3A_64 : memref<128x32xf32, #tpu.memory_space<vmem>>) offsets(%dma_start3A_67 : memref<128xi32, #tpu.memory_space<vmem>>) semaphore(%arg12 : memref<!tpu.dma_semaphore, #tpu.memory_space<semaphore_mem>>)
      %dma_start3A_71 = arith.constant 128 : i32
      %dma_start3A_72 = arith.constant 0 : i32
      %dma_start3A_73 = tpu.memref_slice %arg7[%dma_start3A_71, %dma_start3A_72] : memref<512x32xf32, #tpu.memory_space<vmem>> -> memref<128x32xf32, #tpu.memory_space<vmem>>
      %dma_start3A_74 = arith.constant 128 : i32
      %dma_start3A_75 = tpu.memref_slice %arg5[%add3A_61, %dma_start3A_74] : memref<26x512xi32, #tpu.memory_space<vmem>> -> memref<1x128xi32, #tpu.memory_space<vmem>>
      %dma_start3A_76 = tpu.memref_squeeze %dma_start3A_75 : memref<1x128xi32, #tpu.memory_space<vmem>> -> memref<128xi32, #tpu.memory_space<vmem>>
      %dma_start3A_77 = arith.constant 0 : i32
      %dma_start3A_78 = arith.constant 0 : i32
      %dma_start3A_79 = tpu.memref_slice %arg2[%dma_start3A_77, %dma_start3A_78] : memref<1000000x32xf32, #tpu.memory_space<hbm>> -> memref<1000000x32xf32, #tpu.memory_space<hbm>>
      tpu.enqueue_indirect_dma source(%dma_start3A_79 : memref<1000000x32xf32, #tpu.memory_space<hbm>>) target(%dma_start3A_73 : memref<128x32xf32, #tpu.memory_space<vmem>>) offsets(%dma_start3A_76 : memref<128xi32, #tpu.memory_space<vmem>>) semaphore(%arg12 : memref<!tpu.dma_semaphore, #tpu.memory_space<semaphore_mem>>)
      %dma_start3A_80 = arith.constant 256 : i32
      %dma_start3A_81 = arith.constant 0 : i32
      %dma_start3A_82 = tpu.memref_slice %arg7[%dma_start3A_80, %dma_start3A_81] : memref<512x32xf32, #tpu.memory_space<vmem>> -> memref<128x32xf32, #tpu.memory_space<vmem>>
      %dma_start3A_83 = arith.constant 256 : i32
      %dma_start3A_84 = tpu.memref_slice %arg5[%add3A_61, %dma_start3A_83] : memref<26x512xi32, #tpu.memory_space<vmem>> -> memref<1x128xi32, #tpu.memory_space<vmem>>
      %dma_start3A_85 = tpu.memref_squeeze %dma_start3A_84 : memref<1x128xi32, #tpu.memory_space<vmem>> -> memref<128xi32, #tpu.memory_space<vmem>>
      %dma_start3A_86 = arith.constant 0 : i32
      %dma_start3A_87 = arith.constant 0 : i32
      %dma_start3A_88 = tpu.memref_slice %arg2[%dma_start3A_86, %dma_start3A_87] : memref<1000000x32xf32, #tpu.memory_space<hbm>> -> memref<1000000x32xf32, #tpu.memory_space<hbm>>
      tpu.enqueue_indirect_dma source(%dma_start3A_88 : memref<1000000x32xf32, #tpu.memory_space<hbm>>) target(%dma_start3A_82 : memref<128x32xf32, #tpu.memory_space<vmem>>) offsets(%dma_start3A_85 : memref<128xi32, #tpu.memory_space<vmem>>) semaphore(%arg12 : memref<!tpu.dma_semaphore, #tpu.memory_space<semaphore_mem>>)
      %dma_start3A_89 = arith.constant 384 : i32
      %dma_start3A_90 = arith.constant 0 : i32
      %dma_start3A_91 = tpu.memref_slice %arg7[%dma_start3A_89, %dma_start3A_90] : memref<512x32xf32, #tpu.memory_space<vmem>> -> memref<128x32xf32, #tpu.memory_space<vmem>>
      %dma_start3A_92 = arith.constant 384 : i32
      %dma_start3A_93 = tpu.memref_slice %arg5[%add3A_61, %dma_start3A_92] : memref<26x512xi32, #tpu.memory_space<vmem>> -> memref<1x128xi32, #tpu.memory_space<vmem>>
      %dma_start3A_94 = tpu.memref_squeeze %dma_start3A_93 : memref<1x128xi32, #tpu.memory_space<vmem>> -> memref<128xi32, #tpu.memory_space<vmem>>
      %dma_start3A_95 = arith.constant 0 : i32
      %dma_start3A_96 = arith.constant 0 : i32
      %dma_start3A_97 = tpu.memref_slice %arg2[%dma_start3A_95, %dma_start3A_96] : memref<1000000x32xf32, #tpu.memory_space<hbm>> -> memref<1000000x32xf32, #tpu.memory_space<hbm>>
      tpu.enqueue_indirect_dma source(%dma_start3A_97 : memref<1000000x32xf32, #tpu.memory_space<hbm>>) target(%dma_start3A_91 : memref<128x32xf32, #tpu.memory_space<vmem>>) offsets(%dma_start3A_94 : memref<128xi32, #tpu.memory_space<vmem>>) semaphore(%arg12 : memref<!tpu.dma_semaphore, #tpu.memory_space<semaphore_mem>>)
      %eq3A = arith.constant 0 : i32
      %eq3A_98 = arith.cmpi eq, %scan3A_57, %eq3A : i32
      %dma_wait3A_99 = arith.constant 0 : i32
      %dma_wait3A_100 = arith.constant 0 : i32
      %dma_wait3A_101 = tpu.memref_slice %arg2[%dma_wait3A_99, %dma_wait3A_100] : memref<1000000x32xf32, #tpu.memory_space<hbm>> -> memref<512x32xf32, #tpu.memory_space<hbm>>
      %dma_wait3A_102 = arith.constant 0 : i32
      %dma_wait3A_103 = arith.constant 0 : i32
      %dma_wait3A_104 = tpu.memref_slice %arg2[%dma_wait3A_102, %dma_wait3A_103] : memref<1000000x32xf32, #tpu.memory_space<hbm>> -> memref<512x32xf32, #tpu.memory_space<hbm>>
      tpu.wait_dma2 semaphore(%arg11 : memref<!tpu.dma_semaphore, #tpu.memory_space<semaphore_mem>>) src(%dma_wait3A_104 : memref<512x32xf32, #tpu.memory_space<hbm>>) dst(%arg6 : memref<512x32xf32, #tpu.memory_space<vmem>>)
      %not3A = arith.constant true
      %not3A_105 = arith.xori %eq3A_98, %not3A : i1
      %convert_element_type3A = arith.extui %not3A_105 : i1 to i32
      %cond3A = arith.constant 0 : i32
      %cond3A_106 = arith.cmpi ne, %convert_element_type3A, %cond3A : i32
      scf.if %cond3A_106 {
        %dma_wait3A_751 = arith.constant 0 : i32
        %dma_wait3A_752 = tpu.memref_slice %arg4[%dma_wait3A_751] : memref<13631488xf32, #tpu.memory_space<hbm>> -> memref<16384xf32, #tpu.memory_space<hbm>>
        %dma_wait3A_753 = arith.constant 0 : i32
        %dma_wait3A_754 = tpu.memref_slice %arg4[%dma_wait3A_753] : memref<13631488xf32, #tpu.memory_space<hbm>> -> memref<16384xf32, #tpu.memory_space<hbm>>
        tpu.wait_dma2 semaphore(%arg13 : memref<!tpu.dma_semaphore, #tpu.memory_space<semaphore_mem>>) src(%dma_wait3A_754 : memref<16384xf32, #tpu.memory_space<hbm>>) dst(%arg8 : memref<16384xf32, #tpu.memory_space<vmem>>)
      } else {
      }
      %parallel_loop3A = arith.constant 0 : i32
      %parallel_loop3A_107 = arith.constant 256 : i32
      %parallel_loop3A_108 = arith.constant 1 : i32
      scf.for %parallel_loop3A_751 = %parallel_loop3A to %parallel_loop3A_107 step %parallel_loop3A_108  : i32 {
        %parallel_loop3A_752 = arith.constant 1 : i32
        %parallel_loop3A_753 = arith.shrsi %parallel_loop3A_751, %parallel_loop3A_752 : i32
        %parallel_loop3A_754 = arith.constant 1 : i32
        %parallel_loop3A_755 = arith.andi %parallel_loop3A_751, %parallel_loop3A_754 : i32
        %parallel_loop3A_756 = arith.constant 0 : i32
        %parallel_loop3A_757 = arith.addi %parallel_loop3A_756, %parallel_loop3A_753 : i32
        %parallel_loop3A_758 = arith.constant 16 : i32
        %parallel_loop3A_759 = arith.muli %parallel_loop3A_755, %parallel_loop3A_758 : i32
        %parallel_loop3A_760 = arith.index_cast %parallel_loop3A_757 : i32 to index
        %parallel_loop3A_761 = arith.index_cast %parallel_loop3A_759 : i32 to index
        %parallel_loop3A_762 = tpu.vector_load %arg6[%parallel_loop3A_760, %parallel_loop3A_761] {strides = array<i32>} : memref<512x32xf32, #tpu.memory_space<vmem>>, vector<16xf32>,
        %parallel_loop3A_763 = arith.constant 16 : i32
        %parallel_loop3A_764 = arith.muli %parallel_loop3A_755, %parallel_loop3A_763 : i32
        %parallel_loop3A_765 = arith.constant 129 : i32
        %parallel_loop3A_766 = arith.muli %parallel_loop3A_764, %parallel_loop3A_765 : i32
        %parallel_loop3A_767 = arith.addi %parallel_loop3A_766, %parallel_loop3A_753 : i32
        %parallel_loop3A_768 = vector.broadcast %parallel_loop3A_767 : i32 to vector<16xi32>
        %parallel_loop3A_769 = arith.addi %mul3A_5, %parallel_loop3A_768 : vector<16xi32>
        tpu.vector_store_idx %arg10[%parallel_loop3A_769], %parallel_loop3A_762 : memref<4224xf32, #tpu.memory_space<vmem>>[vector<16xi32>], vector<16xf32>,
      } {sc.loop_unroll_factor = 8 : i64, sc.parallel_access}
      %parallel_loop3A_109 = arith.constant 0 : i32
      %parallel_loop3A_110 = arith.constant 256 : i32
      %parallel_loop3A_111 = arith.constant 1 : i32
      scf.for %parallel_loop3A_751 = %parallel_loop3A_109 to %parallel_loop3A_110 step %parallel_loop3A_111  : i32 {
        %parallel_loop3A_752 = arith.constant 4 : i32
        %parallel_loop3A_753 = arith.shli %parallel_loop3A_751, %parallel_loop3A_752 : i32
        %parallel_loop3A_754 = arith.constant 3 : i32
        %parallel_loop3A_755 = arith.shrsi %parallel_loop3A_751, %parallel_loop3A_754 : i32
        %parallel_loop3A_756 = arith.addi %parallel_loop3A_753, %parallel_loop3A_755 : i32
        %parallel_loop3A_757 = arith.index_cast %parallel_loop3A_756 : i32 to index
        %parallel_loop3A_758 = tpu.vector_load %arg10[%parallel_loop3A_757] {strides = array<i32>} : memref<4224xf32, #tpu.memory_space<vmem>>, vector<16xf32>,
        %parallel_loop3A_759 = arith.constant 16 : i32
        %parallel_loop3A_760 = arith.muli %parallel_loop3A_751, %parallel_loop3A_759 : i32
        %parallel_loop3A_761 = arith.constant 0 : i32
        %parallel_loop3A_762 = arith.addi %parallel_loop3A_761, %parallel_loop3A_760 : i32
        %parallel_loop3A_763 = arith.index_cast %parallel_loop3A_762 : i32 to index
        %parallel_loop3A_764 = tpu.vector_load %arg8[%parallel_loop3A_763] {strides = array<i32>} : memref<16384xf32, #tpu.memory_space<vmem>>, vector<16xf32>,
        tpu.vector_store %arg8[%parallel_loop3A_763], %parallel_loop3A_758 {strides = array<i32>} : memref<16384xf32, #tpu.memory_space<vmem>>, vector<16xf32>,
      } {sc.loop_unroll_factor = 8 : i64, sc.parallel_access}
      %parallel_loop3A_112 = arith.constant 0 : i32
      %parallel_loop3A_113 = arith.constant 256 : i32
      %parallel_loop3A_114 = arith.constant 1 : i32
      scf.for %parallel_loop3A_751 = %parallel_loop3A_112 to %parallel_loop3A_113 step %parallel_loop3A_114  : i32 {
        %parallel_loop3A_752 = arith.constant 1 : i32
        %parallel_loop3A_753 = arith.shrsi %parallel_loop3A_751, %parallel_loop3A_752 : i32
        %parallel_loop3A_754 = arith.constant 1 : i32
        %parallel_loop3A_755 = arith.andi %parallel_loop3A_751, %parallel_loop3A_754 : i32
        %parallel_loop3A_756 = arith.constant 128 : i32
        %parallel_loop3A_757 = arith.addi %parallel_loop3A_756, %parallel_loop3A_753 : i32
        %parallel_loop3A_758 = arith.constant 16 : i32
        %parallel_loop3A_759 = arith.muli %parallel_loop3A_755, %parallel_loop3A_758 : i32
        %parallel_loop3A_760 = arith.index_cast %parallel_loop3A_757 : i32 to index
        %parallel_loop3A_761 = arith.index_cast %parallel_loop3A_759 : i32 to index
        %parallel_loop3A_762 = tpu.vector_load %arg6[%parallel_loop3A_760, %parallel_loop3A_761] {strides = array<i32>} : memref<512x32xf32, #tpu.memory_space<vmem>>, vector<16xf32>,
        %parallel_loop3A_763 = arith.constant 16 : i32
        %parallel_loop3A_764 = arith.muli %parallel_loop3A_755, %parallel_loop3A_763 : i32
        %parallel_loop3A_765 = arith.constant 129 : i32
        %parallel_loop3A_766 = arith.muli %parallel_loop3A_764, %parallel_loop3A_765 : i32
        %parallel_loop3A_767 = arith.addi %parallel_loop3A_766, %parallel_loop3A_753 : i32
        %parallel_loop3A_768 = vector.broadcast %parallel_loop3A_767 : i32 to vector<16xi32>
        %parallel_loop3A_769 = arith.addi %mul3A_5, %parallel_loop3A_768 : vector<16xi32>
        tpu.vector_store_idx %arg10[%parallel_loop3A_769], %parallel_loop3A_762 : memref<4224xf32, #tpu.memory_space<vmem>>[vector<16xi32>], vector<16xf32>,
      } {sc.loop_unroll_factor = 8 : i64, sc.parallel_access}
      %parallel_loop3A_115 = arith.constant 0 : i32
      %parallel_loop3A_116 = arith.constant 256 : i32
      %parallel_loop3A_117 = arith.constant 1 : i32
      scf.for %parallel_loop3A_751 = %parallel_loop3A_115 to %parallel_loop3A_116 step %parallel_loop3A_117  : i32 {
        %parallel_loop3A_752 = arith.constant 4 : i32
        %parallel_loop3A_753 = arith.shli %parallel_loop3A_751, %parallel_loop3A_752 : i32
        %parallel_loop3A_754 = arith.constant 3 : i32
        %parallel_loop3A_755 = arith.shrsi %parallel_loop3A_751, %parallel_loop3A_754 : i32
        %parallel_loop3A_756 = arith.addi %parallel_loop3A_753, %parallel_loop3A_755 : i32
        %parallel_loop3A_757 = arith.index_cast %parallel_loop3A_756 : i32 to index
        %parallel_loop3A_758 = tpu.vector_load %arg10[%parallel_loop3A_757] {strides = array<i32>} : memref<4224xf32, #tpu.memory_space<vmem>>, vector<16xf32>,
        %parallel_loop3A_759 = arith.constant 16 : i32
        %parallel_loop3A_760 = arith.muli %parallel_loop3A_751, %parallel_loop3A_759 : i32
        %parallel_loop3A_761 = arith.constant 4096 : i32
        %parallel_loop3A_762 = arith.addi %parallel_loop3A_761, %parallel_loop3A_760 : i32
        %parallel_loop3A_763 = arith.index_cast %parallel_loop3A_762 : i32 to index
        %parallel_loop3A_764 = tpu.vector_load %arg8[%parallel_loop3A_763] {strides = array<i32>} : memref<16384xf32, #tpu.memory_space<vmem>>, vector<16xf32>,
        tpu.vector_store %arg8[%parallel_loop3A_763], %parallel_loop3A_758 {strides = array<i32>} : memref<16384xf32, #tpu.memory_space<vmem>>, vector<16xf32>,
      } {sc.loop_unroll_factor = 8 : i64, sc.parallel_access}
      %parallel_loop3A_118 = arith.constant 0 : i32
      %parallel_loop3A_119 = arith.constant 256 : i32
      %parallel_loop3A_120 = arith.constant 1 : i32
      scf.for %parallel_loop3A_751 = %parallel_loop3A_118 to %parallel_loop3A_119 step %parallel_loop3A_120  : i32 {
        %parallel_loop3A_752 = arith.constant 1 : i32
        %parallel_loop3A_753 = arith.shrsi %parallel_loop3A_751, %parallel_loop3A_752 : i32
        %parallel_loop3A_754 = arith.constant 1 : i32
        %parallel_loop3A_755 = arith.andi %parallel_loop3A_751, %parallel_loop3A_754 : i32
        %parallel_loop3A_756 = arith.constant 256 : i32
        %parallel_loop3A_757 = arith.addi %parallel_loop3A_756, %parallel_loop3A_753 : i32
        %parallel_loop3A_758 = arith.constant 16 : i32
        %parallel_loop3A_759 = arith.muli %parallel_loop3A_755, %parallel_loop3A_758 : i32
        %parallel_loop3A_760 = arith.index_cast %parallel_loop3A_757 : i32 to index
        %parallel_loop3A_761 = arith.index_cast %parallel_loop3A_759 : i32 to index
        %parallel_loop3A_762 = tpu.vector_load %arg6[%parallel_loop3A_760, %parallel_loop3A_761] {strides = array<i32>} : memref<512x32xf32, #tpu.memory_space<vmem>>, vector<16xf32>,
        %parallel_loop3A_763 = arith.constant 16 : i32
        %parallel_loop3A_764 = arith.muli %parallel_loop3A_755, %parallel_loop3A_763 : i32
        %parallel_loop3A_765 = arith.constant 129 : i32
        %parallel_loop3A_766 = arith.muli %parallel_loop3A_764, %parallel_loop3A_765 : i32
        %parallel_loop3A_767 = arith.addi %parallel_loop3A_766, %parallel_loop3A_753 : i32
        %parallel_loop3A_768 = vector.broadcast %parallel_loop3A_767 : i32 to vector<16xi32>
        %parallel_loop3A_769 = arith.addi %mul3A_5, %parallel_loop3A_768 : vector<16xi32>
        tpu.vector_store_idx %arg10[%parallel_loop3A_769], %parallel_loop3A_762 : memref<4224xf32, #tpu.memory_space<vmem>>[vector<16xi32>], vector<16xf32>,
      } {sc.loop_unroll_factor = 8 : i64, sc.parallel_access}
      %parallel_loop3A_121 = arith.constant 0 : i32
      %parallel_loop3A_122 = arith.constant 256 : i32
      %parallel_loop3A_123 = arith.constant 1 : i32
      scf.for %parallel_loop3A_751 = %parallel_loop3A_121 to %parallel_loop3A_122 step %parallel_loop3A_123  : i32 {
        %parallel_loop3A_752 = arith.constant 4 : i32
        %parallel_loop3A_753 = arith.shli %parallel_loop3A_751, %parallel_loop3A_752 : i32
        %parallel_loop3A_754 = arith.constant 3 : i32
        %parallel_loop3A_755 = arith.shrsi %parallel_loop3A_751, %parallel_loop3A_754 : i32
        %parallel_loop3A_756 = arith.addi %parallel_loop3A_753, %parallel_loop3A_755 : i32
        %parallel_loop3A_757 = arith.index_cast %parallel_loop3A_756 : i32 to index
        %parallel_loop3A_758 = tpu.vector_load %arg10[%parallel_loop3A_757] {strides = array<i32>} : memref<4224xf32, #tpu.memory_space<vmem>>, vector<16xf32>,
        %parallel_loop3A_759 = arith.constant 16 : i32
        %parallel_loop3A_760 = arith.muli %parallel_loop3A_751, %parallel_loop3A_759 : i32
        %parallel_loop3A_761 = arith.constant 8192 : i32
        %parallel_loop3A_762 = arith.addi %parallel_loop3A_761, %parallel_loop3A_760 : i32
        %parallel_loop3A_763 = arith.index_cast %parallel_loop3A_762 : i32 to index
        %parallel_loop3A_764 = tpu.vector_load %arg8[%parallel_loop3A_763] {strides = array<i32>} : memref<16384xf32, #tpu.memory_space<vmem>>, vector<16xf32>,
        tpu.vector_store %arg8[%parallel_loop3A_763], %parallel_loop3A_758 {strides = array<i32>} : memref<16384xf32, #tpu.memory_space<vmem>>, vector<16xf32>,
      } {sc.loop_unroll_factor = 8 : i64, sc.parallel_access}
      %parallel_loop3A_124 = arith.constant 0 : i32
      %parallel_loop3A_125 = arith.constant 256 : i32
      %parallel_loop3A_126 = arith.constant 1 : i32
      scf.for %parallel_loop3A_751 = %parallel_loop3A_124 to %parallel_loop3A_125 step %parallel_loop3A_126  : i32 {
        %parallel_loop3A_752 = arith.constant 1 : i32
        %parallel_loop3A_753 = arith.shrsi %parallel_loop3A_751, %parallel_loop3A_752 : i32
        %parallel_loop3A_754 = arith.constant 1 : i32
        %parallel_loop3A_755 = arith.andi %parallel_loop3A_751, %parallel_loop3A_754 : i32
        %parallel_loop3A_756 = arith.constant 384 : i32
        %parallel_loop3A_757 = arith.addi %parallel_loop3A_756, %parallel_loop3A_753 : i32
        %parallel_loop3A_758 = arith.constant 16 : i32
        %parallel_loop3A_759 = arith.muli %parallel_loop3A_755, %parallel_loop3A_758 : i32
        %parallel_loop3A_760 = arith.index_cast %parallel_loop3A_757 : i32 to index
        %parallel_loop3A_761 = arith.index_cast %parallel_loop3A_759 : i32 to index
        %parallel_loop3A_762 = tpu.vector_load %arg6[%parallel_loop3A_760, %parallel_loop3A_761] {strides = array<i32>} : memref<512x32xf32, #tpu.memory_space<vmem>>, vector<16xf32>,
        %parallel_loop3A_763 = arith.constant 16 : i32
        %parallel_loop3A_764 = arith.muli %parallel_loop3A_755, %parallel_loop3A_763 : i32
        %parallel_loop3A_765 = arith.constant 129 : i32
        %parallel_loop3A_766 = arith.muli %parallel_loop3A_764, %parallel_loop3A_765 : i32
        %parallel_loop3A_767 = arith.addi %parallel_loop3A_766, %parallel_loop3A_753 : i32
        %parallel_loop3A_768 = vector.broadcast %parallel_loop3A_767 : i32 to vector<16xi32>
        %parallel_loop3A_769 = arith.addi %mul3A_5, %parallel_loop3A_768 : vector<16xi32>
        tpu.vector_store_idx %arg10[%parallel_loop3A_769], %parallel_loop3A_762 : memref<4224xf32, #tpu.memory_space<vmem>>[vector<16xi32>], vector<16xf32>,
      } {sc.loop_unroll_factor = 8 : i64, sc.parallel_access}
      %parallel_loop3A_127 = arith.constant 0 : i32
      %parallel_loop3A_128 = arith.constant 256 : i32
      %parallel_loop3A_129 = arith.constant 1 : i32
      scf.for %parallel_loop3A_751 = %parallel_loop3A_127 to %parallel_loop3A_128 step %parallel_loop3A_129  : i32 {
        %parallel_loop3A_752 = arith.constant 4 : i32
        %parallel_loop3A_753 = arith.shli %parallel_loop3A_751, %parallel_loop3A_752 : i32
        %parallel_loop3A_754 = arith.constant 3 : i32
        %parallel_loop3A_755 = arith.shrsi %parallel_loop3A_751, %parallel_loop3A_754 : i32
        %parallel_loop3A_756 = arith.addi %parallel_loop3A_753, %parallel_loop3A_755 : i32
        %parallel_loop3A_757 = arith.index_cast %parallel_loop3A_756 : i32 to index
        %parallel_loop3A_758 = tpu.vector_load %arg10[%parallel_loop3A_757] {strides = array<i32>} : memref<4224xf32, #tpu.memory_space<vmem>>, vector<16xf32>,
        %parallel_loop3A_759 = arith.constant 16 : i32
        %parallel_loop3A_760 = arith.muli %parallel_loop3A_751, %parallel_loop3A_759 : i32
        %parallel_loop3A_761 = arith.constant 12288 : i32
        %parallel_loop3A_762 = arith.addi %parallel_loop3A_761, %parallel_loop3A_760 : i32
        %parallel_loop3A_763 = arith.index_cast %parallel_loop3A_762 : i32 to index
        %parallel_loop3A_764 = tpu.vector_load %arg8[%parallel_loop3A_763] {strides = array<i32>} : memref<16384xf32, #tpu.memory_space<vmem>>, vector<16xf32>,
        tpu.vector_store %arg8[%parallel_loop3A_763], %parallel_loop3A_758 {strides = array<i32>} : memref<16384xf32, #tpu.memory_space<vmem>>, vector<16xf32>,
      } {sc.loop_unroll_factor = 8 : i64, sc.parallel_access}
      %mul3A_130 = arith.constant 4 : i32
      %mul3A_131 = arith.muli %add3A, %mul3A_130 : i32
      %add3A_132 = arith.constant 0 : i32
      %add3A_133 = arith.addi %mul3A_131, %add3A_132 : i32
      %mul3A_134 = arith.constant 4 : i32
      %mul3A_135 = arith.muli %mul3A_59, %mul3A_134 : i32
      %add3A_136 = arith.constant 0 : i32
      %add3A_137 = arith.addi %mul3A_135, %add3A_136 : i32
      %mul3A_138 = arith.constant 128 : i32
      %mul3A_139 = arith.muli %add3A_137, %mul3A_138 : i32
      %add3A_140 = arith.addi %mul3A_139, %add3A_133 : i32
      %mul3A_141 = arith.constant 8 : i32
      %mul3A_142 = arith.muli %add3A_140, %mul3A_141 : i32
      %mul3A_143 = arith.constant 128 : i32
      %mul3A_144 = arith.muli %mul3A_142, %mul3A_143 : i32
      %dma_start3A_145 = arith.constant 0 : i32
      %dma_start3A_146 = tpu.memref_slice %arg8[%dma_start3A_145] : memref<16384xf32, #tpu.memory_space<vmem>> -> memref<1024xf32, #tpu.memory_space<vmem>>
      %dma_start3A_147 = tpu.memref_slice %arg4[%mul3A_144] : memref<13631488xf32, #tpu.memory_space<hbm>> -> memref<1024xf32, #tpu.memory_space<hbm>>
      %dma_start3A_148 = tpu.memref_slice %arg4[%mul3A_144] : memref<13631488xf32, #tpu.memory_space<hbm>> -> memref<1024xf32, #tpu.memory_space<hbm>>
      %dma_start3A_149 = arith.constant 0 : i32
      %dma_start3A_150 = tpu.memref_slice %arg8[%dma_start3A_149] : memref<16384xf32, #tpu.memory_space<vmem>> -> memref<1024xf32, #tpu.memory_space<vmem>>
      tpu.enqueue_dma source(%dma_start3A_150 : memref<1024xf32, #tpu.memory_space<vmem>>) target(%dma_start3A_148 : memref<1024xf32, #tpu.memory_space<hbm>>) target_semaphore(%arg13 : memref<!tpu.dma_semaphore, #tpu.memory_space<semaphore_mem>>)
      %mul3A_151 = arith.constant 4 : i32
      %mul3A_152 = arith.muli %mul3A_59, %mul3A_151 : i32
      %add3A_153 = arith.constant 1 : i32
      %add3A_154 = arith.addi %mul3A_152, %add3A_153 : i32
      %mul3A_155 = arith.constant 128 : i32
      %mul3A_156 = arith.muli %add3A_154, %mul3A_155 : i32
      %add3A_157 = arith.addi %mul3A_156, %add3A_133 : i32
      %mul3A_158 = arith.constant 8 : i32
      %mul3A_159 = arith.muli %add3A_157, %mul3A_158 : i32
      %mul3A_160 = arith.constant 128 : i32
      %mul3A_161 = arith.muli %mul3A_159, %mul3A_160 : i32
      %dma_start3A_162 = arith.constant 1024 : i32
      %dma_start3A_163 = tpu.memref_slice %arg8[%dma_start3A_162] : memref<16384xf32, #tpu.memory_space<vmem>> -> memref<1024xf32, #tpu.memory_space<vmem>>
      %dma_start3A_164 = tpu.memref_slice %arg4[%mul3A_161] : memref<13631488xf32, #tpu.memory_space<hbm>> -> memref<1024xf32, #tpu.memory_space<hbm>>
      %dma_start3A_165 = tpu.memref_slice %arg4[%mul3A_161] : memref<13631488xf32, #tpu.memory_space<hbm>> -> memref<1024xf32, #tpu.memory_space<hbm>>
      %dma_start3A_166 = arith.constant 1024 : i32
      %dma_start3A_167 = tpu.memref_slice %arg8[%dma_start3A_166] : memref<16384xf32, #tpu.memory_space<vmem>> -> memref<1024xf32, #tpu.memory_space<vmem>>
      tpu.enqueue_dma source(%dma_start3A_167 : memref<1024xf32, #tpu.memory_space<vmem>>) target(%dma_start3A_165 : memref<1024xf32, #tpu.memory_space<hbm>>) target_semaphore(%arg13 : memref<!tpu.dma_semaphore, #tpu.memory_space<semaphore_mem>>)
      %mul3A_168 = arith.constant 4 : i32
      %mul3A_169 = arith.muli %mul3A_59, %mul3A_168 : i32
      %add3A_170 = arith.constant 2 : i32
      %add3A_171 = arith.addi %mul3A_169, %add3A_170 : i32
      %mul3A_172 = arith.constant 128 : i32
      %mul3A_173 = arith.muli %add3A_171, %mul3A_172 : i32
      %add3A_174 = arith.addi %mul3A_173, %add3A_133 : i32
      %mul3A_175 = arith.constant 8 : i32
      %mul3A_176 = arith.muli %add3A_174, %mul3A_175 : i32
      %mul3A_177 = arith.constant 128 : i32
      %mul3A_178 = arith.muli %mul3A_176, %mul3A_177 : i32
      %dma_start3A_179 = arith.constant 2048 : i32
      %dma_start3A_180 = tpu.memref_slice %arg8[%dma_start3A_179] : memref<16384xf32, #tpu.memory_space<vmem>> -> memref<1024xf32, #tpu.memory_space<vmem>>
      %dma_start3A_181 = tpu.memref_slice %arg4[%mul3A_178] : memref<13631488xf32, #tpu.memory_space<hbm>> -> memref<1024xf32, #tpu.memory_space<hbm>>
      %dma_start3A_182 = tpu.memref_slice %arg4[%mul3A_178] : memref<13631488xf32, #tpu.memory_space<hbm>> -> memref<1024xf32, #tpu.memory_space<hbm>>
      %dma_start3A_183 = arith.constant 2048 : i32
      %dma_start3A_184 = tpu.memref_slice %arg8[%dma_start3A_183] : memref<16384xf32, #tpu.memory_space<vmem>> -> memref<1024xf32, #tpu.memory_space<vmem>>
      tpu.enqueue_dma source(%dma_start3A_184 : memref<1024xf32, #tpu.memory_space<vmem>>) target(%dma_start3A_182 : memref<1024xf32, #tpu.memory_space<hbm>>) target_semaphore(%arg13 : memref<!tpu.dma_semaphore, #tpu.memory_space<semaphore_mem>>)
      %mul3A_185 = arith.constant 4 : i32
      %mul3A_186 = arith.muli %mul3A_59, %mul3A_185 : i32
      %add3A_187 = arith.constant 3 : i32
      %add3A_188 = arith.addi %mul3A_186, %add3A_187 : i32
      %mul3A_189 = arith.constant 128 : i32
      %mul3A_190 = arith.muli %add3A_188, %mul3A_189 : i32
      %add3A_191 = arith.addi %mul3A_190, %add3A_133 : i32
      %mul3A_192 = arith.constant 8 : i32
      %mul3A_193 = arith.muli %add3A_191, %mul3A_192 : i32
      %mul3A_194 = arith.constant 128 : i32
      %mul3A_195 = arith.muli %mul3A_193, %mul3A_194 : i32
      %dma_start3A_196 = arith.constant 3072 : i32
      %dma_start3A_197 = tpu.memref_slice %arg8[%dma_start3A_196] : memref<16384xf32, #tpu.memory_space<vmem>> -> memref<1024xf32, #tpu.memory_space<vmem>>
      %dma_start3A_198 = tpu.memref_slice %arg4[%mul3A_195] : memref<13631488xf32, #tpu.memory_space<hbm>> -> memref<1024xf32, #tpu.memory_space<hbm>>
      %dma_start3A_199 = tpu.memref_slice %arg4[%mul3A_195] : memref<13631488xf32, #tpu.memory_space<hbm>> -> memref<1024xf32, #tpu.memory_space<hbm>>
      %dma_start3A_200 = arith.constant 3072 : i32
      %dma_start3A_201 = tpu.memref_slice %arg8[%dma_start3A_200] : memref<16384xf32, #tpu.memory_space<vmem>> -> memref<1024xf32, #tpu.memory_space<vmem>>
      tpu.enqueue_dma source(%dma_start3A_201 : memref<1024xf32, #tpu.memory_space<vmem>>) target(%dma_start3A_199 : memref<1024xf32, #tpu.memory_space<hbm>>) target_semaphore(%arg13 : memref<!tpu.dma_semaphore, #tpu.memory_space<semaphore_mem>>)
      %mul3A_202 = arith.constant 4 : i32
      %mul3A_203 = arith.muli %add3A, %mul3A_202 : i32
      %add3A_204 = arith.constant 1 : i32
      %add3A_205 = arith.addi %mul3A_203, %add3A_204 : i32
      %mul3A_206 = arith.constant 4 : i32
      %mul3A_207 = arith.muli %mul3A_59, %mul3A_206 : i32
      %add3A_208 = arith.constant 0 : i32
      %add3A_209 = arith.addi %mul3A_207, %add3A_208 : i32
      %mul3A_210 = arith.constant 128 : i32
      %mul3A_211 = arith.muli %add3A_209, %mul3A_210 : i32
      %add3A_212 = arith.addi %mul3A_211, %add3A_205 : i32
      %mul3A_213 = arith.constant 8 : i32
      %mul3A_214 = arith.muli %add3A_212, %mul3A_213 : i32
      %mul3A_215 = arith.constant 128 : i32
      %mul3A_216 = arith.muli %mul3A_214, %mul3A_215 : i32
      %dma_start3A_217 = arith.constant 4096 : i32
      %dma_start3A_218 = tpu.memref_slice %arg8[%dma_start3A_217] : memref<16384xf32, #tpu.memory_space<vmem>> -> memref<1024xf32, #tpu.memory_space<vmem>>
      %dma_start3A_219 = tpu.memref_slice %arg4[%mul3A_216] : memref<13631488xf32, #tpu.memory_space<hbm>> -> memref<1024xf32, #tpu.memory_space<hbm>>
      %dma_start3A_220 = tpu.memref_slice %arg4[%mul3A_216] : memref<13631488xf32, #tpu.memory_space<hbm>> -> memref<1024xf32, #tpu.memory_space<hbm>>
      %dma_start3A_221 = arith.constant 4096 : i32
      %dma_start3A_222 = tpu.memref_slice %arg8[%dma_start3A_221] : memref<16384xf32, #tpu.memory_space<vmem>> -> memref<1024xf32, #tpu.memory_space<vmem>>
      tpu.enqueue_dma source(%dma_start3A_222 : memref<1024xf32, #tpu.memory_space<vmem>>) target(%dma_start3A_220 : memref<1024xf32, #tpu.memory_space<hbm>>) target_semaphore(%arg13 : memref<!tpu.dma_semaphore, #tpu.memory_space<semaphore_mem>>)
      %mul3A_223 = arith.constant 4 : i32
      %mul3A_224 = arith.muli %mul3A_59, %mul3A_223 : i32
      %add3A_225 = arith.constant 1 : i32
      %add3A_226 = arith.addi %mul3A_224, %add3A_225 : i32
      %mul3A_227 = arith.constant 128 : i32
      %mul3A_228 = arith.muli %add3A_226, %mul3A_227 : i32
      %add3A_229 = arith.addi %mul3A_228, %add3A_205 : i32
      %mul3A_230 = arith.constant 8 : i32
      %mul3A_231 = arith.muli %add3A_229, %mul3A_230 : i32
      %mul3A_232 = arith.constant 128 : i32
      %mul3A_233 = arith.muli %mul3A_231, %mul3A_232 : i32
      %dma_start3A_234 = arith.constant 5120 : i32
      %dma_start3A_235 = tpu.memref_slice %arg8[%dma_start3A_234] : memref<16384xf32, #tpu.memory_space<vmem>> -> memref<1024xf32, #tpu.memory_space<vmem>>
      %dma_start3A_236 = tpu.memref_slice %arg4[%mul3A_233] : memref<13631488xf32, #tpu.memory_space<hbm>> -> memref<1024xf32, #tpu.memory_space<hbm>>
      %dma_start3A_237 = tpu.memref_slice %arg4[%mul3A_233] : memref<13631488xf32, #tpu.memory_space<hbm>> -> memref<1024xf32, #tpu.memory_space<hbm>>
      %dma_start3A_238 = arith.constant 5120 : i32
      %dma_start3A_239 = tpu.memref_slice %arg8[%dma_start3A_238] : memref<16384xf32, #tpu.memory_space<vmem>> -> memref<1024xf32, #tpu.memory_space<vmem>>
      tpu.enqueue_dma source(%dma_start3A_239 : memref<1024xf32, #tpu.memory_space<vmem>>) target(%dma_start3A_237 : memref<1024xf32, #tpu.memory_space<hbm>>) target_semaphore(%arg13 : memref<!tpu.dma_semaphore, #tpu.memory_space<semaphore_mem>>)
      %mul3A_240 = arith.constant 4 : i32
      %mul3A_241 = arith.muli %mul3A_59, %mul3A_240 : i32
      %add3A_242 = arith.constant 2 : i32
      %add3A_243 = arith.addi %mul3A_241, %add3A_242 : i32
      %mul3A_244 = arith.constant 128 : i32
      %mul3A_245 = arith.muli %add3A_243, %mul3A_244 : i32
      %add3A_246 = arith.addi %mul3A_245, %add3A_205 : i32
      %mul3A_247 = arith.constant 8 : i32
      %mul3A_248 = arith.muli %add3A_246, %mul3A_247 : i32
      %mul3A_249 = arith.constant 128 : i32
      %mul3A_250 = arith.muli %mul3A_248, %mul3A_249 : i32
      %dma_start3A_251 = arith.constant 6144 : i32
      %dma_start3A_252 = tpu.memref_slice %arg8[%dma_start3A_251] : memref<16384xf32, #tpu.memory_space<vmem>> -> memref<1024xf32, #tpu.memory_space<vmem>>
      %dma_start3A_253 = tpu.memref_slice %arg4[%mul3A_250] : memref<13631488xf32, #tpu.memory_space<hbm>> -> memref<1024xf32, #tpu.memory_space<hbm>>
      %dma_start3A_254 = tpu.memref_slice %arg4[%mul3A_250] : memref<13631488xf32, #tpu.memory_space<hbm>> -> memref<1024xf32, #tpu.memory_space<hbm>>
      %dma_start3A_255 = arith.constant 6144 : i32
      %dma_start3A_256 = tpu.memref_slice %arg8[%dma_start3A_255] : memref<16384xf32, #tpu.memory_space<vmem>> -> memref<1024xf32, #tpu.memory_space<vmem>>
      tpu.enqueue_dma source(%dma_start3A_256 : memref<1024xf32, #tpu.memory_space<vmem>>) target(%dma_start3A_254 : memref<1024xf32, #tpu.memory_space<hbm>>) target_semaphore(%arg13 : memref<!tpu.dma_semaphore, #tpu.memory_space<semaphore_mem>>)
      %mul3A_257 = arith.constant 4 : i32
      %mul3A_258 = arith.muli %mul3A_59, %mul3A_257 : i32
      %add3A_259 = arith.constant 3 : i32
      %add3A_260 = arith.addi %mul3A_258, %add3A_259 : i32
      %mul3A_261 = arith.constant 128 : i32
      %mul3A_262 = arith.muli %add3A_260, %mul3A_261 : i32
      %add3A_263 = arith.addi %mul3A_262, %add3A_205 : i32
      %mul3A_264 = arith.constant 8 : i32
      %mul3A_265 = arith.muli %add3A_263, %mul3A_264 : i32
      %mul3A_266 = arith.constant 128 : i32
      %mul3A_267 = arith.muli %mul3A_265, %mul3A_266 : i32
      %dma_start3A_268 = arith.constant 7168 : i32
      %dma_start3A_269 = tpu.memref_slice %arg8[%dma_start3A_268] : memref<16384xf32, #tpu.memory_space<vmem>> -> memref<1024xf32, #tpu.memory_space<vmem>>
      %dma_start3A_270 = tpu.memref_slice %arg4[%mul3A_267] : memref<13631488xf32, #tpu.memory_space<hbm>> -> memref<1024xf32, #tpu.memory_space<hbm>>
      %dma_start3A_271 = tpu.memref_slice %arg4[%mul3A_267] : memref<13631488xf32, #tpu.memory_space<hbm>> -> memref<1024xf32, #tpu.memory_space<hbm>>
      %dma_start3A_272 = arith.constant 7168 : i32
      %dma_start3A_273 = tpu.memref_slice %arg8[%dma_start3A_272] : memref<16384xf32, #tpu.memory_space<vmem>> -> memref<1024xf32, #tpu.memory_space<vmem>>
      tpu.enqueue_dma source(%dma_start3A_273 : memref<1024xf32, #tpu.memory_space<vmem>>) target(%dma_start3A_271 : memref<1024xf32, #tpu.memory_space<hbm>>) target_semaphore(%arg13 : memref<!tpu.dma_semaphore, #tpu.memory_space<semaphore_mem>>)
      %mul3A_274 = arith.constant 4 : i32
      %mul3A_275 = arith.muli %add3A, %mul3A_274 : i32
      %add3A_276 = arith.constant 2 : i32
      %add3A_277 = arith.addi %mul3A_275, %add3A_276 : i32
      %mul3A_278 = arith.constant 4 : i32
      %mul3A_279 = arith.muli %mul3A_59, %mul3A_278 : i32
      %add3A_280 = arith.constant 0 : i32
      %add3A_281 = arith.addi %mul3A_279, %add3A_280 : i32
      %mul3A_282 = arith.constant 128 : i32
      %mul3A_283 = arith.muli %add3A_281, %mul3A_282 : i32
      %add3A_284 = arith.addi %mul3A_283, %add3A_277 : i32
      %mul3A_285 = arith.constant 8 : i32
      %mul3A_286 = arith.muli %add3A_284, %mul3A_285 : i32
      %mul3A_287 = arith.constant 128 : i32
      %mul3A_288 = arith.muli %mul3A_286, %mul3A_287 : i32
      %dma_start3A_289 = arith.constant 8192 : i32
      %dma_start3A_290 = tpu.memref_slice %arg8[%dma_start3A_289] : memref<16384xf32, #tpu.memory_space<vmem>> -> memref<1024xf32, #tpu.memory_space<vmem>>
      %dma_start3A_291 = tpu.memref_slice %arg4[%mul3A_288] : memref<13631488xf32, #tpu.memory_space<hbm>> -> memref<1024xf32, #tpu.memory_space<hbm>>
      %dma_start3A_292 = tpu.memref_slice %arg4[%mul3A_288] : memref<13631488xf32, #tpu.memory_space<hbm>> -> memref<1024xf32, #tpu.memory_space<hbm>>
      %dma_start3A_293 = arith.constant 8192 : i32
      %dma_start3A_294 = tpu.memref_slice %arg8[%dma_start3A_293] : memref<16384xf32, #tpu.memory_space<vmem>> -> memref<1024xf32, #tpu.memory_space<vmem>>
      tpu.enqueue_dma source(%dma_start3A_294 : memref<1024xf32, #tpu.memory_space<vmem>>) target(%dma_start3A_292 : memref<1024xf32, #tpu.memory_space<hbm>>) target_semaphore(%arg13 : memref<!tpu.dma_semaphore, #tpu.memory_space<semaphore_mem>>)
      %mul3A_295 = arith.constant 4 : i32
      %mul3A_296 = arith.muli %mul3A_59, %mul3A_295 : i32
      %add3A_297 = arith.constant 1 : i32
      %add3A_298 = arith.addi %mul3A_296, %add3A_297 : i32
      %mul3A_299 = arith.constant 128 : i32
      %mul3A_300 = arith.muli %add3A_298, %mul3A_299 : i32
      %add3A_301 = arith.addi %mul3A_300, %add3A_277 : i32
      %mul3A_302 = arith.constant 8 : i32
      %mul3A_303 = arith.muli %add3A_301, %mul3A_302 : i32
      %mul3A_304 = arith.constant 128 : i32
      %mul3A_305 = arith.muli %mul3A_303, %mul3A_304 : i32
      %dma_start3A_306 = arith.constant 9216 : i32
      %dma_start3A_307 = tpu.memref_slice %arg8[%dma_start3A_306] : memref<16384xf32, #tpu.memory_space<vmem>> -> memref<1024xf32, #tpu.memory_space<vmem>>
      %dma_start3A_308 = tpu.memref_slice %arg4[%mul3A_305] : memref<13631488xf32, #tpu.memory_space<hbm>> -> memref<1024xf32, #tpu.memory_space<hbm>>
      %dma_start3A_309 = tpu.memref_slice %arg4[%mul3A_305] : memref<13631488xf32, #tpu.memory_space<hbm>> -> memref<1024xf32, #tpu.memory_space<hbm>>
      %dma_start3A_310 = arith.constant 9216 : i32
      %dma_start3A_311 = tpu.memref_slice %arg8[%dma_start3A_310] : memref<16384xf32, #tpu.memory_space<vmem>> -> memref<1024xf32, #tpu.memory_space<vmem>>
      tpu.enqueue_dma source(%dma_start3A_311 : memref<1024xf32, #tpu.memory_space<vmem>>) target(%dma_start3A_309 : memref<1024xf32, #tpu.memory_space<hbm>>) target_semaphore(%arg13 : memref<!tpu.dma_semaphore, #tpu.memory_space<semaphore_mem>>)
      %mul3A_312 = arith.constant 4 : i32
      %mul3A_313 = arith.muli %mul3A_59, %mul3A_312 : i32
      %add3A_314 = arith.constant 2 : i32
      %add3A_315 = arith.addi %mul3A_313, %add3A_314 : i32
      %mul3A_316 = arith.constant 128 : i32
      %mul3A_317 = arith.muli %add3A_315, %mul3A_316 : i32
      %add3A_318 = arith.addi %mul3A_317, %add3A_277 : i32
      %mul3A_319 = arith.constant 8 : i32
      %mul3A_320 = arith.muli %add3A_318, %mul3A_319 : i32
      %mul3A_321 = arith.constant 128 : i32
      %mul3A_322 = arith.muli %mul3A_320, %mul3A_321 : i32
      %dma_start3A_323 = arith.constant 10240 : i32
      %dma_start3A_324 = tpu.memref_slice %arg8[%dma_start3A_323] : memref<16384xf32, #tpu.memory_space<vmem>> -> memref<1024xf32, #tpu.memory_space<vmem>>
      %dma_start3A_325 = tpu.memref_slice %arg4[%mul3A_322] : memref<13631488xf32, #tpu.memory_space<hbm>> -> memref<1024xf32, #tpu.memory_space<hbm>>
      %dma_start3A_326 = tpu.memref_slice %arg4[%mul3A_322] : memref<13631488xf32, #tpu.memory_space<hbm>> -> memref<1024xf32, #tpu.memory_space<hbm>>
      %dma_start3A_327 = arith.constant 10240 : i32
      %dma_start3A_328 = tpu.memref_slice %arg8[%dma_start3A_327] : memref<16384xf32, #tpu.memory_space<vmem>> -> memref<1024xf32, #tpu.memory_space<vmem>>
      tpu.enqueue_dma source(%dma_start3A_328 : memref<1024xf32, #tpu.memory_space<vmem>>) target(%dma_start3A_326 : memref<1024xf32, #tpu.memory_space<hbm>>) target_semaphore(%arg13 : memref<!tpu.dma_semaphore, #tpu.memory_space<semaphore_mem>>)
      %mul3A_329 = arith.constant 4 : i32
      %mul3A_330 = arith.muli %mul3A_59, %mul3A_329 : i32
      %add3A_331 = arith.constant 3 : i32
      %add3A_332 = arith.addi %mul3A_330, %add3A_331 : i32
      %mul3A_333 = arith.constant 128 : i32
      %mul3A_334 = arith.muli %add3A_332, %mul3A_333 : i32
      %add3A_335 = arith.addi %mul3A_334, %add3A_277 : i32
      %mul3A_336 = arith.constant 8 : i32
      %mul3A_337 = arith.muli %add3A_335, %mul3A_336 : i32
      %mul3A_338 = arith.constant 128 : i32
      %mul3A_339 = arith.muli %mul3A_337, %mul3A_338 : i32
      %dma_start3A_340 = arith.constant 11264 : i32
      %dma_start3A_341 = tpu.memref_slice %arg8[%dma_start3A_340] : memref<16384xf32, #tpu.memory_space<vmem>> -> memref<1024xf32, #tpu.memory_space<vmem>>
      %dma_start3A_342 = tpu.memref_slice %arg4[%mul3A_339] : memref<13631488xf32, #tpu.memory_space<hbm>> -> memref<1024xf32, #tpu.memory_space<hbm>>
      %dma_start3A_343 = tpu.memref_slice %arg4[%mul3A_339] : memref<13631488xf32, #tpu.memory_space<hbm>> -> memref<1024xf32, #tpu.memory_space<hbm>>
      %dma_start3A_344 = arith.constant 11264 : i32
      %dma_start3A_345 = tpu.memref_slice %arg8[%dma_start3A_344] : memref<16384xf32, #tpu.memory_space<vmem>> -> memref<1024xf32, #tpu.memory_space<vmem>>
      tpu.enqueue_dma source(%dma_start3A_345 : memref<1024xf32, #tpu.memory_space<vmem>>) target(%dma_start3A_343 : memref<1024xf32, #tpu.memory_space<hbm>>) target_semaphore(%arg13 : memref<!tpu.dma_semaphore, #tpu.memory_space<semaphore_mem>>)
      %mul3A_346 = arith.constant 4 : i32
      %mul3A_347 = arith.muli %add3A, %mul3A_346 : i32
      %add3A_348 = arith.constant 3 : i32
      %add3A_349 = arith.addi %mul3A_347, %add3A_348 : i32
      %mul3A_350 = arith.constant 4 : i32
      %mul3A_351 = arith.muli %mul3A_59, %mul3A_350 : i32
      %add3A_352 = arith.constant 0 : i32
      %add3A_353 = arith.addi %mul3A_351, %add3A_352 : i32
      %mul3A_354 = arith.constant 128 : i32
      %mul3A_355 = arith.muli %add3A_353, %mul3A_354 : i32
      %add3A_356 = arith.addi %mul3A_355, %add3A_349 : i32
      %mul3A_357 = arith.constant 8 : i32
      %mul3A_358 = arith.muli %add3A_356, %mul3A_357 : i32
      %mul3A_359 = arith.constant 128 : i32
      %mul3A_360 = arith.muli %mul3A_358, %mul3A_359 : i32
      %dma_start3A_361 = arith.constant 12288 : i32
      %dma_start3A_362 = tpu.memref_slice %arg8[%dma_start3A_361] : memref<16384xf32, #tpu.memory_space<vmem>> -> memref<1024xf32, #tpu.memory_space<vmem>>
      %dma_start3A_363 = tpu.memref_slice %arg4[%mul3A_360] : memref<13631488xf32, #tpu.memory_space<hbm>> -> memref<1024xf32, #tpu.memory_space<hbm>>
      %dma_start3A_364 = tpu.memref_slice %arg4[%mul3A_360] : memref<13631488xf32, #tpu.memory_space<hbm>> -> memref<1024xf32, #tpu.memory_space<hbm>>
      %dma_start3A_365 = arith.constant 12288 : i32
      %dma_start3A_366 = tpu.memref_slice %arg8[%dma_start3A_365] : memref<16384xf32, #tpu.memory_space<vmem>> -> memref<1024xf32, #tpu.memory_space<vmem>>
      tpu.enqueue_dma source(%dma_start3A_366 : memref<1024xf32, #tpu.memory_space<vmem>>) target(%dma_start3A_364 : memref<1024xf32, #tpu.memory_space<hbm>>) target_semaphore(%arg13 : memref<!tpu.dma_semaphore, #tpu.memory_space<semaphore_mem>>)
      %mul3A_367 = arith.constant 4 : i32
      %mul3A_368 = arith.muli %mul3A_59, %mul3A_367 : i32
      %add3A_369 = arith.constant 1 : i32
      %add3A_370 = arith.addi %mul3A_368, %add3A_369 : i32
      %mul3A_371 = arith.constant 128 : i32
      %mul3A_372 = arith.muli %add3A_370, %mul3A_371 : i32
      %add3A_373 = arith.addi %mul3A_372, %add3A_349 : i32
      %mul3A_374 = arith.constant 8 : i32
      %mul3A_375 = arith.muli %add3A_373, %mul3A_374 : i32
      %mul3A_376 = arith.constant 128 : i32
      %mul3A_377 = arith.muli %mul3A_375, %mul3A_376 : i32
      %dma_start3A_378 = arith.constant 13312 : i32
      %dma_start3A_379 = tpu.memref_slice %arg8[%dma_start3A_378] : memref<16384xf32, #tpu.memory_space<vmem>> -> memref<1024xf32, #tpu.memory_space<vmem>>
      %dma_start3A_380 = tpu.memref_slice %arg4[%mul3A_377] : memref<13631488xf32, #tpu.memory_space<hbm>> -> memref<1024xf32, #tpu.memory_space<hbm>>
      %dma_start3A_381 = tpu.memref_slice %arg4[%mul3A_377] : memref<13631488xf32, #tpu.memory_space<hbm>> -> memref<1024xf32, #tpu.memory_space<hbm>>
      %dma_start3A_382 = arith.constant 13312 : i32
      %dma_start3A_383 = tpu.memref_slice %arg8[%dma_start3A_382] : memref<16384xf32, #tpu.memory_space<vmem>> -> memref<1024xf32, #tpu.memory_space<vmem>>
      tpu.enqueue_dma source(%dma_start3A_383 : memref<1024xf32, #tpu.memory_space<vmem>>) target(%dma_start3A_381 : memref<1024xf32, #tpu.memory_space<hbm>>) target_semaphore(%arg13 : memref<!tpu.dma_semaphore, #tpu.memory_space<semaphore_mem>>)
      %mul3A_384 = arith.constant 4 : i32
      %mul3A_385 = arith.muli %mul3A_59, %mul3A_384 : i32
      %add3A_386 = arith.constant 2 : i32
      %add3A_387 = arith.addi %mul3A_385, %add3A_386 : i32
      %mul3A_388 = arith.constant 128 : i32
      %mul3A_389 = arith.muli %add3A_387, %mul3A_388 : i32
      %add3A_390 = arith.addi %mul3A_389, %add3A_349 : i32
      %mul3A_391 = arith.constant 8 : i32
      %mul3A_392 = arith.muli %add3A_390, %mul3A_391 : i32
      %mul3A_393 = arith.constant 128 : i32
      %mul3A_394 = arith.muli %mul3A_392, %mul3A_393 : i32
      %dma_start3A_395 = arith.constant 14336 : i32
      %dma_start3A_396 = tpu.memref_slice %arg8[%dma_start3A_395] : memref<16384xf32, #tpu.memory_space<vmem>> -> memref<1024xf32, #tpu.memory_space<vmem>>
      %dma_start3A_397 = tpu.memref_slice %arg4[%mul3A_394] : memref<13631488xf32, #tpu.memory_space<hbm>> -> memref<1024xf32, #tpu.memory_space<hbm>>
      %dma_start3A_398 = tpu.memref_slice %arg4[%mul3A_394] : memref<13631488xf32, #tpu.memory_space<hbm>> -> memref<1024xf32, #tpu.memory_space<hbm>>
      %dma_start3A_399 = arith.constant 14336 : i32
      %dma_start3A_400 = tpu.memref_slice %arg8[%dma_start3A_399] : memref<16384xf32, #tpu.memory_space<vmem>> -> memref<1024xf32, #tpu.memory_space<vmem>>
      tpu.enqueue_dma source(%dma_start3A_400 : memref<1024xf32, #tpu.memory_space<vmem>>) target(%dma_start3A_398 : memref<1024xf32, #tpu.memory_space<hbm>>) target_semaphore(%arg13 : memref<!tpu.dma_semaphore, #tpu.memory_space<semaphore_mem>>)
      %mul3A_401 = arith.constant 4 : i32
      %mul3A_402 = arith.muli %mul3A_59, %mul3A_401 : i32
      %add3A_403 = arith.constant 3 : i32
      %add3A_404 = arith.addi %mul3A_402, %add3A_403 : i32
      %mul3A_405 = arith.constant 128 : i32
      %mul3A_406 = arith.muli %add3A_404, %mul3A_405 : i32
      %add3A_407 = arith.addi %mul3A_406, %add3A_349 : i32
      %mul3A_408 = arith.constant 8 : i32
      %mul3A_409 = arith.muli %add3A_407, %mul3A_408 : i32
      %mul3A_410 = arith.constant 128 : i32
      %mul3A_411 = arith.muli %mul3A_409, %mul3A_410 : i32
      %dma_start3A_412 = arith.constant 15360 : i32
      %dma_start3A_413 = tpu.memref_slice %arg8[%dma_start3A_412] : memref<16384xf32, #tpu.memory_space<vmem>> -> memref<1024xf32, #tpu.memory_space<vmem>>
      %dma_start3A_414 = tpu.memref_slice %arg4[%mul3A_411] : memref<13631488xf32, #tpu.memory_space<hbm>> -> memref<1024xf32, #tpu.memory_space<hbm>>
      %dma_start3A_415 = tpu.memref_slice %arg4[%mul3A_411] : memref<13631488xf32, #tpu.memory_space<hbm>> -> memref<1024xf32, #tpu.memory_space<hbm>>
      %dma_start3A_416 = arith.constant 15360 : i32
      %dma_start3A_417 = tpu.memref_slice %arg8[%dma_start3A_416] : memref<16384xf32, #tpu.memory_space<vmem>> -> memref<1024xf32, #tpu.memory_space<vmem>>
      tpu.enqueue_dma source(%dma_start3A_417 : memref<1024xf32, #tpu.memory_space<vmem>>) target(%dma_start3A_415 : memref<1024xf32, #tpu.memory_space<hbm>>) target_semaphore(%arg13 : memref<!tpu.dma_semaphore, #tpu.memory_space<semaphore_mem>>)
      %add3A_418 = arith.constant 1 : i32
      %add3A_419 = arith.addi %scan3A_57, %add3A_418 : i32
      %lt3A = arith.constant 13 : i32
      %lt3A_420 = arith.cmpi slt, %add3A_419, %lt3A : i32
      %convert_element_type3A_421 = arith.extui %lt3A_420 : i1 to i32
      %cond3A_422 = arith.constant 0 : i32
      %cond3A_423 = arith.cmpi ne, %convert_element_type3A_421, %cond3A_422 : i32
      scf.if %cond3A_423 {
        %add3A_751 = arith.constant 2 : i32
        %add3A_752 = arith.addi %mul3A_59, %add3A_751 : i32
        %dma_start3A_753 = arith.constant 0 : i32
        %dma_start3A_754 = arith.constant 0 : i32
        %dma_start3A_755 = tpu.memref_slice %arg6[%dma_start3A_753, %dma_start3A_754] : memref<512x32xf32, #tpu.memory_space<vmem>> -> memref<128x32xf32, #tpu.memory_space<vmem>>
        %dma_start3A_756 = arith.constant 0 : i32
        %dma_start3A_757 = tpu.memref_slice %arg5[%add3A_752, %dma_start3A_756] : memref<26x512xi32, #tpu.memory_space<vmem>> -> memref<1x128xi32, #tpu.memory_space<vmem>>
        %dma_start3A_758 = tpu.memref_squeeze %dma_start3A_757 : memref<1x128xi32, #tpu.memory_space<vmem>> -> memref<128xi32, #tpu.memory_space<vmem>>
        %dma_start3A_759 = arith.constant 0 : i32
        %dma_start3A_760 = arith.constant 0 : i32
        %dma_start3A_761 = tpu.memref_slice %arg2[%dma_start3A_759, %dma_start3A_760] : memref<1000000x32xf32, #tpu.memory_space<hbm>> -> memref<1000000x32xf32, #tpu.memory_space<hbm>>
        tpu.enqueue_indirect_dma source(%dma_start3A_761 : memref<1000000x32xf32, #tpu.memory_space<hbm>>) target(%dma_start3A_755 : memref<128x32xf32, #tpu.memory_space<vmem>>) offsets(%dma_start3A_758 : memref<128xi32, #tpu.memory_space<vmem>>) semaphore(%arg11 : memref<!tpu.dma_semaphore, #tpu.memory_space<semaphore_mem>>)
        %dma_start3A_762 = arith.constant 128 : i32
        %dma_start3A_763 = arith.constant 0 : i32
        %dma_start3A_764 = tpu.memref_slice %arg6[%dma_start3A_762, %dma_start3A_763] : memref<512x32xf32, #tpu.memory_space<vmem>> -> memref<128x32xf32, #tpu.memory_space<vmem>>
        %dma_start3A_765 = arith.constant 128 : i32
        %dma_start3A_766 = tpu.memref_slice %arg5[%add3A_752, %dma_start3A_765] : memref<26x512xi32, #tpu.memory_space<vmem>> -> memref<1x128xi32, #tpu.memory_space<vmem>>
        %dma_start3A_767 = tpu.memref_squeeze %dma_start3A_766 : memref<1x128xi32, #tpu.memory_space<vmem>> -> memref<128xi32, #tpu.memory_space<vmem>>
        %dma_start3A_768 = arith.constant 0 : i32
        %dma_start3A_769 = arith.constant 0 : i32
        %dma_start3A_770 = tpu.memref_slice %arg2[%dma_start3A_768, %dma_start3A_769] : memref<1000000x32xf32, #tpu.memory_space<hbm>> -> memref<1000000x32xf32, #tpu.memory_space<hbm>>
        tpu.enqueue_indirect_dma source(%dma_start3A_770 : memref<1000000x32xf32, #tpu.memory_space<hbm>>) target(%dma_start3A_764 : memref<128x32xf32, #tpu.memory_space<vmem>>) offsets(%dma_start3A_767 : memref<128xi32, #tpu.memory_space<vmem>>) semaphore(%arg11 : memref<!tpu.dma_semaphore, #tpu.memory_space<semaphore_mem>>)
        %dma_start3A_771 = arith.constant 256 : i32
        %dma_start3A_772 = arith.constant 0 : i32
        %dma_start3A_773 = tpu.memref_slice %arg6[%dma_start3A_771, %dma_start3A_772] : memref<512x32xf32, #tpu.memory_space<vmem>> -> memref<128x32xf32, #tpu.memory_space<vmem>>
        %dma_start3A_774 = arith.constant 256 : i32
        %dma_start3A_775 = tpu.memref_slice %arg5[%add3A_752, %dma_start3A_774] : memref<26x512xi32, #tpu.memory_space<vmem>> -> memref<1x128xi32, #tpu.memory_space<vmem>>
        %dma_start3A_776 = tpu.memref_squeeze %dma_start3A_775 : memref<1x128xi32, #tpu.memory_space<vmem>> -> memref<128xi32, #tpu.memory_space<vmem>>
        %dma_start3A_777 = arith.constant 0 : i32
        %dma_start3A_778 = arith.constant 0 : i32
        %dma_start3A_779 = tpu.memref_slice %arg2[%dma_start3A_777, %dma_start3A_778] : memref<1000000x32xf32, #tpu.memory_space<hbm>> -> memref<1000000x32xf32, #tpu.memory_space<hbm>>
        tpu.enqueue_indirect_dma source(%dma_start3A_779 : memref<1000000x32xf32, #tpu.memory_space<hbm>>) target(%dma_start3A_773 : memref<128x32xf32, #tpu.memory_space<vmem>>) offsets(%dma_start3A_776 : memref<128xi32, #tpu.memory_space<vmem>>) semaphore(%arg11 : memref<!tpu.dma_semaphore, #tpu.memory_space<semaphore_mem>>)
        %dma_start3A_780 = arith.constant 384 : i32
        %dma_start3A_781 = arith.constant 0 : i32
        %dma_start3A_782 = tpu.memref_slice %arg6[%dma_start3A_780, %dma_start3A_781] : memref<512x32xf32, #tpu.memory_space<vmem>> -> memref<128x32xf32, #tpu.memory_space<vmem>>
        %dma_start3A_783 = arith.constant 384 : i32
        %dma_start3A_784 = tpu.memref_slice %arg5[%add3A_752, %dma_start3A_783] : memref<26x512xi32, #tpu.memory_space<vmem>> -> memref<1x128xi32, #tpu.memory_space<vmem>>
        %dma_start3A_785 = tpu.memref_squeeze %dma_start3A_784 : memref<1x128xi32, #tpu.memory_space<vmem>> -> memref<128xi32, #tpu.memory_space<vmem>>
        %dma_start3A_786 = arith.constant 0 : i32
        %dma_start3A_787 = arith.constant 0 : i32
        %dma_start3A_788 = tpu.memref_slice %arg2[%dma_start3A_786, %dma_start3A_787] : memref<1000000x32xf32, #tpu.memory_space<hbm>> -> memref<1000000x32xf32, #tpu.memory_space<hbm>>
        tpu.enqueue_indirect_dma source(%dma_start3A_788 : memref<1000000x32xf32, #tpu.memory_space<hbm>>) target(%dma_start3A_782 : memref<128x32xf32, #tpu.memory_space<vmem>>) offsets(%dma_start3A_785 : memref<128xi32, #tpu.memory_space<vmem>>) semaphore(%arg11 : memref<!tpu.dma_semaphore, #tpu.memory_space<semaphore_mem>>)
      } else {
      }
      %add3A_424 = arith.constant 1 : i32
      %add3A_425 = arith.addi %mul3A_59, %add3A_424 : i32
      %eq3A_426 = arith.constant 0 : i32
      %eq3A_427 = arith.cmpi eq, %scan3A_57, %eq3A_426 : i32
      %dma_wait3A_428 = arith.constant 0 : i32
      %dma_wait3A_429 = arith.constant 0 : i32
      %dma_wait3A_430 = tpu.memref_slice %arg2[%dma_wait3A_428, %dma_wait3A_429] : memref<1000000x32xf32, #tpu.memory_space<hbm>> -> memref<512x32xf32, #tpu.memory_space<hbm>>
      %dma_wait3A_431 = arith.constant 0 : i32
      %dma_wait3A_432 = arith.constant 0 : i32
      %dma_wait3A_433 = tpu.memref_slice %arg2[%dma_wait3A_431, %dma_wait3A_432] : memref<1000000x32xf32, #tpu.memory_space<hbm>> -> memref<512x32xf32, #tpu.memory_space<hbm>>
      tpu.wait_dma2 semaphore(%arg12 : memref<!tpu.dma_semaphore, #tpu.memory_space<semaphore_mem>>) src(%dma_wait3A_433 : memref<512x32xf32, #tpu.memory_space<hbm>>) dst(%arg7 : memref<512x32xf32, #tpu.memory_space<vmem>>)
      %not3A_434 = arith.constant true
      %not3A_435 = arith.xori %eq3A_427, %not3A_434 : i1
      %convert_element_type3A_436 = arith.extui %not3A_435 : i1 to i32
      %cond3A_437 = arith.constant 0 : i32
      %cond3A_438 = arith.cmpi ne, %convert_element_type3A_436, %cond3A_437 : i32
      scf.if %cond3A_438 {
        %dma_wait3A_751 = arith.constant 0 : i32
        %dma_wait3A_752 = tpu.memref_slice %arg4[%dma_wait3A_751] : memref<13631488xf32, #tpu.memory_space<hbm>> -> memref<16384xf32, #tpu.memory_space<hbm>>
        %dma_wait3A_753 = arith.constant 0 : i32
        %dma_wait3A_754 = tpu.memref_slice %arg4[%dma_wait3A_753] : memref<13631488xf32, #tpu.memory_space<hbm>> -> memref<16384xf32, #tpu.memory_space<hbm>>
        tpu.wait_dma2 semaphore(%arg14 : memref<!tpu.dma_semaphore, #tpu.memory_space<semaphore_mem>>) src(%dma_wait3A_754 : memref<16384xf32, #tpu.memory_space<hbm>>) dst(%arg9 : memref<16384xf32, #tpu.memory_space<vmem>>)
      } else {
      }
      %parallel_loop3A_439 = arith.constant 0 : i32
      %parallel_loop3A_440 = arith.constant 256 : i32
      %parallel_loop3A_441 = arith.constant 1 : i32
      scf.for %parallel_loop3A_751 = %parallel_loop3A_439 to %parallel_loop3A_440 step %parallel_loop3A_441  : i32 {
        %parallel_loop3A_752 = arith.constant 1 : i32
        %parallel_loop3A_753 = arith.shrsi %parallel_loop3A_751, %parallel_loop3A_752 : i32
        %parallel_loop3A_754 = arith.constant 1 : i32
        %parallel_loop3A_755 = arith.andi %parallel_loop3A_751, %parallel_loop3A_754 : i32
        %parallel_loop3A_756 = arith.constant 0 : i32
        %parallel_loop3A_757 = arith.addi %parallel_loop3A_756, %parallel_loop3A_753 : i32
        %parallel_loop3A_758 = arith.constant 16 : i32
        %parallel_loop3A_759 = arith.muli %parallel_loop3A_755, %parallel_loop3A_758 : i32
        %parallel_loop3A_760 = arith.index_cast %parallel_loop3A_757 : i32 to index
        %parallel_loop3A_761 = arith.index_cast %parallel_loop3A_759 : i32 to index
        %parallel_loop3A_762 = tpu.vector_load %arg7[%parallel_loop3A_760, %parallel_loop3A_761] {strides = array<i32>} : memref<512x32xf32, #tpu.memory_space<vmem>>, vector<16xf32>,
        %parallel_loop3A_763 = arith.constant 16 : i32
        %parallel_loop3A_764 = arith.muli %parallel_loop3A_755, %parallel_loop3A_763 : i32
        %parallel_loop3A_765 = arith.constant 129 : i32
        %parallel_loop3A_766 = arith.muli %parallel_loop3A_764, %parallel_loop3A_765 : i32
        %parallel_loop3A_767 = arith.addi %parallel_loop3A_766, %parallel_loop3A_753 : i32
        %parallel_loop3A_768 = vector.broadcast %parallel_loop3A_767 : i32 to vector<16xi32>
        %parallel_loop3A_769 = arith.addi %mul3A_5, %parallel_loop3A_768 : vector<16xi32>
        tpu.vector_store_idx %arg10[%parallel_loop3A_769], %parallel_loop3A_762 : memref<4224xf32, #tpu.memory_space<vmem>>[vector<16xi32>], vector<16xf32>,
      } {sc.loop_unroll_factor = 8 : i64, sc.parallel_access}
      %parallel_loop3A_442 = arith.constant 0 : i32
      %parallel_loop3A_443 = arith.constant 256 : i32
      %parallel_loop3A_444 = arith.constant 1 : i32
      scf.for %parallel_loop3A_751 = %parallel_loop3A_442 to %parallel_loop3A_443 step %parallel_loop3A_444  : i32 {
        %parallel_loop3A_752 = arith.constant 4 : i32
        %parallel_loop3A_753 = arith.shli %parallel_loop3A_751, %parallel_loop3A_752 : i32
        %parallel_loop3A_754 = arith.constant 3 : i32
        %parallel_loop3A_755 = arith.shrsi %parallel_loop3A_751, %parallel_loop3A_754 : i32
        %parallel_loop3A_756 = arith.addi %parallel_loop3A_753, %parallel_loop3A_755 : i32
        %parallel_loop3A_757 = arith.index_cast %parallel_loop3A_756 : i32 to index
        %parallel_loop3A_758 = tpu.vector_load %arg10[%parallel_loop3A_757] {strides = array<i32>} : memref<4224xf32, #tpu.memory_space<vmem>>, vector<16xf32>,
        %parallel_loop3A_759 = arith.constant 16 : i32
        %parallel_loop3A_760 = arith.muli %parallel_loop3A_751, %parallel_loop3A_759 : i32
        %parallel_loop3A_761 = arith.constant 0 : i32
        %parallel_loop3A_762 = arith.addi %parallel_loop3A_761, %parallel_loop3A_760 : i32
        %parallel_loop3A_763 = arith.index_cast %parallel_loop3A_762 : i32 to index
        %parallel_loop3A_764 = tpu.vector_load %arg9[%parallel_loop3A_763] {strides = array<i32>} : memref<16384xf32, #tpu.memory_space<vmem>>, vector<16xf32>,
        tpu.vector_store %arg9[%parallel_loop3A_763], %parallel_loop3A_758 {strides = array<i32>} : memref<16384xf32, #tpu.memory_space<vmem>>, vector<16xf32>,
      } {sc.loop_unroll_factor = 8 : i64, sc.parallel_access}
      %parallel_loop3A_445 = arith.constant 0 : i32
      %parallel_loop3A_446 = arith.constant 256 : i32
      %parallel_loop3A_447 = arith.constant 1 : i32
      scf.for %parallel_loop3A_751 = %parallel_loop3A_445 to %parallel_loop3A_446 step %parallel_loop3A_447  : i32 {
        %parallel_loop3A_752 = arith.constant 1 : i32
        %parallel_loop3A_753 = arith.shrsi %parallel_loop3A_751, %parallel_loop3A_752 : i32
        %parallel_loop3A_754 = arith.constant 1 : i32
        %parallel_loop3A_755 = arith.andi %parallel_loop3A_751, %parallel_loop3A_754 : i32
        %parallel_loop3A_756 = arith.constant 128 : i32
        %parallel_loop3A_757 = arith.addi %parallel_loop3A_756, %parallel_loop3A_753 : i32
        %parallel_loop3A_758 = arith.constant 16 : i32
        %parallel_loop3A_759 = arith.muli %parallel_loop3A_755, %parallel_loop3A_758 : i32
        %parallel_loop3A_760 = arith.index_cast %parallel_loop3A_757 : i32 to index
        %parallel_loop3A_761 = arith.index_cast %parallel_loop3A_759 : i32 to index
        %parallel_loop3A_762 = tpu.vector_load %arg7[%parallel_loop3A_760, %parallel_loop3A_761] {strides = array<i32>} : memref<512x32xf32, #tpu.memory_space<vmem>>, vector<16xf32>,
        %parallel_loop3A_763 = arith.constant 16 : i32
        %parallel_loop3A_764 = arith.muli %parallel_loop3A_755, %parallel_loop3A_763 : i32
        %parallel_loop3A_765 = arith.constant 129 : i32
        %parallel_loop3A_766 = arith.muli %parallel_loop3A_764, %parallel_loop3A_765 : i32
        %parallel_loop3A_767 = arith.addi %parallel_loop3A_766, %parallel_loop3A_753 : i32
        %parallel_loop3A_768 = vector.broadcast %parallel_loop3A_767 : i32 to vector<16xi32>
        %parallel_loop3A_769 = arith.addi %mul3A_5, %parallel_loop3A_768 : vector<16xi32>
        tpu.vector_store_idx %arg10[%parallel_loop3A_769], %parallel_loop3A_762 : memref<4224xf32, #tpu.memory_space<vmem>>[vector<16xi32>], vector<16xf32>,
      } {sc.loop_unroll_factor = 8 : i64, sc.parallel_access}
      %parallel_loop3A_448 = arith.constant 0 : i32
      %parallel_loop3A_449 = arith.constant 256 : i32
      %parallel_loop3A_450 = arith.constant 1 : i32
      scf.for %parallel_loop3A_751 = %parallel_loop3A_448 to %parallel_loop3A_449 step %parallel_loop3A_450  : i32 {
        %parallel_loop3A_752 = arith.constant 4 : i32
        %parallel_loop3A_753 = arith.shli %parallel_loop3A_751, %parallel_loop3A_752 : i32
        %parallel_loop3A_754 = arith.constant 3 : i32
        %parallel_loop3A_755 = arith.shrsi %parallel_loop3A_751, %parallel_loop3A_754 : i32
        %parallel_loop3A_756 = arith.addi %parallel_loop3A_753, %parallel_loop3A_755 : i32
        %parallel_loop3A_757 = arith.index_cast %parallel_loop3A_756 : i32 to index
        %parallel_loop3A_758 = tpu.vector_load %arg10[%parallel_loop3A_757] {strides = array<i32>} : memref<4224xf32, #tpu.memory_space<vmem>>, vector<16xf32>,
        %parallel_loop3A_759 = arith.constant 16 : i32
        %parallel_loop3A_760 = arith.muli %parallel_loop3A_751, %parallel_loop3A_759 : i32
        %parallel_loop3A_761 = arith.constant 4096 : i32
        %parallel_loop3A_762 = arith.addi %parallel_loop3A_761, %parallel_loop3A_760 : i32
        %parallel_loop3A_763 = arith.index_cast %parallel_loop3A_762 : i32 to index
        %parallel_loop3A_764 = tpu.vector_load %arg9[%parallel_loop3A_763] {strides = array<i32>} : memref<16384xf32, #tpu.memory_space<vmem>>, vector<16xf32>,
        tpu.vector_store %arg9[%parallel_loop3A_763], %parallel_loop3A_758 {strides = array<i32>} : memref<16384xf32, #tpu.memory_space<vmem>>, vector<16xf32>,
      } {sc.loop_unroll_factor = 8 : i64, sc.parallel_access}
      %parallel_loop3A_451 = arith.constant 0 : i32
      %parallel_loop3A_452 = arith.constant 256 : i32
      %parallel_loop3A_453 = arith.constant 1 : i32
      scf.for %parallel_loop3A_751 = %parallel_loop3A_451 to %parallel_loop3A_452 step %parallel_loop3A_453  : i32 {
        %parallel_loop3A_752 = arith.constant 1 : i32
        %parallel_loop3A_753 = arith.shrsi %parallel_loop3A_751, %parallel_loop3A_752 : i32
        %parallel_loop3A_754 = arith.constant 1 : i32
        %parallel_loop3A_755 = arith.andi %parallel_loop3A_751, %parallel_loop3A_754 : i32
        %parallel_loop3A_756 = arith.constant 256 : i32
        %parallel_loop3A_757 = arith.addi %parallel_loop3A_756, %parallel_loop3A_753 : i32
        %parallel_loop3A_758 = arith.constant 16 : i32
        %parallel_loop3A_759 = arith.muli %parallel_loop3A_755, %parallel_loop3A_758 : i32
        %parallel_loop3A_760 = arith.index_cast %parallel_loop3A_757 : i32 to index
        %parallel_loop3A_761 = arith.index_cast %parallel_loop3A_759 : i32 to index
        %parallel_loop3A_762 = tpu.vector_load %arg7[%parallel_loop3A_760, %parallel_loop3A_761] {strides = array<i32>} : memref<512x32xf32, #tpu.memory_space<vmem>>, vector<16xf32>,
        %parallel_loop3A_763 = arith.constant 16 : i32
        %parallel_loop3A_764 = arith.muli %parallel_loop3A_755, %parallel_loop3A_763 : i32
        %parallel_loop3A_765 = arith.constant 129 : i32
        %parallel_loop3A_766 = arith.muli %parallel_loop3A_764, %parallel_loop3A_765 : i32
        %parallel_loop3A_767 = arith.addi %parallel_loop3A_766, %parallel_loop3A_753 : i32
        %parallel_loop3A_768 = vector.broadcast %parallel_loop3A_767 : i32 to vector<16xi32>
        %parallel_loop3A_769 = arith.addi %mul3A_5, %parallel_loop3A_768 : vector<16xi32>
        tpu.vector_store_idx %arg10[%parallel_loop3A_769], %parallel_loop3A_762 : memref<4224xf32, #tpu.memory_space<vmem>>[vector<16xi32>], vector<16xf32>,
      } {sc.loop_unroll_factor = 8 : i64, sc.parallel_access}
      %parallel_loop3A_454 = arith.constant 0 : i32
      %parallel_loop3A_455 = arith.constant 256 : i32
      %parallel_loop3A_456 = arith.constant 1 : i32
      scf.for %parallel_loop3A_751 = %parallel_loop3A_454 to %parallel_loop3A_455 step %parallel_loop3A_456  : i32 {
        %parallel_loop3A_752 = arith.constant 4 : i32
        %parallel_loop3A_753 = arith.shli %parallel_loop3A_751, %parallel_loop3A_752 : i32
        %parallel_loop3A_754 = arith.constant 3 : i32
        %parallel_loop3A_755 = arith.shrsi %parallel_loop3A_751, %parallel_loop3A_754 : i32
        %parallel_loop3A_756 = arith.addi %parallel_loop3A_753, %parallel_loop3A_755 : i32
        %parallel_loop3A_757 = arith.index_cast %parallel_loop3A_756 : i32 to index
        %parallel_loop3A_758 = tpu.vector_load %arg10[%parallel_loop3A_757] {strides = array<i32>} : memref<4224xf32, #tpu.memory_space<vmem>>, vector<16xf32>,
        %parallel_loop3A_759 = arith.constant 16 : i32
        %parallel_loop3A_760 = arith.muli %parallel_loop3A_751, %parallel_loop3A_759 : i32
        %parallel_loop3A_761 = arith.constant 8192 : i32
        %parallel_loop3A_762 = arith.addi %parallel_loop3A_761, %parallel_loop3A_760 : i32
        %parallel_loop3A_763 = arith.index_cast %parallel_loop3A_762 : i32 to index
        %parallel_loop3A_764 = tpu.vector_load %arg9[%parallel_loop3A_763] {strides = array<i32>} : memref<16384xf32, #tpu.memory_space<vmem>>, vector<16xf32>,
        tpu.vector_store %arg9[%parallel_loop3A_763], %parallel_loop3A_758 {strides = array<i32>} : memref<16384xf32, #tpu.memory_space<vmem>>, vector<16xf32>,
      } {sc.loop_unroll_factor = 8 : i64, sc.parallel_access}
      %parallel_loop3A_457 = arith.constant 0 : i32
      %parallel_loop3A_458 = arith.constant 256 : i32
      %parallel_loop3A_459 = arith.constant 1 : i32
      scf.for %parallel_loop3A_751 = %parallel_loop3A_457 to %parallel_loop3A_458 step %parallel_loop3A_459  : i32 {
        %parallel_loop3A_752 = arith.constant 1 : i32
        %parallel_loop3A_753 = arith.shrsi %parallel_loop3A_751, %parallel_loop3A_752 : i32
        %parallel_loop3A_754 = arith.constant 1 : i32
        %parallel_loop3A_755 = arith.andi %parallel_loop3A_751, %parallel_loop3A_754 : i32
        %parallel_loop3A_756 = arith.constant 384 : i32
        %parallel_loop3A_757 = arith.addi %parallel_loop3A_756, %parallel_loop3A_753 : i32
        %parallel_loop3A_758 = arith.constant 16 : i32
        %parallel_loop3A_759 = arith.muli %parallel_loop3A_755, %parallel_loop3A_758 : i32
        %parallel_loop3A_760 = arith.index_cast %parallel_loop3A_757 : i32 to index
        %parallel_loop3A_761 = arith.index_cast %parallel_loop3A_759 : i32 to index
        %parallel_loop3A_762 = tpu.vector_load %arg7[%parallel_loop3A_760, %parallel_loop3A_761] {strides = array<i32>} : memref<512x32xf32, #tpu.memory_space<vmem>>, vector<16xf32>,
        %parallel_loop3A_763 = arith.constant 16 : i32
        %parallel_loop3A_764 = arith.muli %parallel_loop3A_755, %parallel_loop3A_763 : i32
        %parallel_loop3A_765 = arith.constant 129 : i32
        %parallel_loop3A_766 = arith.muli %parallel_loop3A_764, %parallel_loop3A_765 : i32
        %parallel_loop3A_767 = arith.addi %parallel_loop3A_766, %parallel_loop3A_753 : i32
        %parallel_loop3A_768 = vector.broadcast %parallel_loop3A_767 : i32 to vector<16xi32>
        %parallel_loop3A_769 = arith.addi %mul3A_5, %parallel_loop3A_768 : vector<16xi32>
        tpu.vector_store_idx %arg10[%parallel_loop3A_769], %parallel_loop3A_762 : memref<4224xf32, #tpu.memory_space<vmem>>[vector<16xi32>], vector<16xf32>,
      } {sc.loop_unroll_factor = 8 : i64, sc.parallel_access}
      %parallel_loop3A_460 = arith.constant 0 : i32
      %parallel_loop3A_461 = arith.constant 256 : i32
      %parallel_loop3A_462 = arith.constant 1 : i32
      scf.for %parallel_loop3A_751 = %parallel_loop3A_460 to %parallel_loop3A_461 step %parallel_loop3A_462  : i32 {
        %parallel_loop3A_752 = arith.constant 4 : i32
        %parallel_loop3A_753 = arith.shli %parallel_loop3A_751, %parallel_loop3A_752 : i32
        %parallel_loop3A_754 = arith.constant 3 : i32
        %parallel_loop3A_755 = arith.shrsi %parallel_loop3A_751, %parallel_loop3A_754 : i32
        %parallel_loop3A_756 = arith.addi %parallel_loop3A_753, %parallel_loop3A_755 : i32
        %parallel_loop3A_757 = arith.index_cast %parallel_loop3A_756 : i32 to index
        %parallel_loop3A_758 = tpu.vector_load %arg10[%parallel_loop3A_757] {strides = array<i32>} : memref<4224xf32, #tpu.memory_space<vmem>>, vector<16xf32>,
        %parallel_loop3A_759 = arith.constant 16 : i32
        %parallel_loop3A_760 = arith.muli %parallel_loop3A_751, %parallel_loop3A_759 : i32
        %parallel_loop3A_761 = arith.constant 12288 : i32
        %parallel_loop3A_762 = arith.addi %parallel_loop3A_761, %parallel_loop3A_760 : i32
        %parallel_loop3A_763 = arith.index_cast %parallel_loop3A_762 : i32 to index
        %parallel_loop3A_764 = tpu.vector_load %arg9[%parallel_loop3A_763] {strides = array<i32>} : memref<16384xf32, #tpu.memory_space<vmem>>, vector<16xf32>,
        tpu.vector_store %arg9[%parallel_loop3A_763], %parallel_loop3A_758 {strides = array<i32>} : memref<16384xf32, #tpu.memory_space<vmem>>, vector<16xf32>,
      } {sc.loop_unroll_factor = 8 : i64, sc.parallel_access}
      %mul3A_463 = arith.constant 4 : i32
      %mul3A_464 = arith.muli %add3A, %mul3A_463 : i32
      %add3A_465 = arith.constant 0 : i32
      %add3A_466 = arith.addi %mul3A_464, %add3A_465 : i32
      %mul3A_467 = arith.constant 4 : i32
      %mul3A_468 = arith.muli %add3A_425, %mul3A_467 : i32
      %add3A_469 = arith.constant 0 : i32
      %add3A_470 = arith.addi %mul3A_468, %add3A_469 : i32
      %mul3A_471 = arith.constant 128 : i32
      %mul3A_472 = arith.muli %add3A_470, %mul3A_471 : i32
      %add3A_473 = arith.addi %mul3A_472, %add3A_466 : i32
      %mul3A_474 = arith.constant 8 : i32
      %mul3A_475 = arith.muli %add3A_473, %mul3A_474 : i32
      %mul3A_476 = arith.constant 128 : i32
      %mul3A_477 = arith.muli %mul3A_475, %mul3A_476 : i32
      %dma_start3A_478 = arith.constant 0 : i32
      %dma_start3A_479 = tpu.memref_slice %arg9[%dma_start3A_478] : memref<16384xf32, #tpu.memory_space<vmem>> -> memref<1024xf32, #tpu.memory_space<vmem>>
      %dma_start3A_480 = tpu.memref_slice %arg4[%mul3A_477] : memref<13631488xf32, #tpu.memory_space<hbm>> -> memref<1024xf32, #tpu.memory_space<hbm>>
      %dma_start3A_481 = tpu.memref_slice %arg4[%mul3A_477] : memref<13631488xf32, #tpu.memory_space<hbm>> -> memref<1024xf32, #tpu.memory_space<hbm>>
      %dma_start3A_482 = arith.constant 0 : i32
      %dma_start3A_483 = tpu.memref_slice %arg9[%dma_start3A_482] : memref<16384xf32, #tpu.memory_space<vmem>> -> memref<1024xf32, #tpu.memory_space<vmem>>
      tpu.enqueue_dma source(%dma_start3A_483 : memref<1024xf32, #tpu.memory_space<vmem>>) target(%dma_start3A_481 : memref<1024xf32, #tpu.memory_space<hbm>>) target_semaphore(%arg14 : memref<!tpu.dma_semaphore, #tpu.memory_space<semaphore_mem>>)
      %mul3A_484 = arith.constant 4 : i32
      %mul3A_485 = arith.muli %add3A_425, %mul3A_484 : i32
      %add3A_486 = arith.constant 1 : i32
      %add3A_487 = arith.addi %mul3A_485, %add3A_486 : i32
      %mul3A_488 = arith.constant 128 : i32
      %mul3A_489 = arith.muli %add3A_487, %mul3A_488 : i32
      %add3A_490 = arith.addi %mul3A_489, %add3A_466 : i32
      %mul3A_491 = arith.constant 8 : i32
      %mul3A_492 = arith.muli %add3A_490, %mul3A_491 : i32
      %mul3A_493 = arith.constant 128 : i32
      %mul3A_494 = arith.muli %mul3A_492, %mul3A_493 : i32
      %dma_start3A_495 = arith.constant 1024 : i32
      %dma_start3A_496 = tpu.memref_slice %arg9[%dma_start3A_495] : memref<16384xf32, #tpu.memory_space<vmem>> -> memref<1024xf32, #tpu.memory_space<vmem>>
      %dma_start3A_497 = tpu.memref_slice %arg4[%mul3A_494] : memref<13631488xf32, #tpu.memory_space<hbm>> -> memref<1024xf32, #tpu.memory_space<hbm>>
      %dma_start3A_498 = tpu.memref_slice %arg4[%mul3A_494] : memref<13631488xf32, #tpu.memory_space<hbm>> -> memref<1024xf32, #tpu.memory_space<hbm>>
      %dma_start3A_499 = arith.constant 1024 : i32
      %dma_start3A_500 = tpu.memref_slice %arg9[%dma_start3A_499] : memref<16384xf32, #tpu.memory_space<vmem>> -> memref<1024xf32, #tpu.memory_space<vmem>>
      tpu.enqueue_dma source(%dma_start3A_500 : memref<1024xf32, #tpu.memory_space<vmem>>) target(%dma_start3A_498 : memref<1024xf32, #tpu.memory_space<hbm>>) target_semaphore(%arg14 : memref<!tpu.dma_semaphore, #tpu.memory_space<semaphore_mem>>)
      %mul3A_501 = arith.constant 4 : i32
      %mul3A_502 = arith.muli %add3A_425, %mul3A_501 : i32
      %add3A_503 = arith.constant 2 : i32
      %add3A_504 = arith.addi %mul3A_502, %add3A_503 : i32
      %mul3A_505 = arith.constant 128 : i32
      %mul3A_506 = arith.muli %add3A_504, %mul3A_505 : i32
      %add3A_507 = arith.addi %mul3A_506, %add3A_466 : i32
      %mul3A_508 = arith.constant 8 : i32
      %mul3A_509 = arith.muli %add3A_507, %mul3A_508 : i32
      %mul3A_510 = arith.constant 128 : i32
      %mul3A_511 = arith.muli %mul3A_509, %mul3A_510 : i32
      %dma_start3A_512 = arith.constant 2048 : i32
      %dma_start3A_513 = tpu.memref_slice %arg9[%dma_start3A_512] : memref<16384xf32, #tpu.memory_space<vmem>> -> memref<1024xf32, #tpu.memory_space<vmem>>
      %dma_start3A_514 = tpu.memref_slice %arg4[%mul3A_511] : memref<13631488xf32, #tpu.memory_space<hbm>> -> memref<1024xf32, #tpu.memory_space<hbm>>
      %dma_start3A_515 = tpu.memref_slice %arg4[%mul3A_511] : memref<13631488xf32, #tpu.memory_space<hbm>> -> memref<1024xf32, #tpu.memory_space<hbm>>
      %dma_start3A_516 = arith.constant 2048 : i32
      %dma_start3A_517 = tpu.memref_slice %arg9[%dma_start3A_516] : memref<16384xf32, #tpu.memory_space<vmem>> -> memref<1024xf32, #tpu.memory_space<vmem>>
      tpu.enqueue_dma source(%dma_start3A_517 : memref<1024xf32, #tpu.memory_space<vmem>>) target(%dma_start3A_515 : memref<1024xf32, #tpu.memory_space<hbm>>) target_semaphore(%arg14 : memref<!tpu.dma_semaphore, #tpu.memory_space<semaphore_mem>>)
      %mul3A_518 = arith.constant 4 : i32
      %mul3A_519 = arith.muli %add3A_425, %mul3A_518 : i32
      %add3A_520 = arith.constant 3 : i32
      %add3A_521 = arith.addi %mul3A_519, %add3A_520 : i32
      %mul3A_522 = arith.constant 128 : i32
      %mul3A_523 = arith.muli %add3A_521, %mul3A_522 : i32
      %add3A_524 = arith.addi %mul3A_523, %add3A_466 : i32
      %mul3A_525 = arith.constant 8 : i32
      %mul3A_526 = arith.muli %add3A_524, %mul3A_525 : i32
      %mul3A_527 = arith.constant 128 : i32
      %mul3A_528 = arith.muli %mul3A_526, %mul3A_527 : i32
      %dma_start3A_529 = arith.constant 3072 : i32
      %dma_start3A_530 = tpu.memref_slice %arg9[%dma_start3A_529] : memref<16384xf32, #tpu.memory_space<vmem>> -> memref<1024xf32, #tpu.memory_space<vmem>>
      %dma_start3A_531 = tpu.memref_slice %arg4[%mul3A_528] : memref<13631488xf32, #tpu.memory_space<hbm>> -> memref<1024xf32, #tpu.memory_space<hbm>>
      %dma_start3A_532 = tpu.memref_slice %arg4[%mul3A_528] : memref<13631488xf32, #tpu.memory_space<hbm>> -> memref<1024xf32, #tpu.memory_space<hbm>>
      %dma_start3A_533 = arith.constant 3072 : i32
      %dma_start3A_534 = tpu.memref_slice %arg9[%dma_start3A_533] : memref<16384xf32, #tpu.memory_space<vmem>> -> memref<1024xf32, #tpu.memory_space<vmem>>
      tpu.enqueue_dma source(%dma_start3A_534 : memref<1024xf32, #tpu.memory_space<vmem>>) target(%dma_start3A_532 : memref<1024xf32, #tpu.memory_space<hbm>>) target_semaphore(%arg14 : memref<!tpu.dma_semaphore, #tpu.memory_space<semaphore_mem>>)
      %mul3A_535 = arith.constant 4 : i32
      %mul3A_536 = arith.muli %add3A, %mul3A_535 : i32
      %add3A_537 = arith.constant 1 : i32
      %add3A_538 = arith.addi %mul3A_536, %add3A_537 : i32
      %mul3A_539 = arith.constant 4 : i32
      %mul3A_540 = arith.muli %add3A_425, %mul3A_539 : i32
      %add3A_541 = arith.constant 0 : i32
      %add3A_542 = arith.addi %mul3A_540, %add3A_541 : i32
      %mul3A_543 = arith.constant 128 : i32
      %mul3A_544 = arith.muli %add3A_542, %mul3A_543 : i32
      %add3A_545 = arith.addi %mul3A_544, %add3A_538 : i32
      %mul3A_546 = arith.constant 8 : i32
      %mul3A_547 = arith.muli %add3A_545, %mul3A_546 : i32
      %mul3A_548 = arith.constant 128 : i32
      %mul3A_549 = arith.muli %mul3A_547, %mul3A_548 : i32
      %dma_start3A_550 = arith.constant 4096 : i32
      %dma_start3A_551 = tpu.memref_slice %arg9[%dma_start3A_550] : memref<16384xf32, #tpu.memory_space<vmem>> -> memref<1024xf32, #tpu.memory_space<vmem>>
      %dma_start3A_552 = tpu.memref_slice %arg4[%mul3A_549] : memref<13631488xf32, #tpu.memory_space<hbm>> -> memref<1024xf32, #tpu.memory_space<hbm>>
      %dma_start3A_553 = tpu.memref_slice %arg4[%mul3A_549] : memref<13631488xf32, #tpu.memory_space<hbm>> -> memref<1024xf32, #tpu.memory_space<hbm>>
      %dma_start3A_554 = arith.constant 4096 : i32
      %dma_start3A_555 = tpu.memref_slice %arg9[%dma_start3A_554] : memref<16384xf32, #tpu.memory_space<vmem>> -> memref<1024xf32, #tpu.memory_space<vmem>>
      tpu.enqueue_dma source(%dma_start3A_555 : memref<1024xf32, #tpu.memory_space<vmem>>) target(%dma_start3A_553 : memref<1024xf32, #tpu.memory_space<hbm>>) target_semaphore(%arg14 : memref<!tpu.dma_semaphore, #tpu.memory_space<semaphore_mem>>)
      %mul3A_556 = arith.constant 4 : i32
      %mul3A_557 = arith.muli %add3A_425, %mul3A_556 : i32
      %add3A_558 = arith.constant 1 : i32
      %add3A_559 = arith.addi %mul3A_557, %add3A_558 : i32
      %mul3A_560 = arith.constant 128 : i32
      %mul3A_561 = arith.muli %add3A_559, %mul3A_560 : i32
      %add3A_562 = arith.addi %mul3A_561, %add3A_538 : i32
      %mul3A_563 = arith.constant 8 : i32
      %mul3A_564 = arith.muli %add3A_562, %mul3A_563 : i32
      %mul3A_565 = arith.constant 128 : i32
      %mul3A_566 = arith.muli %mul3A_564, %mul3A_565 : i32
      %dma_start3A_567 = arith.constant 5120 : i32
      %dma_start3A_568 = tpu.memref_slice %arg9[%dma_start3A_567] : memref<16384xf32, #tpu.memory_space<vmem>> -> memref<1024xf32, #tpu.memory_space<vmem>>
      %dma_start3A_569 = tpu.memref_slice %arg4[%mul3A_566] : memref<13631488xf32, #tpu.memory_space<hbm>> -> memref<1024xf32, #tpu.memory_space<hbm>>
      %dma_start3A_570 = tpu.memref_slice %arg4[%mul3A_566] : memref<13631488xf32, #tpu.memory_space<hbm>> -> memref<1024xf32, #tpu.memory_space<hbm>>
      %dma_start3A_571 = arith.constant 5120 : i32
      %dma_start3A_572 = tpu.memref_slice %arg9[%dma_start3A_571] : memref<16384xf32, #tpu.memory_space<vmem>> -> memref<1024xf32, #tpu.memory_space<vmem>>
      tpu.enqueue_dma source(%dma_start3A_572 : memref<1024xf32, #tpu.memory_space<vmem>>) target(%dma_start3A_570 : memref<1024xf32, #tpu.memory_space<hbm>>) target_semaphore(%arg14 : memref<!tpu.dma_semaphore, #tpu.memory_space<semaphore_mem>>)
      %mul3A_573 = arith.constant 4 : i32
      %mul3A_574 = arith.muli %add3A_425, %mul3A_573 : i32
      %add3A_575 = arith.constant 2 : i32
      %add3A_576 = arith.addi %mul3A_574, %add3A_575 : i32
      %mul3A_577 = arith.constant 128 : i32
      %mul3A_578 = arith.muli %add3A_576, %mul3A_577 : i32
      %add3A_579 = arith.addi %mul3A_578, %add3A_538 : i32
      %mul3A_580 = arith.constant 8 : i32
      %mul3A_581 = arith.muli %add3A_579, %mul3A_580 : i32
      %mul3A_582 = arith.constant 128 : i32
      %mul3A_583 = arith.muli %mul3A_581, %mul3A_582 : i32
      %dma_start3A_584 = arith.constant 6144 : i32
      %dma_start3A_585 = tpu.memref_slice %arg9[%dma_start3A_584] : memref<16384xf32, #tpu.memory_space<vmem>> -> memref<1024xf32, #tpu.memory_space<vmem>>
      %dma_start3A_586 = tpu.memref_slice %arg4[%mul3A_583] : memref<13631488xf32, #tpu.memory_space<hbm>> -> memref<1024xf32, #tpu.memory_space<hbm>>
      %dma_start3A_587 = tpu.memref_slice %arg4[%mul3A_583] : memref<13631488xf32, #tpu.memory_space<hbm>> -> memref<1024xf32, #tpu.memory_space<hbm>>
      %dma_start3A_588 = arith.constant 6144 : i32
      %dma_start3A_589 = tpu.memref_slice %arg9[%dma_start3A_588] : memref<16384xf32, #tpu.memory_space<vmem>> -> memref<1024xf32, #tpu.memory_space<vmem>>
      tpu.enqueue_dma source(%dma_start3A_589 : memref<1024xf32, #tpu.memory_space<vmem>>) target(%dma_start3A_587 : memref<1024xf32, #tpu.memory_space<hbm>>) target_semaphore(%arg14 : memref<!tpu.dma_semaphore, #tpu.memory_space<semaphore_mem>>)
      %mul3A_590 = arith.constant 4 : i32
      %mul3A_591 = arith.muli %add3A_425, %mul3A_590 : i32
      %add3A_592 = arith.constant 3 : i32
      %add3A_593 = arith.addi %mul3A_591, %add3A_592 : i32
      %mul3A_594 = arith.constant 128 : i32
      %mul3A_595 = arith.muli %add3A_593, %mul3A_594 : i32
      %add3A_596 = arith.addi %mul3A_595, %add3A_538 : i32
      %mul3A_597 = arith.constant 8 : i32
      %mul3A_598 = arith.muli %add3A_596, %mul3A_597 : i32
      %mul3A_599 = arith.constant 128 : i32
      %mul3A_600 = arith.muli %mul3A_598, %mul3A_599 : i32
      %dma_start3A_601 = arith.constant 7168 : i32
      %dma_start3A_602 = tpu.memref_slice %arg9[%dma_start3A_601] : memref<16384xf32, #tpu.memory_space<vmem>> -> memref<1024xf32, #tpu.memory_space<vmem>>
      %dma_start3A_603 = tpu.memref_slice %arg4[%mul3A_600] : memref<13631488xf32, #tpu.memory_space<hbm>> -> memref<1024xf32, #tpu.memory_space<hbm>>
      %dma_start3A_604 = tpu.memref_slice %arg4[%mul3A_600] : memref<13631488xf32, #tpu.memory_space<hbm>> -> memref<1024xf32, #tpu.memory_space<hbm>>
      %dma_start3A_605 = arith.constant 7168 : i32
      %dma_start3A_606 = tpu.memref_slice %arg9[%dma_start3A_605] : memref<16384xf32, #tpu.memory_space<vmem>> -> memref<1024xf32, #tpu.memory_space<vmem>>
      tpu.enqueue_dma source(%dma_start3A_606 : memref<1024xf32, #tpu.memory_space<vmem>>) target(%dma_start3A_604 : memref<1024xf32, #tpu.memory_space<hbm>>) target_semaphore(%arg14 : memref<!tpu.dma_semaphore, #tpu.memory_space<semaphore_mem>>)
      %mul3A_607 = arith.constant 4 : i32
      %mul3A_608 = arith.muli %add3A, %mul3A_607 : i32
      %add3A_609 = arith.constant 2 : i32
      %add3A_610 = arith.addi %mul3A_608, %add3A_609 : i32
      %mul3A_611 = arith.constant 4 : i32
      %mul3A_612 = arith.muli %add3A_425, %mul3A_611 : i32
      %add3A_613 = arith.constant 0 : i32
      %add3A_614 = arith.addi %mul3A_612, %add3A_613 : i32
      %mul3A_615 = arith.constant 128 : i32
      %mul3A_616 = arith.muli %add3A_614, %mul3A_615 : i32
      %add3A_617 = arith.addi %mul3A_616, %add3A_610 : i32
      %mul3A_618 = arith.constant 8 : i32
      %mul3A_619 = arith.muli %add3A_617, %mul3A_618 : i32
      %mul3A_620 = arith.constant 128 : i32
      %mul3A_621 = arith.muli %mul3A_619, %mul3A_620 : i32
      %dma_start3A_622 = arith.constant 8192 : i32
      %dma_start3A_623 = tpu.memref_slice %arg9[%dma_start3A_622] : memref<16384xf32, #tpu.memory_space<vmem>> -> memref<1024xf32, #tpu.memory_space<vmem>>
      %dma_start3A_624 = tpu.memref_slice %arg4[%mul3A_621] : memref<13631488xf32, #tpu.memory_space<hbm>> -> memref<1024xf32, #tpu.memory_space<hbm>>
      %dma_start3A_625 = tpu.memref_slice %arg4[%mul3A_621] : memref<13631488xf32, #tpu.memory_space<hbm>> -> memref<1024xf32, #tpu.memory_space<hbm>>
      %dma_start3A_626 = arith.constant 8192 : i32
      %dma_start3A_627 = tpu.memref_slice %arg9[%dma_start3A_626] : memref<16384xf32, #tpu.memory_space<vmem>> -> memref<1024xf32, #tpu.memory_space<vmem>>
      tpu.enqueue_dma source(%dma_start3A_627 : memref<1024xf32, #tpu.memory_space<vmem>>) target(%dma_start3A_625 : memref<1024xf32, #tpu.memory_space<hbm>>) target_semaphore(%arg14 : memref<!tpu.dma_semaphore, #tpu.memory_space<semaphore_mem>>)
      %mul3A_628 = arith.constant 4 : i32
      %mul3A_629 = arith.muli %add3A_425, %mul3A_628 : i32
      %add3A_630 = arith.constant 1 : i32
      %add3A_631 = arith.addi %mul3A_629, %add3A_630 : i32
      %mul3A_632 = arith.constant 128 : i32
      %mul3A_633 = arith.muli %add3A_631, %mul3A_632 : i32
      %add3A_634 = arith.addi %mul3A_633, %add3A_610 : i32
      %mul3A_635 = arith.constant 8 : i32
      %mul3A_636 = arith.muli %add3A_634, %mul3A_635 : i32
      %mul3A_637 = arith.constant 128 : i32
      %mul3A_638 = arith.muli %mul3A_636, %mul3A_637 : i32
      %dma_start3A_639 = arith.constant 9216 : i32
      %dma_start3A_640 = tpu.memref_slice %arg9[%dma_start3A_639] : memref<16384xf32, #tpu.memory_space<vmem>> -> memref<1024xf32, #tpu.memory_space<vmem>>
      %dma_start3A_641 = tpu.memref_slice %arg4[%mul3A_638] : memref<13631488xf32, #tpu.memory_space<hbm>> -> memref<1024xf32, #tpu.memory_space<hbm>>
      %dma_start3A_642 = tpu.memref_slice %arg4[%mul3A_638] : memref<13631488xf32, #tpu.memory_space<hbm>> -> memref<1024xf32, #tpu.memory_space<hbm>>
      %dma_start3A_643 = arith.constant 9216 : i32
      %dma_start3A_644 = tpu.memref_slice %arg9[%dma_start3A_643] : memref<16384xf32, #tpu.memory_space<vmem>> -> memref<1024xf32, #tpu.memory_space<vmem>>
      tpu.enqueue_dma source(%dma_start3A_644 : memref<1024xf32, #tpu.memory_space<vmem>>) target(%dma_start3A_642 : memref<1024xf32, #tpu.memory_space<hbm>>) target_semaphore(%arg14 : memref<!tpu.dma_semaphore, #tpu.memory_space<semaphore_mem>>)
      %mul3A_645 = arith.constant 4 : i32
      %mul3A_646 = arith.muli %add3A_425, %mul3A_645 : i32
      %add3A_647 = arith.constant 2 : i32
      %add3A_648 = arith.addi %mul3A_646, %add3A_647 : i32
      %mul3A_649 = arith.constant 128 : i32
      %mul3A_650 = arith.muli %add3A_648, %mul3A_649 : i32
      %add3A_651 = arith.addi %mul3A_650, %add3A_610 : i32
      %mul3A_652 = arith.constant 8 : i32
      %mul3A_653 = arith.muli %add3A_651, %mul3A_652 : i32
      %mul3A_654 = arith.constant 128 : i32
      %mul3A_655 = arith.muli %mul3A_653, %mul3A_654 : i32
      %dma_start3A_656 = arith.constant 10240 : i32
      %dma_start3A_657 = tpu.memref_slice %arg9[%dma_start3A_656] : memref<16384xf32, #tpu.memory_space<vmem>> -> memref<1024xf32, #tpu.memory_space<vmem>>
      %dma_start3A_658 = tpu.memref_slice %arg4[%mul3A_655] : memref<13631488xf32, #tpu.memory_space<hbm>> -> memref<1024xf32, #tpu.memory_space<hbm>>
      %dma_start3A_659 = tpu.memref_slice %arg4[%mul3A_655] : memref<13631488xf32, #tpu.memory_space<hbm>> -> memref<1024xf32, #tpu.memory_space<hbm>>
      %dma_start3A_660 = arith.constant 10240 : i32
      %dma_start3A_661 = tpu.memref_slice %arg9[%dma_start3A_660] : memref<16384xf32, #tpu.memory_space<vmem>> -> memref<1024xf32, #tpu.memory_space<vmem>>
      tpu.enqueue_dma source(%dma_start3A_661 : memref<1024xf32, #tpu.memory_space<vmem>>) target(%dma_start3A_659 : memref<1024xf32, #tpu.memory_space<hbm>>) target_semaphore(%arg14 : memref<!tpu.dma_semaphore, #tpu.memory_space<semaphore_mem>>)
      %mul3A_662 = arith.constant 4 : i32
      %mul3A_663 = arith.muli %add3A_425, %mul3A_662 : i32
      %add3A_664 = arith.constant 3 : i32
      %add3A_665 = arith.addi %mul3A_663, %add3A_664 : i32
      %mul3A_666 = arith.constant 128 : i32
      %mul3A_667 = arith.muli %add3A_665, %mul3A_666 : i32
      %add3A_668 = arith.addi %mul3A_667, %add3A_610 : i32
      %mul3A_669 = arith.constant 8 : i32
      %mul3A_670 = arith.muli %add3A_668, %mul3A_669 : i32
      %mul3A_671 = arith.constant 128 : i32
      %mul3A_672 = arith.muli %mul3A_670, %mul3A_671 : i32
      %dma_start3A_673 = arith.constant 11264 : i32
      %dma_start3A_674 = tpu.memref_slice %arg9[%dma_start3A_673] : memref<16384xf32, #tpu.memory_space<vmem>> -> memref<1024xf32, #tpu.memory_space<vmem>>
      %dma_start3A_675 = tpu.memref_slice %arg4[%mul3A_672] : memref<13631488xf32, #tpu.memory_space<hbm>> -> memref<1024xf32, #tpu.memory_space<hbm>>
      %dma_start3A_676 = tpu.memref_slice %arg4[%mul3A_672] : memref<13631488xf32, #tpu.memory_space<hbm>> -> memref<1024xf32, #tpu.memory_space<hbm>>
      %dma_start3A_677 = arith.constant 11264 : i32
      %dma_start3A_678 = tpu.memref_slice %arg9[%dma_start3A_677] : memref<16384xf32, #tpu.memory_space<vmem>> -> memref<1024xf32, #tpu.memory_space<vmem>>
      tpu.enqueue_dma source(%dma_start3A_678 : memref<1024xf32, #tpu.memory_space<vmem>>) target(%dma_start3A_676 : memref<1024xf32, #tpu.memory_space<hbm>>) target_semaphore(%arg14 : memref<!tpu.dma_semaphore, #tpu.memory_space<semaphore_mem>>)
      %mul3A_679 = arith.constant 4 : i32
      %mul3A_680 = arith.muli %add3A, %mul3A_679 : i32
      %add3A_681 = arith.constant 3 : i32
      %add3A_682 = arith.addi %mul3A_680, %add3A_681 : i32
      %mul3A_683 = arith.constant 4 : i32
      %mul3A_684 = arith.muli %add3A_425, %mul3A_683 : i32
      %add3A_685 = arith.constant 0 : i32
      %add3A_686 = arith.addi %mul3A_684, %add3A_685 : i32
      %mul3A_687 = arith.constant 128 : i32
      %mul3A_688 = arith.muli %add3A_686, %mul3A_687 : i32
      %add3A_689 = arith.addi %mul3A_688, %add3A_682 : i32
      %mul3A_690 = arith.constant 8 : i32
      %mul3A_691 = arith.muli %add3A_689, %mul3A_690 : i32
      %mul3A_692 = arith.constant 128 : i32
      %mul3A_693 = arith.muli %mul3A_691, %mul3A_692 : i32
      %dma_start3A_694 = arith.constant 12288 : i32
      %dma_start3A_695 = tpu.memref_slice %arg9[%dma_start3A_694] : memref<16384xf32, #tpu.memory_space<vmem>> -> memref<1024xf32, #tpu.memory_space<vmem>>
      %dma_start3A_696 = tpu.memref_slice %arg4[%mul3A_693] : memref<13631488xf32, #tpu.memory_space<hbm>> -> memref<1024xf32, #tpu.memory_space<hbm>>
      %dma_start3A_697 = tpu.memref_slice %arg4[%mul3A_693] : memref<13631488xf32, #tpu.memory_space<hbm>> -> memref<1024xf32, #tpu.memory_space<hbm>>
      %dma_start3A_698 = arith.constant 12288 : i32
      %dma_start3A_699 = tpu.memref_slice %arg9[%dma_start3A_698] : memref<16384xf32, #tpu.memory_space<vmem>> -> memref<1024xf32, #tpu.memory_space<vmem>>
      tpu.enqueue_dma source(%dma_start3A_699 : memref<1024xf32, #tpu.memory_space<vmem>>) target(%dma_start3A_697 : memref<1024xf32, #tpu.memory_space<hbm>>) target_semaphore(%arg14 : memref<!tpu.dma_semaphore, #tpu.memory_space<semaphore_mem>>)
      %mul3A_700 = arith.constant 4 : i32
      %mul3A_701 = arith.muli %add3A_425, %mul3A_700 : i32
      %add3A_702 = arith.constant 1 : i32
      %add3A_703 = arith.addi %mul3A_701, %add3A_702 : i32
      %mul3A_704 = arith.constant 128 : i32
      %mul3A_705 = arith.muli %add3A_703, %mul3A_704 : i32
      %add3A_706 = arith.addi %mul3A_705, %add3A_682 : i32
      %mul3A_707 = arith.constant 8 : i32
      %mul3A_708 = arith.muli %add3A_706, %mul3A_707 : i32
      %mul3A_709 = arith.constant 128 : i32
      %mul3A_710 = arith.muli %mul3A_708, %mul3A_709 : i32
      %dma_start3A_711 = arith.constant 13312 : i32
      %dma_start3A_712 = tpu.memref_slice %arg9[%dma_start3A_711] : memref<16384xf32, #tpu.memory_space<vmem>> -> memref<1024xf32, #tpu.memory_space<vmem>>
      %dma_start3A_713 = tpu.memref_slice %arg4[%mul3A_710] : memref<13631488xf32, #tpu.memory_space<hbm>> -> memref<1024xf32, #tpu.memory_space<hbm>>
      %dma_start3A_714 = tpu.memref_slice %arg4[%mul3A_710] : memref<13631488xf32, #tpu.memory_space<hbm>> -> memref<1024xf32, #tpu.memory_space<hbm>>
      %dma_start3A_715 = arith.constant 13312 : i32
      %dma_start3A_716 = tpu.memref_slice %arg9[%dma_start3A_715] : memref<16384xf32, #tpu.memory_space<vmem>> -> memref<1024xf32, #tpu.memory_space<vmem>>
      tpu.enqueue_dma source(%dma_start3A_716 : memref<1024xf32, #tpu.memory_space<vmem>>) target(%dma_start3A_714 : memref<1024xf32, #tpu.memory_space<hbm>>) target_semaphore(%arg14 : memref<!tpu.dma_semaphore, #tpu.memory_space<semaphore_mem>>)
      %mul3A_717 = arith.constant 4 : i32
      %mul3A_718 = arith.muli %add3A_425, %mul3A_717 : i32
      %add3A_719 = arith.constant 2 : i32
      %add3A_720 = arith.addi %mul3A_718, %add3A_719 : i32
      %mul3A_721 = arith.constant 128 : i32
      %mul3A_722 = arith.muli %add3A_720, %mul3A_721 : i32
      %add3A_723 = arith.addi %mul3A_722, %add3A_682 : i32
      %mul3A_724 = arith.constant 8 : i32
      %mul3A_725 = arith.muli %add3A_723, %mul3A_724 : i32
      %mul3A_726 = arith.constant 128 : i32
      %mul3A_727 = arith.muli %mul3A_725, %mul3A_726 : i32
      %dma_start3A_728 = arith.constant 14336 : i32
      %dma_start3A_729 = tpu.memref_slice %arg9[%dma_start3A_728] : memref<16384xf32, #tpu.memory_space<vmem>> -> memref<1024xf32, #tpu.memory_space<vmem>>
      %dma_start3A_730 = tpu.memref_slice %arg4[%mul3A_727] : memref<13631488xf32, #tpu.memory_space<hbm>> -> memref<1024xf32, #tpu.memory_space<hbm>>
      %dma_start3A_731 = tpu.memref_slice %arg4[%mul3A_727] : memref<13631488xf32, #tpu.memory_space<hbm>> -> memref<1024xf32, #tpu.memory_space<hbm>>
      %dma_start3A_732 = arith.constant 14336 : i32
      %dma_start3A_733 = tpu.memref_slice %arg9[%dma_start3A_732] : memref<16384xf32, #tpu.memory_space<vmem>> -> memref<1024xf32, #tpu.memory_space<vmem>>
      tpu.enqueue_dma source(%dma_start3A_733 : memref<1024xf32, #tpu.memory_space<vmem>>) target(%dma_start3A_731 : memref<1024xf32, #tpu.memory_space<hbm>>) target_semaphore(%arg14 : memref<!tpu.dma_semaphore, #tpu.memory_space<semaphore_mem>>)
      %mul3A_734 = arith.constant 4 : i32
      %mul3A_735 = arith.muli %add3A_425, %mul3A_734 : i32
      %add3A_736 = arith.constant 3 : i32
      %add3A_737 = arith.addi %mul3A_735, %add3A_736 : i32
      %mul3A_738 = arith.constant 128 : i32
      %mul3A_739 = arith.muli %add3A_737, %mul3A_738 : i32
      %add3A_740 = arith.addi %mul3A_739, %add3A_682 : i32
      %mul3A_741 = arith.constant 8 : i32
      %mul3A_742 = arith.muli %add3A_740, %mul3A_741 : i32
      %mul3A_743 = arith.constant 128 : i32
      %mul3A_744 = arith.muli %mul3A_742, %mul3A_743 : i32
      %dma_start3A_745 = arith.constant 15360 : i32
      %dma_start3A_746 = tpu.memref_slice %arg9[%dma_start3A_745] : memref<16384xf32, #tpu.memory_space<vmem>> -> memref<1024xf32, #tpu.memory_space<vmem>>
      %dma_start3A_747 = tpu.memref_slice %arg4[%mul3A_744] : memref<13631488xf32, #tpu.memory_space<hbm>> -> memref<1024xf32, #tpu.memory_space<hbm>>
      %dma_start3A_748 = tpu.memref_slice %arg4[%mul3A_744] : memref<13631488xf32, #tpu.memory_space<hbm>> -> memref<1024xf32, #tpu.memory_space<hbm>>
      %dma_start3A_749 = arith.constant 15360 : i32
      %dma_start3A_750 = tpu.memref_slice %arg9[%dma_start3A_749] : memref<16384xf32, #tpu.memory_space<vmem>> -> memref<1024xf32, #tpu.memory_space<vmem>>
      tpu.enqueue_dma source(%dma_start3A_750 : memref<1024xf32, #tpu.memory_space<vmem>>) target(%dma_start3A_748 : memref<1024xf32, #tpu.memory_space<hbm>>) target_semaphore(%arg14 : memref<!tpu.dma_semaphore, #tpu.memory_space<semaphore_mem>>)
    }
    %scan3A_49 = arith.constant 13 : i32
    %dma_wait3A = arith.constant 0 : i32
    %dma_wait3A_50 = tpu.memref_slice %arg4[%dma_wait3A] : memref<13631488xf32, #tpu.memory_space<hbm>> -> memref<16384xf32, #tpu.memory_space<hbm>>
    %dma_wait3A_51 = arith.constant 0 : i32
    %dma_wait3A_52 = tpu.memref_slice %arg4[%dma_wait3A_51] : memref<13631488xf32, #tpu.memory_space<hbm>> -> memref<16384xf32, #tpu.memory_space<hbm>>
    tpu.wait_dma2 semaphore(%arg13 : memref<!tpu.dma_semaphore, #tpu.memory_space<semaphore_mem>>) src(%dma_wait3A_52 : memref<16384xf32, #tpu.memory_space<hbm>>) dst(%arg8 : memref<16384xf32, #tpu.memory_space<vmem>>)
    %dma_wait3A_53 = arith.constant 0 : i32
    %dma_wait3A_54 = tpu.memref_slice %arg4[%dma_wait3A_53] : memref<13631488xf32, #tpu.memory_space<hbm>> -> memref<16384xf32, #tpu.memory_space<hbm>>
    %dma_wait3A_55 = arith.constant 0 : i32
    %dma_wait3A_56 = tpu.memref_slice %arg4[%dma_wait3A_55] : memref<13631488xf32, #tpu.memory_space<hbm>> -> memref<16384xf32, #tpu.memory_space<hbm>>
    tpu.wait_dma2 semaphore(%arg14 : memref<!tpu.dma_semaphore, #tpu.memory_space<semaphore_mem>>) src(%dma_wait3A_56 : memref<16384xf32, #tpu.memory_space<hbm>>) dst(%arg9 : memref<16384xf32, #tpu.memory_space<vmem>>)
    return
  }
}

</mosaic_0001>

<sc_bundles>
// kernel: kernel.4.cloned.1.call-start
scs
__scs_entry_jumppad:
0x0: {  	(pc) =	sbr.rel $0x88, $3  }
0x1: {  	(tag) =	ssettag $0x0;
	lr =	simm.s32 $0x1  }
0x2: {  	[smem:$0x3F9F] =	sst lr;
	_ =	strace $0xD0000000  }
0x3: {  	_ = 	snop  }
0x4: {  	_ = 	snop  }
0x5: {  	_ = 	snop  }
0x6: {  	_ = 	snop  }
0x7: {  	_ = 	snop  }
__scs_overlays_trampoline_lowered:
0x8: {  	[smem:$0x3FAE] =	sst s0  }
0x9: {  	[smem:$0x3FAF] =	sst s1  }
0xa: {  	[smem:$0x3FB0] =	sst s2  }
0xb: {  	[smem:$0x3FB1] =	sst s3  }
0xc: {  	[smem:$0x3FB2] =	sst s4  }
0xd: {  	[smem:$0x3FB3] =	sst s5  }
0xe: {  	[smem:$0x3FB4] =	sst s6  }
0xf: {  	[smem:$0x3FB5] =	sst s7  }
0x10: {  	[smem:$0x3FB6] =	sst s8  }
0x11: {  	[smem:$0x3FB7] =	sst s9;
	s0 =	simm.s32 @!p0 $0x0  }
0x12: {  	s1 =	sld [smem:$0x3F9D];
	s0 =	simm.s32 @p0 $0x1  }
0x13: {  	[smem:$0x3FB8] =	sst s0;
	s0 =	simm.s32 @!p1 $0x0  }
0x14: {  	s2 =	sld [smem:$0x3F9C];
	s0 =	simm.s32 @p1 $0x1  }
0x15: {  	[smem:$0x3FB9] =	sst s0;
	s0 =	simm.s32 @!p2 $0x0  }
0x16: {  	s3 =	sld [smem:$0x3FDB];
	s0 =	simm.s32 @p2 $0x1  }
0x17: {  	s4 =	simm.s32 $0x1BF5;
	[smem:$0x3FBB] =	sst s0  }
0x18: {  	s0 =	sld [smem:$0x3F9E];
	_ =	swait.ge [sflag:s4], $0x0  }
0x19: {  	s7 =	sld [smem:$0x3F9F]  }
0x1a: {  	s8 =	sadd.s32 $0xFFFFE003, lr  }
0x1b: {  	s9 =	sadd.s32 $0xFFFFFEF7, lr;
	s5 =	simm.s32 $0xFFFFFFFF;
	p2 =	slt.u32 s8, $0xFFFFF086  }
0x1c: {  	p1 =	slt.u32 s9, $0xF7A;
	s5 =	simm.s32 @!p2 $0x0  }
0x1d: {  	s5 =	simm.s32 @p1 $0x1;
	p0 =	seq.s32 s7, s2  }
0x1e: {  	s7 =	smul.u32 @!p0 $0xF7A, s2;
	p2 =	seq.s32 @!p0 s5, $0x0  }
0x1f: {  	s9 =	smul.u32 $0xF7A, s1;
	s8 =	simm.s32 @!p0 $0x1BF5;
	p2 =	por !p2, p0  }
0x20: {  	[sflag:s8] =	ssyncset.s32 @!p0 $0xFFFFF086;
	s6 =	sadd.s32 @!p0 s3, s7;
	s7 =	simm.s32 @!p0 $0x108  }
0x21: {  	s3 =	sadd.s32 s3, s9;
	s6 =	sadd.s32 @!p0 $0x88, s6;
	s7 =	simm.s32 @p2 $0x1082  }
0x22: {  	[simem:s7], [sflag:s8] =	dma.local @!p0 [hbm:s6], $0xF7A  }
0x23: {  	s9 =	sor.u32 $0xD0000000, s2;
	s6 =	simm.s32 $0x108;
	_ =	swait.ge @!p0 [sflag:s8], $0x0  }
0x24: {  	s3 =	sadd.s32 $0x88, s3;
	s6 =	simm.s32 @!p1 $0x1082;
	[sflag:s4] =	ssyncset.s32 $0xFFFFF086  }
0x25: {  	[simem:s6], [sflag:s4] =	dma.local [hbm:s3], $0xF7A  }
0x26: {  	[smem:$0x3F9F] =	sst s1;
	(tag) =	ssettag s2;
	_ =	strace s9  }
0x27: {  	s1 =	sld [smem:$0x3FAF]  }
0x28: {  	s2 =	sld [smem:$0x3FB0]  }
0x29: {  	s4 =	sld [smem:$0x3FB2]  }
0x2a: {  	p0 =	seq.s32 s5, $0x0;
	s5 =	sld [smem:$0x3FB3]  }
0x2b: {  	s6 =	sld [smem:$0x3FB4]  }
0x2c: {  	s7 =	sld [smem:$0x3FB5]  }
0x2d: {  	s3 =	simm.s32 $0x108;
	s8 =	sld [smem:$0x3FB6]  }
0x2e: {  	s3 =	simm.s32 @!p0 $0x1082;
	s9 =	sld [smem:$0x3FB7]  }
0x2f: {  	lr =	sadd.s32 s0, s3;
	s0 =	sld [smem:$0x3FAE]  }
0x30: {  	s3 =	sld [smem:$0x3FB1]  }
0x31: {  	[smem:$0x3FBA] =	sst s10  }
0x32: {  	s10 =	sld [smem:$0x3FB8];
	_ =	sdelay $0x3  }
0x33: {  	p0 =	seq.s32 s10, $0x1;
	s10 =	sld [smem:$0x3FBA];
	_ =	sdelay $0x3  }
0x34: {  	[smem:$0x3FBA] =	sst s10  }
0x35: {  	s10 =	sld [smem:$0x3FB9];
	_ =	sdelay $0x3  }
0x36: {  	p1 =	seq.s32 s10, $0x1;
	s10 =	sld [smem:$0x3FBA];
	_ =	sdelay $0x3  }
0x37: {  	[smem:$0x3FBA] =	sst s10  }
0x38: {  	s10 =	sld [smem:$0x3FBB]  }
0x39: {  	_ = 	snop;
	(pc) =	sbr.ind lr, $3  }
0x3a: {  	_ = 	snop  }
0x3b: {  	_ = 	snop  }
0x3c: {  	p2 =	seq.s32 s10, $0x1;
	s10 =	sld [smem:$0x3FBA]  }
0x3d: {  	_ =	shalt  }
0x3e: {  	_ =	shalt  }
0x3f: {  	_ =	shalt  }
0x40: {  	_ =	shalt  }
0x41: {  	_ =	shalt  }
0x42: {  	_ =	shalt  }
0x43: {  	_ =	shalt  }
0x44: {  	_ =	shalt  }
0x45: {  	_ =	shalt  }
0x46: {  	_ =	shalt  }
0x47: {  	_ =	shalt  }
0x48: {  	_ =	shalt  }
0x49: {  	_ =	shalt  }
0x4a: {  	_ =	shalt  }
0x4b: {  	_ =	shalt  }
0x4c: {  	_ =	shalt  }
0x4d: {  	_ =	shalt  }
0x4e: {  	_ =	shalt  }
0x4f: {  	_ =	shalt  }
0x50: {  	_ =	shalt  }
0x51: {  	_ =	shalt  }
0x52: {  	_ =	shalt  }
0x53: {  	_ =	shalt  }
0x54: {  	_ =	shalt  }
0x55: {  	_ =	shalt  }
0x56: {  	_ =	shalt  }
0x57: {  	_ =	shalt  }
0x58: {  	_ =	shalt  }
0x59: {  	_ =	shalt  }
0x5a: {  	_ =	shalt  }
0x5b: {  	_ =	shalt  }
0x5c: {  	_ =	shalt  }
0x5d: {  	_ =	shalt  }
0x5e: {  	_ =	shalt  }
0x5f: {  	_ =	shalt  }
0x60: {  	_ =	shalt  }
0x61: {  	_ =	shalt  }
0x62: {  	_ =	shalt  }
0x63: {  	_ =	shalt  }
0x64: {  	_ =	shalt  }
0x65: {  	_ =	shalt  }
0x66: {  	_ =	shalt  }
0x67: {  	_ =	shalt  }
0x68: {  	_ =	shalt  }
0x69: {  	_ =	shalt  }
0x6a: {  	_ =	shalt  }
0x6b: {  	_ =	shalt  }
0x6c: {  	_ =	shalt  }
0x6d: {  	_ =	shalt  }
0x6e: {  	_ =	shalt  }
0x6f: {  	_ =	shalt  }
0x70: {  	_ =	shalt  }
0x71: {  	_ =	shalt  }
0x72: {  	_ =	shalt  }
0x73: {  	_ =	shalt  }
0x74: {  	_ =	shalt  }
0x75: {  	_ =	shalt  }
0x76: {  	_ =	shalt  }
0x77: {  	_ =	shalt  }
0x78: {  	_ =	shalt  }
0x79: {  	_ =	shalt  }
0x7a: {  	_ =	shalt  }
0x7b: {  	_ =	shalt  }
0x7c: {  	_ =	shalt  }
0x7d: {  	_ =	shalt  }
0x7e: {  	_ =	shalt  }
0x7f: {  	_ =	shalt  }
0x80: {  	_ =	shalt  }
0x81: {  	_ =	shalt  }
0x82: {  	_ =	shalt  }
0x83: {  	_ =	shalt  }
0x84: {  	_ =	shalt  }
0x85: {  	_ =	shalt  }
0x86: {  	_ =	shalt  }
0x87: {  	_ =	shalt  }
.Lfunc_end0:
.L_simem_size_0:
called_computation_lowered:
.L_overlay_start_0:
0x88: {  	s2 =	sld [smem:$0x3FD9]  }
0x89: {  	s3 =	sld [smem:$0x3FFE];
	_ =	sdelay $0x1  }
0x8a: {  	s1 =	srdreg.scid  }
0x8b: {  	s0 =	sand.u32 $0x1, s1  }
0x8c: {  	s17 =	sshll.u32 s0, $0xA;
	s2 =	sadd.s32 s3, s2  }
0x8d: {  	s2 =	sadd.s32 s2, s17  }
0x8e: {  	[smem:$0x3FC6] =	sst s2  }
0x8f: {  	_ = 	snop  }
0x90: {  	s2 =	sld [smem:$0x3FC8]  }
0x91: {  	s18 =	sld [smem:$0x3FD0];
	(tm) =	ssettm $0x1  }
0x92: {  	s4 =	sld [smem:$0x3FFB];
	_ =	sdelay $0x3  }
0x93: {  	_ =	strace s4  }
0x94: {  	s4 =	sld [smem:$0x3FFC];
	_ =	sdelay $0x3  }
0x95: {  	_ =	strace s4  }
0x96: {  	s4 =	sld [smem:$0x3FFD];
	_ =	sdelay $0x3  }
0x97: {  	_ =	strace s4  }
0x98: {  	_ =	strace $0x8FFFFFFF  }
0x99: {  	s19 =	sld [smem:$0x3FDB];
	_ =	sdelay $0x1  }
0x9a: {  	s5 =	simm.s32 $_scs_section_size  }
0x9b: {  	s6 =	simm.s32 $_size__tile_overlayer_lowered;
	s7 =	simm.s32 $_tile_overlayer_lowered  }
0x9c: {  	s22 =	simm.s32 $0x1BFF;
	s21 =	sshll.u32 s7, $0x1;
	s4 =	sadd.s32 s5, s19  }
0x9d: {  	s8 =	simm.s32 $0x0;
	s20 =	sshll.u32 s6, $0x1;
	s6 =	sadd.s32 s21, s4  }
0x9e: {  	[timem:s8], [sflag:s22] =	dma.local [hbm:s6], s20  }
0x9f: {  	_ =	swait.ge [sflag:s22], s20  }
0xa0: {  	s5 =	ssub.s32 $0x0, s20;
	[sflag:s22] =	ssyncset.done $0x0  }
0xa1: {  	[sflag:s22] =	ssyncadd.s32 s5;
	_ =	sdelay $0x1  }
0xa2: {  	s23 =	simm.s32 $0x1B8B  }
0xa3: {  	_ =	swait.ge [sflag:s23], $0x1  }
0xa4: {  	[sflag:s23] =	ssyncset.done $0x0  }
0xa5: {  	s25 =	simm.s32 $0x1B8E;
	s24 =	sld [smem:$0x3FFE];
	[sflag:s23] =	ssyncadd.s32 $0xFFFFFFFF  }
0xa6: {  	s26 =	simm.s32 $execute0_lowered;
	[smem:$0x3FD2] =	sst s25  }
0xa7: {  	s6 =	sshll.u32 s26, $0x1;
	_ =	strace $0x80000046;
	[dreg:$0x1] =	wrdreg $0xFFFFFFFF  }
0xa8: {  	s28 =	simm.s32 $_size_execute0_lowered;
	s4 =	sadd.s32 s4, s6;
	[dreg:$0x0] =	wrdreg $0x0  }
0xa9: {  	s6 =	sshll.u32 s28, $0x1;
	[dreg:$0x2] =	wrdreg s4  }
0xaa: {  	[dreg:$0x3] =	wrdreg s6  }
0xab: {  	[dreg:$0x4] =	wrdreg $0xC0  }
0xac: {  	_ =	task [dreg:s8], $0x5FFFF  }
0xad: {  	[dreg:$0x1] =	wrdreg $0xFFFFFFFF  }
0xae: {  	[dreg:$0x0] =	wrdreg $0x60  }
0xaf: {  	[dreg:$0x2] =	wrdreg s2  }
0xb0: {  	[dreg:$0x3] =	wrdreg s18  }
0xb1: {  	[dreg:$0x4] =	wrdreg s24  }
0xb2: {  	[dreg:$0x5] =	wrdreg $0x9  }
0xb3: {  	_ =	task.clear_ibuf [dreg:s8], $0x6FFFF;
	_ =	strace $0x90000046  }
0xb4: {  	s29 =	simm.s32 $0x9;
	_ =	strace $0x80000048  }
0xb5: {  	_ =	swait.ge [sflag:s29], $0x1  }
0xb6: {  	[sflag:s29] =	ssyncadd.s32 $0xFFFFFFFF  }
0xb7: {  	_ =	strace $0x90000048  }
0xb8: {  	_ =	sfence  }
0xb9: {  	s30 =	sld [smem:$0x0];
	_ =	sdelay $0x2  }
0xba: {  	s31 =	sshll.u32 s1, $0xD;
	s1 =	sshrl.u32 s1, $0x2  }
0xbb: {  	s3 =	sand.u32 $0x4000, s31;
	s1 =	sadd.s32 s1, s30  }
0xbc: {  	s0 =	sor.u32 s3, s0;
	s1 =	sshll.u32 s1, $0x11  }
0xbd: {  	s0 =	sor.u32 s1, s0  }
0xbe: {  	s0 =	sadd.s32 $0x8F2B, s0  }
0xbf: {  	[sflag:s0] =	ssyncadd.remote.s32 $0x1  }
0xc0: {  	_ =	sfence.sel $0xFFFF  }
0xc1: {  	[dreg:$0x0] =	wrdreg $0xFFFFFFFF;
	(pc) =	sbr.abs _section_cstart, $3  }
0xc2: {  	[dreg:$0x1] =	wrdreg $0xFFFFFFFF  }
0xc3: {  	_ =	task.clear_ibuf [dreg:s8], $0x2FFFF;
	_ =	strace $0x9FFFFFFF  }
0xc4: {  	(tm) =	ssettm $0x7FFFFFFF  }
0xc5: {  	_ =	shalt  }
tec
execute0_lowered:
.L_overlay_start_1:
0x0: {  	(tag) =	ssettag $0x1  }
0x1: {  	s1 =	rddreg [dreg:$0x0]  }
0x2: {  	s0 =	rddreg [dreg:$0x2];
	s4 =	simm.s32 $0x0  }
0x3: {  	s2 =	srdreg.scid;
	s9 =	stileid.u32;
	s28 =	simm.s32 $0x2000  }
0x4: {  	s29 =	simm.s32 $0x2;
	s30 =	simm.s32 $0x3000;
	s31 =	simm.s32 $0x3  }
0x5: {  	[smem:$0x7FF] =	sst s4;
	s2 =	sand.u32 $0x1, s2;
	s3 =	sshll.u32 s9, $0x1  }
0x6: {  	s6 =	sadd.s32 $0xA00, s0;
	s0 =	sadd.s32 $0x3D1200, s0;
	p0 =	sgt.u32 s9, $0x1  }
0x7: {  	_ =	strace $0x80000047;
	s5 =	sor.u32 s2, s3;
	s2 =	ssub.s32 $0x2, s2  }
0x8: {  	[dreg:$0xc] =	wrdreg s0;
	s0 =	simm.s32 $0x4;
	s3 =	sshll.u32 s5, $0x7  }
0x9: {  	s8 =	sshrl.u32 s2, $0x1;
	s20 =	sor.u32 $0x1E80, s5;
	s7 =	sadd.s32 s1, s3  }
0xa: {  	p1 =	sne.s32 s5, $0x4;
	s2 =	ssub.s32 s2, s8;
	s21 =	sadd.s32 $0xF4280, s7  }
0xb: {  	s22 =	sshll.u32 s20, $0x7;
	s10 =	sadd.s32 $0x1E8500, s7;
	[dreg:$0x4] =	wrdreg s21  }
0xc: {  	s3 =	sshll.u32 s20, $0x9;
	s23 =	sadd.s32 $0x2DC780, s7;
	[dreg:$0x5] =	wrdreg s10  }
0xd: {  	s8 =	sadd.s32 s1, s22;
	s3 =	sadd.s32 s6, s3;
	[dreg:$0x6] =	wrdreg s23  }
0xe: {  	s26 =	smax.u32 s2, $0x1;
	s22 =	simm.s32 $0x1400;
	[dreg:$0x7] =	wrdreg s8  }
.Ltmp0:
0xf: {  	s24 =	sadd.s32 $0xF4280, s8;
	[dreg:$0xb] =	wrdreg s3;
	(pc) =	sbr.rel .LBB2_1-.Ltmp0, $4  }
0x10: {  	s25 =	sadd.s32 $0x1E8500, s8;
	s8 =	sadd.s32 $0x2DC780, s8;
	[dreg:$0xd] =	wrdreg s26  }
0x11: {  	v0 =	vlaneseq.u32;
	s21 =	simm.s32 $0x1000;
	s23 =	simm.s32 $0x1800;
	[dreg:$0x8] =	wrdreg s24  }
0x12: {  	v0 =	vmul.u32 $0x21, v0;
	s26 =	simm.s32 $0x4000;
	s3 =	simm.s32 $0x0;
	[dreg:$0x9] =	wrdreg s25  }
0x13: {  	[dreg:$0xa] =	wrdreg s8;
	s24 =	simm.s32 $0x1C00;
	s25 =	simm.s32 $0x1  }
.LBB2_17:
0x14: {  	s2 =	simm.s32 @!p1 $0x0;
	s8 =	simm.s32 @!p1 $0x2000;
	s9 =	rddreg [dreg:$0x1]  }
0x15: {  	[tilespmem:s8], [sflag:$0x5] =	stream.linear.gather @!p1 [hbm4b:s9+s2], $0x800, $0x38;
	[tilespmem:$0x5080] =	vst v63  }
0x16: {  	s9 =	simm.s32 @!p1 $0x5  }
0x17: {  	_ =	swait.ge @!p1 [sflag:s9], $0x800  }
0x18: {  	[sflag:s9] =	ssyncset.done @!p1 $0x0  }
0x19: {  	s10 =	rddreg [dreg:$0xc];
	[sflag:s9] =	ssyncadd.s32 @!p1 $0xFFFFF800  }
0x1a: {  	[hbm4b:s10+s2] =	stream.linear.scatter @!p1 [tilespmem:s8], [sflag:$0x5], $0x800, $0x38;
	[tilespmem:$0x5080] =	vst v63  }
0x1b: {  	_ =	swait.ge @!p1 [sflag:s9], $0x800  }
0x1c: {  	s3 =	sadd.s32 $0x1, s3;
	s20 =	rddreg [dreg:$0xd]  }
0x1d: {  	p2 =	sne.s32 s3, s20  }
.Ltmp1:
0x1e: {  	_ = 	snop;
	(pc) =	sbr.rel @!p2 .LBB2_18-.Ltmp1, $3  }
0x1f: {  	_ =	sdelay $0x1  }
0x20: {  	[sflag:s9] =	ssyncset.done @!p1 $0x0  }
0x21: {  	[sflag:s9] =	ssyncadd.s32 @!p1 $0xFFFFF800  }
.LBB2_1:
0x22: {  	[tilespmem:s4], [sflag:$0x1] =	stream.linear.gather [hbm4b:s7+s4], $0x400, $0x38;
	[tilespmem:$0x5080] =	vst v63  }
0x23: {  	s2 =	rddreg [dreg:$0x4];
	s8 =	simm.s32 $0x400  }
0x24: {  	[tilespmem:s8], [sflag:$0x1] =	stream.linear.gather [hbm4b:s2+s4], $0x400, $0x38;
	[tilespmem:$0x5080] =	vst v63  }
0x25: {  	s17 =	rddreg [dreg:$0x5];
	s18 =	simm.s32 $0x800  }
0x26: {  	[tilespmem:s18], [sflag:$0x1] =	stream.linear.gather [hbm4b:s17+s4], $0x400, $0x38;
	[tilespmem:$0x5080] =	vst v63  }
0x27: {  	s19 =	rddreg [dreg:$0x6];
	s20 =	simm.s32 $0xC00;
	s12 =	simm.s32 $0x0  }
0x28: {  	[tilespmem:s20], [sflag:$0x1] =	stream.linear.gather [hbm4b:s19+s4], $0x400, $0x38;
	[tilespmem:$0x5080] =	vst v63  }
.LBB2_2:
0x29: {  	s2 =	sshll.u32 s12, $0x6  }
0x2a: {  	s13 =	sor.u32 s5, s2  }
0x2b: {  	s2 =	sor.u32 $0x20, s13  }
0x2c: {  	s8 =	sshll.u32 s2, $0x7  }
0x2d: {  	s9 =	sadd.s32 s1, s8;
	s8 =	sand.u32 $0x1FFFFF80, s8  }
0x2e: {  	[tilespmem:s21], [sflag:$0x2] =	stream.linear.gather [hbm4b:s9+s4], $0x400, $0x38;
	[tilespmem:$0x5080] =	vst v63  }
0x2f: {  	s8 =	sadd.s32 s1, s8  }
0x30: {  	s14 =	sadd.s32 $0xF4280, s8  }
0x31: {  	[tilespmem:s22], [sflag:$0x2] =	stream.linear.gather [hbm4b:s14+s4], $0x400, $0x38;
	[tilespmem:$0x5080] =	vst v63  }
0x32: {  	s15 =	sadd.s32 $0x1E8500, s8  }
0x33: {  	[tilespmem:s23], [sflag:$0x2] =	stream.linear.gather [hbm4b:s15+s4], $0x400, $0x38;
	[tilespmem:$0x5080] =	vst v63  }
0x34: {  	s8 =	sadd.s32 $0x2DC780, s8  }
0x35: {  	[tilespmem:s24], [sflag:$0x2] =	stream.linear.gather [hbm4b:s8+s4], $0x400, $0x38;
	[tilespmem:$0x5080] =	vst v63  }
0x36: {  	_ =	swait.ge [sflag:s25], $0x400  }
0x37: {  	[sflag:s25] =	ssyncset.done $0x0  }
0x38: {  	[sflag:s25] =	ssyncadd.s32 $0xFFFFFC00  }
0x39: {  	_ =	swait.ge [sflag:s25], $0x400  }
0x3a: {  	[sflag:s25] =	ssyncset.done $0x0  }
0x3b: {  	[sflag:s25] =	ssyncadd.s32 $0xFFFFFC00  }
0x3c: {  	_ =	swait.ge [sflag:s25], $0x400  }
0x3d: {  	[sflag:s25] =	ssyncset.done $0x0  }
0x3e: {  	[sflag:s25] =	ssyncadd.s32 $0xFFFFFC00  }
0x3f: {  	_ =	swait.ge [sflag:s25], $0x400  }
0x40: {  	p2 =	seq.s32 s12, $0x0;
	[sflag:s25] =	ssyncset.done $0x0  }
0x41: {  	s8 =	simm.s32 @!p2 $0x3;
	[sflag:s25] =	ssyncadd.s32 $0xFFFFFC00  }
0x42: {  	_ =	swait.ge @!p2 [sflag:s8], $0x1000  }
0x43: {  	s14 =	simm.s32 $0x0;
	[sflag:s8] =	ssyncset.done @!p2 $0x0  }
0x44: {  	s15 =	sand.u32 $0xF00, s14;
	[sflag:s8] =	ssyncadd.s32 @!p2 $0xFFFFF000  }
0x45: {  	v3 =	vld [tilespmem:s15+$0x90]  }
0x46: {  	v2 =	vld [tilespmem:s15+$0x70]  }
0x47: {  	v4 =	vld [tilespmem:s15+$0x40]  }
0x48: {  	v1 =	vld [tilespmem:s15+$0xD0]  }
0x49: {  	s17 =	simm.s32 $0xC61;
	v8 =	vld [tilespmem:s15+$0x30]  }
0x4a: {  	s19 =	simm.s32 $0x420;
	v9 =	vadd.s32 s17, v0;
	v11 =	vld [tilespmem:s15+$0xE0]  }
0x4b: {  	s16 =	simm.s32 $0xE71;
	s18 =	simm.s32 $0x80;
	v12 =	vadd.s32 s19, v0;
	v13 =	vld [tilespmem:s15+$0x20]  }
0x4c: {  	s11 =	simm.s32 $0x0;
	v5 =	vadd.s32 s16, v0;
	s10 =	sand.u32 $0xC00, s14;
	s8 =	sand.u32 $0x380, s18;
	v6 =	vld [tilespmem:s15+$0xF0]  }
0x4d: {  	s20 =	simm.s32 $0x1;
	v14 =	vadd.s32 s11, v0;
	s8 =	sor.u32 s8, s10;
	v15 =	vld [tilespmem:s15+$0x0]  }
0x4e: {  	v18 =	vadd.s32 s20, v0;
	s16 =	simm.s32 $0x630;
	v19 =	vld [tilespmem:s8+$0x0]  }
0x4f: {  	s17 =	simm.s32 $0x840;
	v7 =	vld [tilespmem:s15+$0xA0];
	[tilespmem:v9+s26+$0x0] =	vst.idx.msk $0xffff, v11;
	v11 =	vadd.s32 s16, v0  }
0x50: {  	s11 =	simm.s32 $0x0;
	s19 =	simm.s32 $0x211;
	s18 =	simm.s32 $0xE70;
	v10 =	vld [tilespmem:s15+$0x10];
	[tilespmem:v12+s26+$0x0] =	vst.idx.msk $0xffff, v13;
	v12 =	vadd.s32 s17, v0  }
0x51: {  	s20 =	simm.s32 $0xA50;
	v17 =	vadd.s32 s19, v0;
	s19 =	simm.s32 $0xE73;
	s9 =	simm.s32 $0x631;
	v16 =	vadd.s32 s18, v0;
	[tilespmem:v5+s26+$0x0] =	vst.idx.msk $0xffff, v6;
	v9 =	vld [tilespmem:s15+$0xB0]  }
0x52: {  	s10 =	simm.s32 $0xA51;
	s18 =	simm.s32 $0x210;
	s8 =	simm.s32 $0xC60;
	v5 =	vadd.s32 s9, v0;
	[tilespmem:v14+s26+$0x0] =	vst.idx.msk $0xffff, v15;
	v14 =	vld [tilespmem:s15+$0xC0]  }
0x53: {  	v6 =	vadd.s32 s10, v0;
	s9 =	simm.s32 $0x421;
	v15 =	vadd.s32 s18, v0;
	v13 =	vld [tilespmem:s15+$0x50];
	s10 =	simm.s32 $0x841;
	s18 =	simm.s32 $0x100;
	[tilespmem:v18+s26+$0x0] =	vst.idx.msk $0xffff, v19  }
.LBB2_3:
0x54: {  	s16 =	sadd.s32 $0x80, s18;
	s17 =	sadd.s32 $0xFFFFF7C0, s19;
	[tilespmem:v11+s26+$0x0] =	vst.idx.msk $0xffff, v8;
	v18 =	vld [tilespmem:s15+$0x60];
	s15 =	sand.u32 $0xF00, s18;
	v19 =	vadd.s32 s8, v0;
	v20 =	vadd.s32 s10, v0  }
0x55: {  	s8 =	sand.u32 $0xC00, s18;
	v22 =	vadd.s32 s20, v0;
	v23 =	vadd.s32 s9, v0;
	s10 =	sand.u32 $0x380, s16;
	v21 =	vld [tilespmem:s15+$0x90];
	s16 =	sadd.s32 $0xFFFFFDF0, s19;
	[tilespmem:v12+s26+$0x0] =	vst.idx.msk $0xffff, v4  }
0x56: {  	s9 =	sadd.s32 $0xFFFFF190, s19;
	v24 =	vadd.s32 s17, v0;
	s8 =	sor.u32 s10, s8;
	s10 =	sadd.s32 $0xFFFFFBE0, s19;
	v25 =	vadd.s32 s16, v0;
	[tilespmem:v16+s26+$0x0] =	vst.idx.msk $0xffff, v2;
	v2 =	vld [tilespmem:s15+$0x70]  }
0x57: {  	s11 =	sadd.s32 $0x10, s11;
	s17 =	sadd.s32 $0xFFFFF5AF, s19;
	v26 =	vadd.s32 s9, v0;
	s16 =	sadd.s32 $0xFFFFF18F, s19;
	v16 =	vadd.s32 s19, v0;
	v4 =	vld [tilespmem:s15+$0x40];
	[tilespmem:v17+s26+$0x0] =	vst.idx.msk $0xffff, v3  }
0x58: {  	s9 =	sadd.s32 $0xFFFFF7BF, s19;
	p3 =	slt.u32 s11, $0xF0;
	v27 =	vadd.s32 s17, v0;
	v17 =	vadd.s32 s16, v0;
	v28 =	vld [tilespmem:s15+$0xD0];
	[tilespmem:v15+s26+$0x0] =	vst.idx.msk $0xffff, v10  }
0x59: {  	v11 =	vadd.s32 s9, v0;
	s9 =	sadd.s32 $0xFFFFF9CF, s19;
	v10 =	vadd.s32 s10, v0;
	v8 =	vld [tilespmem:s15+$0x30];
	[tilespmem:v20+s26+$0x0] =	vst.idx.msk $0xffff, v14  }
0x5a: {  	v12 =	vadd.s32 s9, v0;
	v14 =	vld [tilespmem:s15+$0xF0];
	[tilespmem:v23+s26+$0x0] =	vst.idx.msk $0xffff, v7;
	v3 =	vmov v21  }
0x5b: {  	v15 =	vld [tilespmem:s15+$0xE0];
	[tilespmem:v22+s26+$0x0] =	vst.idx.msk $0xffff, v13  }
0x5c: {  	v13 =	vld [tilespmem:s15+$0x20];
	[tilespmem:v5+s26+$0x0] =	vst.idx.msk $0xffff, v9;
	v5 =	vmov v24  }
0x5d: {  	v20 =	vld [tilespmem:s15+$0x0];
	[tilespmem:v6+s26+$0x0] =	vst.idx.msk $0xffff, v1;
	v1 =	vmov v28;
	v6 =	vmov v10  }
0x5e: {  	v21 =	vld [tilespmem:s8+$0x0];
	[tilespmem:v19+s26+$0x0] =	vst.idx.msk $0xffff, v18  }
.Ltmp2:
0x5f: {  	v7 =	vld [tilespmem:s15+$0xA0];
	[tilespmem:v16+s26+$0x0] =	vst.idx.msk $0xffff, v14;
	(pc) =	sbr.rel @p3 .LBB2_3-.Ltmp2, $4  }
0x60: {  	s9 =	sadd.s32 $0xFFFFFFFF, s19;
	v10 =	vld [tilespmem:s15+$0x10];
	[tilespmem:v25+s26+$0x0] =	vst.idx.msk $0xffff, v15  }
0x61: {  	s20 =	sadd.s32 $0xFFFFFBDF, s19;
	s8 =	sadd.s32 $0xFFFFFDEF, s19;
	v16 =	vadd.s32 s9, v0;
	s9 =	sadd.s32 $0xFFFFF3A0, s19;
	[tilespmem:v27+s26+$0x0] =	vst.idx.msk $0xffff, v13;
	v9 =	vld [tilespmem:s15+$0xB0]  }
0x62: {  	s10 =	sadd.s32 $0xFFFFF39F, s19;
	[tilespmem:v17+s26+$0x0] =	vst.idx.msk $0xffff, v20;
	v17 =	vadd.s32 s9, v0;
	s9 =	sadd.s32 $0xFFFFF5B0, s19;
	v14 =	vld [tilespmem:s15+$0xC0]  }
0x63: {  	s18 =	sadd.s32 $0x100, s18;
	v15 =	vadd.s32 s10, v0;
	s10 =	sadd.s32 $0xFFFFF9D0, s19;
	s19 =	sadd.s32 $0x2, s19;
	v13 =	vld [tilespmem:s15+$0x50];
	[tilespmem:v26+s26+$0x0] =	vst.idx.msk $0xffff, v21  }
0x64: {  	_ =	sdelay $0x3  }
0x65: {  	[tilespmem:v11+s26+$0x0] =	vst.idx.msk $0xffff, v8  }
0x66: {  	[tilespmem:v12+s26+$0x0] =	vst.idx.msk $0xffff, v4  }
0x67: {  	v62 =	vadd.s32 s10, v0;
	[tilespmem:v16+s26+$0x0] =	vst.idx.msk $0xffff, v2  }
0x68: {  	v4 =	vadd.s32 s9, v0;
	[tilespmem:v17+s26+$0x0] =	vst.idx.msk $0xffff, v3  }
0x69: {  	v63 =	vadd.s32 s20, v0;
	[tilespmem:v6+s26+$0x0] =	vst.idx.msk $0xffff, v1  }
0x6a: {  	v2 =	vld [tilespmem:s15+$0x60];
	v3 =	vadd.s32 s8, v0;
	[tilespmem:v15+s26+$0x0] =	vst.idx.msk $0xffff, v10  }
0x6b: {  	[tilespmem:v5+s26+$0x0] =	vst.idx.msk $0xffff, v9  }
0x6c: {  	[tilespmem:v62+s26+$0x0] =	vst.idx.msk $0xffff, v14  }
0x6d: {  	[tilespmem:v4+s26+$0x0] =	vst.idx.msk $0xffff, v7  }
0x6e: {  	[tilespmem:v63+s26+$0x0] =	vst.idx.msk $0xffff, v13  }
0x6f: {  	s15 =	simm.s32 $0x84;
	[tilespmem:v3+s26+$0x0] =	vst.idx.msk $0xffff, v2  }
0x70: {  	v1 =	vld [tilespmem:s15+$0x4073]  }
0x71: {  	v2 =	vld [tilespmem:s15+$0x3F7C]  }
0x72: {  	v3 =	vld [tilespmem:s15+$0x3F8C]  }
0x73: {  	v4 =	vld [tilespmem:s15+$0x3F9D]  }
0x74: {  	s11 =	simm.s32 $0x0;
	v5 =	vld [tilespmem:s15+$0x3FAD]  }
0x75: {  	v6 =	vld [tilespmem:s15+$0x3FBE];
	[tilespmem:s11+$0x20F0] =	vst v1  }
0x76: {  	[tilespmem:s11+$0x2000] =	vst v2;
	v1 =	vld [tilespmem:s15+$0x3FCE]  }
0x77: {  	[tilespmem:s11+$0x2010] =	vst v3;
	v2 =	vld [tilespmem:s15+$0x3FDF]  }
0x78: {  	[tilespmem:s11+$0x2020] =	vst v4;
	v3 =	vld [tilespmem:s15+$0x3FEF]  }
0x79: {  	[tilespmem:s11+$0x2030] =	vst v5;
	v5 =	vld [tilespmem:s15+$0x4000]  }
0x7a: {  	[tilespmem:s11+$0x2040] =	vst v6;
	v4 =	vld [tilespmem:s15+$0x4010]  }
0x7b: {  	[tilespmem:s11+$0x2050] =	vst v1;
	v1 =	vld [tilespmem:s15+$0x4021]  }
0x7c: {  	[tilespmem:s11+$0x2060] =	vst v2;
	v2 =	vld [tilespmem:s15+$0x4031]  }
0x7d: {  	[tilespmem:s11+$0x2070] =	vst v3;
	v3 =	vld [tilespmem:s15+$0x4042]  }
0x7e: {  	s18 =	simm.s32 $0x0;
	s19 =	simm.s32 $0x630;
	[tilespmem:s11+$0x2080] =	vst v5;
	v5 =	vld [tilespmem:s15+$0x4052]  }
.LBB2_5:
0x7f: {  	s18 =	sadd.s32 $0x10, s18;
	[tilespmem:s11+$0x2090] =	vst v4;
	v4 =	vld [tilespmem:s15+$0x4063];
	s15 =	sshra.s32 s19, $0x2  }
0x80: {  	v6 =	vld [tilespmem:s15+$0x4073];
	p3 =	slt.u32 s18, $0xF0;
	[tilespmem:s11+$0x20A0] =	vst v1  }
0x81: {  	v1 =	vld [tilespmem:s15+$0x3F7C];
	[tilespmem:s11+$0x20B0] =	vst v2  }
0x82: {  	v2 =	vld [tilespmem:s15+$0x3F8C];
	[tilespmem:s11+$0x20C0] =	vst v3  }
0x83: {  	s14 =	sadd.s32 $0x400, s14;
	v3 =	vld [tilespmem:s15+$0x3F9D];
	[tilespmem:s11+$0x20D0] =	vst v5  }
0x84: {  	v5 =	vld [tilespmem:s15+$0x3FAD];
	[tilespmem:s11+$0x20E0] =	vst v4;
	s11 =	sshra.s32 s14, $0x2  }
0x85: {  	v4 =	vld [tilespmem:s15+$0x3FBE];
	[tilespmem:s11+$0x20F0] =	vst v6  }
0x86: {  	[tilespmem:s11+$0x2000] =	vst v1;
	v1 =	vld [tilespmem:s15+$0x3FCE]  }
0x87: {  	[tilespmem:s11+$0x2010] =	vst v2;
	v2 =	vld [tilespmem:s15+$0x3FDF]  }
0x88: {  	[tilespmem:s11+$0x2020] =	vst v3;
	v3 =	vld [tilespmem:s15+$0x3FEF]  }
0x89: {  	[tilespmem:s11+$0x2030] =	vst v5;
	v5 =	vld [tilespmem:s15+$0x4000]  }
.Ltmp3:
0x8a: {  	[tilespmem:s11+$0x2040] =	vst v4;
	v4 =	vld [tilespmem:s15+$0x4010];
	(pc) =	sbr.rel @p3 .LBB2_5-.Ltmp3, $4  }
0x8b: {  	[tilespmem:s11+$0x2050] =	vst v1;
	v1 =	vld [tilespmem:s15+$0x4021]  }
0x8c: {  	[tilespmem:s11+$0x2060] =	vst v2;
	v2 =	vld [tilespmem:s15+$0x4031]  }
0x8d: {  	[tilespmem:s11+$0x2070] =	vst v3;
	v3 =	vld [tilespmem:s15+$0x4042]  }
0x8e: {  	s19 =	sadd.s32 $0x420, s19;
	[tilespmem:s11+$0x2080] =	vst v5;
	v5 =	vld [tilespmem:s15+$0x4052]  }
0x8f: {  	[tilespmem:s11+$0x2090] =	vst v4;
	v4 =	vld [tilespmem:s15+$0x4063]  }
0x90: {  	[tilespmem:s11+$0x20A0] =	vst v1  }
0x91: {  	[tilespmem:s11+$0x20B0] =	vst v2  }
0x92: {  	[tilespmem:s11+$0x20C0] =	vst v3  }
0x93: {  	s8 =	sshll.u32 s13, $0x9;
	[tilespmem:s11+$0x20D0] =	vst v5  }
0x94: {  	p3 =	seq.s32 s12, $0x79;
	s8 =	sadd.s32 s6, s8;
	[tilespmem:s11+$0x20E0] =	vst v4  }
0x95: {  	[hbm4b:s8+s4] =	stream.linear.scatter [tilespmem:s28], [sflag:$0x3], $0x1000, $0x38;
	[tilespmem:$0x5080] =	vst v63  }
0x96: {  	s8 =	sshll.u32 @!p3 s13, $0x7  }
0x97: {  	s8 =	sand.u32 @!p3 $0x1FFFFF80, s8  }
0x98: {  	s8 =	sadd.s32 @!p3 s1, s8  }
0x99: {  	s10 =	simm.s32 @!p3 $0x0;
	s9 =	sadd.s32 @!p3 $0x2000, s8  }
0x9a: {  	[tilespmem:s10], [sflag:$0x1] =	stream.linear.gather @!p3 [hbm4b:s9+s10], $0x400, $0x38;
	[tilespmem:$0x5080] =	vst v63  }
0x9b: {  	s11 =	simm.s32 @!p3 $0x400;
	s9 =	sadd.s32 @!p3 $0xF6280, s8  }
0x9c: {  	[tilespmem:s11], [sflag:$0x1] =	stream.linear.gather @!p3 [hbm4b:s9+s10], $0x400, $0x38;
	[tilespmem:$0x5080] =	vst v63  }
0x9d: {  	s9 =	sadd.s32 @!p3 $0x1EA500, s8;
	s11 =	simm.s32 @!p3 $0x800  }
0x9e: {  	[tilespmem:s11], [sflag:$0x1] =	stream.linear.gather @!p3 [hbm4b:s9+s10], $0x400, $0x38;
	[tilespmem:$0x5080] =	vst v63  }
0x9f: {  	s8 =	sadd.s32 @!p3 $0x2DE780, s8;
	s9 =	simm.s32 @!p3 $0xC00  }
0xa0: {  	[tilespmem:s9], [sflag:$0x1] =	stream.linear.gather @!p3 [hbm4b:s8+s10], $0x400, $0x38;
	[tilespmem:$0x5080] =	vst v63  }
0xa1: {  	_ =	swait.ge [sflag:s29], $0x400  }
0xa2: {  	[sflag:s29] =	ssyncset.done $0x0  }
0xa3: {  	[sflag:s29] =	ssyncadd.s32 $0xFFFFFC00  }
0xa4: {  	_ =	swait.ge [sflag:s29], $0x400  }
0xa5: {  	[sflag:s29] =	ssyncset.done $0x0  }
0xa6: {  	[sflag:s29] =	ssyncadd.s32 $0xFFFFFC00  }
0xa7: {  	_ =	swait.ge [sflag:s29], $0x400  }
0xa8: {  	[sflag:s29] =	ssyncset.done $0x0  }
0xa9: {  	[sflag:s29] =	ssyncadd.s32 $0xFFFFFC00  }
0xaa: {  	_ =	swait.ge [sflag:s29], $0x400  }
0xab: {  	[sflag:s29] =	ssyncset.done $0x0  }
0xac: {  	s13 =	simm.s32 $0x0;
	s8 =	simm.s32 @!p2 $0x4;
	[sflag:s29] =	ssyncadd.s32 $0xFFFFFC00  }
0xad: {  	s19 =	simm.s32 $0x80;
	s18 =	sand.u32 $0xC00, s13;
	_ =	swait.ge @!p2 [sflag:s8], $0x1000  }
0xae: {  	s20 =	sand.u32 $0x300, s13;
	s9 =	sor.u32 $0x1000, s18;
	[sflag:s8] =	ssyncset.done @!p2 $0x0  }
0xaf: {  	s10 =	sand.u32 $0x380, s19;
	s14 =	sor.u32 s20, s9;
	[sflag:s8] =	ssyncadd.s32 @!p2 $0xFFFFF000  }
0xb0: {  	s15 =	simm.s32 $0x1;
	s8 =	sor.u32 s10, s9;
	v1 =	vld [tilespmem:s14+$0x90]  }
0xb1: {  	s16 =	simm.s32 $0x211;
	v3 =	vadd.s32 s15, v0;
	v2 =	vld [tilespmem:s8+$0x0]  }
0xb2: {  	s17 =	simm.s32 $0x841;
	v4 =	vadd.s32 s16, v0;
	v12 =	vld [tilespmem:s14+$0x60]  }
0xb3: {  	v5 =	vadd.s32 s17, v0;
	s18 =	simm.s32 $0xC61;
	v6 =	vld [tilespmem:s14+$0xC0]  }
0xb4: {  	s19 =	simm.s32 $0x630;
	v9 =	vadd.s32 s18, v0;
	v7 =	vld [tilespmem:s14+$0xE0]  }
0xb5: {  	s20 =	simm.s32 $0x631;
	v10 =	vadd.s32 s19, v0;
	v11 =	vld [tilespmem:s14+$0x30]  }
0xb6: {  	v13 =	vadd.s32 s20, v0;
	s10 =	simm.s32 $0xE71;
	v14 =	vld [tilespmem:s14+$0xB0];
	[tilespmem:v3+s26+$0x0] =	vst.idx.msk $0xffff, v2  }
0xb7: {  	s11 =	simm.s32 $0xC60;
	v15 =	vadd.s32 s10, v0;
	v16 =	vld [tilespmem:s14+$0xF0];
	[tilespmem:v4+s26+$0x0] =	vst.idx.msk $0xffff, v1  }
0xb8: {  	s16 =	simm.s32 $0x420;
	v17 =	vadd.s32 s11, v0;
	v8 =	vld [tilespmem:s14+$0x20];
	[tilespmem:v5+s26+$0x0] =	vst.idx.msk $0xffff, v6  }
0xb9: {  	s15 =	simm.s32 $0xA51;
	v2 =	vld [tilespmem:s14+$0xA0];
	[tilespmem:v9+s26+$0x0] =	vst.idx.msk $0xffff, v7;
	v4 =	vadd.s32 s16, v0  }
0xba: {  	s18 =	simm.s32 $0x210;
	[tilespmem:v10+s26+$0x0] =	vst.idx.msk $0xffff, v11;
	v9 =	vld [tilespmem:s14+$0xD0];
	v3 =	vadd.s32 s15, v0  }
0xbb: {  	s12 =	sadd.s32 $0x1, s12;
	s17 =	simm.s32 $0x421;
	s20 =	simm.s32 $0x840;
	v6 =	vld [tilespmem:s14+$0x10];
	[tilespmem:v13+s26+$0x0] =	vst.idx.msk $0xffff, v14;
	v10 =	vadd.s32 s18, v0  }
0xbc: {  	s11 =	simm.s32 $0x0;
	s19 =	simm.s32 $0xA50;
	s9 =	simm.s32 $0xE70;
	v7 =	vld [tilespmem:s14+$0x40];
	[tilespmem:v15+s26+$0x0] =	vst.idx.msk $0xffff, v16;
	v11 =	vadd.s32 s20, v0  }
0xbd: {  	s8 =	simm.s32 $0x0;
	v1 =	vadd.s32 s17, v0;
	v5 =	vld [tilespmem:s14+$0x50];
	[tilespmem:v17+s26+$0x0] =	vst.idx.msk $0xffff, v12;
	s15 =	simm.s32 $0x100;
	s18 =	simm.s32 $0xE73  }
.LBB2_7:
0xbe: {  	s10 =	sand.u32 $0xC00, s15;
	s16 =	sadd.s32 $0x80, s15;
	s11 =	sadd.s32 $0x10, s11;
	[tilespmem:v4+s26+$0x0] =	vst.idx.msk $0xffff, v8;
	v8 =	vld [tilespmem:s14+$0x70]  }
0xbf: {  	s17 =	sand.u32 $0x300, s15;
	v13 =	vadd.s32 s9, v0;
	s10 =	sor.u32 $0x1000, s10;
	s16 =	sand.u32 $0x380, s16;
	v12 =	vld [tilespmem:s14+$0x0];
	[tilespmem:v3+s26+$0x0] =	vst.idx.msk $0xffff, v9  }
0xc0: {  	v9 =	vadd.s32 s8, v0;
	s14 =	sor.u32 s17, s10;
	s9 =	sor.u32 s16, s10;
	s10 =	sadd.s32 $0xFFFFF3A0, s18;
	[tilespmem:v10+s26+$0x0] =	vst.idx.msk $0xffff, v6;
	v6 =	vadd.s32 s19, v0  }
0xc1: {  	s8 =	sadd.s32 $0xFFFFF190, s18;
	s16 =	sadd.s32 $0xFFFFFBE0, s18;
	v10 =	vld [tilespmem:s14+$0x90];
	v14 =	vadd.s32 s10, v0;
	s10 =	sadd.s32 $0xFFFFF9D0, s18;
	[tilespmem:v11+s26+$0x0] =	vst.idx.msk $0xffff, v7  }
0xc2: {  	s17 =	sadd.s32 $0xFFFFF5AF, s18;
	s19 =	sadd.s32 $0xFFFFFDEF, s18;
	v11 =	vadd.s32 s8, v0;
	s8 =	sadd.s32 $0xFFFFF7C0, s18;
	v3 =	vadd.s32 s16, v0;
	v7 =	vld [tilespmem:s9+$0x0];
	v15 =	vadd.s32 s10, v0  }
0xc3: {  	v17 =	vadd.s32 s18, v0;
	v4 =	vadd.s32 s17, v0;
	s16 =	sadd.s32 $0xFFFFFDF0, s18;
	s9 =	sadd.s32 $0xFFFFF7BF, s18;
	s10 =	sadd.s32 $0xFFFFF5B0, s18;
	v16 =	vld [tilespmem:s14+$0x60];
	[tilespmem:v1+s26+$0x0] =	vst.idx.msk $0xffff, v2  }
0xc4: {  	p2 =	slt.u32 s11, $0xF0;
	v18 =	vadd.s32 s9, v0;
	v1 =	vadd.s32 s10, v0;
	v19 =	vld [tilespmem:s14+$0xC0];
	[tilespmem:v13+s26+$0x0] =	vst.idx.msk $0xffff, v8  }
0xc5: {  	v20 =	vadd.s32 s16, v0;
	v13 =	vld [tilespmem:s14+$0xE0];
	[tilespmem:v6+s26+$0x0] =	vst.idx.msk $0xffff, v5  }
0xc6: {  	v21 =	vadd.s32 s8, v0;
	v5 =	vld [tilespmem:s14+$0x30];
	[tilespmem:v9+s26+$0x0] =	vst.idx.msk $0xffff, v12  }
0xc7: {  	[tilespmem:v11+s26+$0x0] =	vst.idx.msk $0xffff, v7;
	v7 =	vld [tilespmem:s14+$0xB0]  }
0xc8: {  	[tilespmem:v14+s26+$0x0] =	vst.idx.msk $0xffff, v10;
	v12 =	vld [tilespmem:s14+$0xF0]  }
0xc9: {  	v14 =	vadd.s32 s19, v0;
	v2 =	vld [tilespmem:s14+$0xA0];
	[tilespmem:v15+s26+$0x0] =	vst.idx.msk $0xffff, v19  }
.Ltmp4:
0xca: {  	s8 =	sadd.s32 $0xFFFFF39F, s18;
	v8 =	vld [tilespmem:s14+$0x20];
	[tilespmem:v20+s26+$0x0] =	vst.idx.msk $0xffff, v13;
	(pc) =	sbr.rel @p2 .LBB2_7-.Ltmp4, $4  }
0xcb: {  	v10 =	vadd.s32 s8, v0;
	[tilespmem:v18+s26+$0x0] =	vst.idx.msk $0xffff, v5;
	v9 =	vld [tilespmem:s14+$0xD0]  }
0xcc: {  	s9 =	sadd.s32 $0xFFFFF9CF, s18;
	v6 =	vld [tilespmem:s14+$0x10];
	[tilespmem:v21+s26+$0x0] =	vst.idx.msk $0xffff, v7  }
0xcd: {  	v11 =	vadd.s32 s9, v0;
	s8 =	sadd.s32 $0xFFFFF18F, s18;
	s19 =	sadd.s32 $0xFFFFFBDF, s18;
	v7 =	vld [tilespmem:s14+$0x40];
	[tilespmem:v17+s26+$0x0] =	vst.idx.msk $0xffff, v12  }
0xce: {  	s15 =	sadd.s32 $0x100, s15;
	s9 =	sadd.s32 $0xFFFFFFFF, s18;
	s18 =	sadd.s32 $0x2, s18;
	v5 =	vld [tilespmem:s14+$0x50];
	[tilespmem:v14+s26+$0x0] =	vst.idx.msk $0xffff, v16  }
0xcf: {  	_ =	sdelay $0x3  }
0xd0: {  	[tilespmem:v4+s26+$0x0] =	vst.idx.msk $0xffff, v8;
	v4 =	vld [tilespmem:s14+$0x70];
	v62 =	vadd.s32 s9, v0  }
0xd1: {  	v63 =	vld [tilespmem:s14+$0x0];
	v12 =	vadd.s32 s8, v0;
	[tilespmem:v1+s26+$0x0] =	vst.idx.msk $0xffff, v2  }
0xd2: {  	[tilespmem:v3+s26+$0x0] =	vst.idx.msk $0xffff, v9;
	v3 =	vadd.s32 s19, v0  }
0xd3: {  	[tilespmem:v10+s26+$0x0] =	vst.idx.msk $0xffff, v6  }
0xd4: {  	[tilespmem:v11+s26+$0x0] =	vst.idx.msk $0xffff, v7  }
0xd5: {  	[tilespmem:v62+s26+$0x0] =	vst.idx.msk $0xffff, v4  }
0xd6: {  	[tilespmem:v12+s26+$0x0] =	vst.idx.msk $0xffff, v63  }
0xd7: {  	s14 =	simm.s32 $0x84;
	[tilespmem:v3+s26+$0x0] =	vst.idx.msk $0xffff, v5  }
0xd8: {  	v1 =	vld [tilespmem:s14+$0x4073]  }
0xd9: {  	v2 =	vld [tilespmem:s14+$0x3F7C]  }
0xda: {  	v3 =	vld [tilespmem:s14+$0x3F8C]  }
0xdb: {  	v4 =	vld [tilespmem:s14+$0x3F9D]  }
0xdc: {  	s11 =	simm.s32 $0x0;
	v5 =	vld [tilespmem:s14+$0x3FAD]  }
0xdd: {  	v6 =	vld [tilespmem:s14+$0x3FBE];
	[tilespmem:s11+$0x30F0] =	vst v1  }
0xde: {  	[tilespmem:s11+$0x3000] =	vst v2;
	v1 =	vld [tilespmem:s14+$0x3FCE]  }
0xdf: {  	[tilespmem:s11+$0x3010] =	vst v3;
	v2 =	vld [tilespmem:s14+$0x3FDF]  }
0xe0: {  	[tilespmem:s11+$0x3020] =	vst v4;
	v3 =	vld [tilespmem:s14+$0x3FEF]  }
0xe1: {  	[tilespmem:s11+$0x3030] =	vst v5;
	v5 =	vld [tilespmem:s14+$0x4000]  }
0xe2: {  	[tilespmem:s11+$0x3040] =	vst v6;
	v4 =	vld [tilespmem:s14+$0x4010]  }
0xe3: {  	[tilespmem:s11+$0x3050] =	vst v1;
	v1 =	vld [tilespmem:s14+$0x4021]  }
0xe4: {  	[tilespmem:s11+$0x3060] =	vst v2;
	v2 =	vld [tilespmem:s14+$0x4031]  }
0xe5: {  	[tilespmem:s11+$0x3070] =	vst v3;
	v3 =	vld [tilespmem:s14+$0x4042]  }
0xe6: {  	s15 =	simm.s32 $0x0;
	s18 =	simm.s32 $0x630;
	[tilespmem:s11+$0x3080] =	vst v5;
	v5 =	vld [tilespmem:s14+$0x4052]  }
.LBB2_9:
0xe7: {  	s15 =	sadd.s32 $0x10, s15;
	[tilespmem:s11+$0x3090] =	vst v4;
	v4 =	vld [tilespmem:s14+$0x4063];
	s14 =	sshra.s32 s18, $0x2  }
0xe8: {  	v6 =	vld [tilespmem:s14+$0x4073];
	p2 =	slt.u32 s15, $0xF0;
	[tilespmem:s11+$0x30A0] =	vst v1  }
0xe9: {  	v1 =	vld [tilespmem:s14+$0x3F7C];
	[tilespmem:s11+$0x30B0] =	vst v2  }
0xea: {  	v2 =	vld [tilespmem:s14+$0x3F8C];
	[tilespmem:s11+$0x30C0] =	vst v3  }
0xeb: {  	s13 =	sadd.s32 $0x400, s13;
	v3 =	vld [tilespmem:s14+$0x3F9D];
	[tilespmem:s11+$0x30D0] =	vst v5  }
0xec: {  	v5 =	vld [tilespmem:s14+$0x3FAD];
	[tilespmem:s11+$0x30E0] =	vst v4;
	s11 =	sshra.s32 s13, $0x2  }
0xed: {  	v4 =	vld [tilespmem:s14+$0x3FBE];
	[tilespmem:s11+$0x30F0] =	vst v6  }
0xee: {  	[tilespmem:s11+$0x3000] =	vst v1;
	v1 =	vld [tilespmem:s14+$0x3FCE]  }
0xef: {  	[tilespmem:s11+$0x3010] =	vst v2;
	v2 =	vld [tilespmem:s14+$0x3FDF]  }
0xf0: {  	[tilespmem:s11+$0x3020] =	vst v3;
	v3 =	vld [tilespmem:s14+$0x3FEF]  }
0xf1: {  	[tilespmem:s11+$0x3030] =	vst v5;
	v5 =	vld [tilespmem:s14+$0x4000]  }
.Ltmp5:
0xf2: {  	[tilespmem:s11+$0x3040] =	vst v4;
	v4 =	vld [tilespmem:s14+$0x4010];
	(pc) =	sbr.rel @p2 .LBB2_9-.Ltmp5, $4  }
0xf3: {  	[tilespmem:s11+$0x3050] =	vst v1;
	v1 =	vld [tilespmem:s14+$0x4021]  }
0xf4: {  	[tilespmem:s11+$0x3060] =	vst v2;
	v2 =	vld [tilespmem:s14+$0x4031]  }
0xf5: {  	[tilespmem:s11+$0x3070] =	vst v3;
	v3 =	vld [tilespmem:s14+$0x4042]  }
0xf6: {  	s18 =	sadd.s32 $0x420, s18;
	[tilespmem:s11+$0x3080] =	vst v5;
	v5 =	vld [tilespmem:s14+$0x4052]  }
0xf7: {  	[tilespmem:s11+$0x3090] =	vst v4;
	v63 =	vld [tilespmem:s14+$0x4063]  }
0xf8: {  	p2 =	sne.s32 s12, $0x7A;
	[tilespmem:s11+$0x30A0] =	vst v1  }
.Ltmp6:
0xf9: {  	[tilespmem:s11+$0x30B0] =	vst v2;
	(pc) =	sbr.rel @p2 .LBB2_2-.Ltmp6, $4  }
0xfa: {  	s2 =	sshll.u32 s2, $0x9;
	[tilespmem:s11+$0x30C0] =	vst v3  }
0xfb: {  	s2 =	sand.u32 $0x1FFFFE00, s2;
	[tilespmem:s11+$0x30D0] =	vst v5  }
0xfc: {  	s2 =	sadd.s32 s6, s2;
	[tilespmem:s11+$0x30E0] =	vst v63  }
0xfd: {  	[hbm4b:s2+s4] =	stream.linear.scatter [tilespmem:s30], [sflag:$0x4], $0x1000, $0x38;
	[tilespmem:$0x5080] =	vst v63  }
0xfe: {  	_ =	swait.ge [sflag:s31], $0x1000  }
.Ltmp7:
0xff: {  	[sflag:s31] =	ssyncset.done $0x0;
	(pc) =	sbr.rel @p0 .LBB2_17-.Ltmp7, $4  }
0x100: {  	[sflag:s31] =	ssyncadd.s32 $0xFFFFF000  }
0x101: {  	_ =	swait.ge [sflag:s0], $0x1000  }
0x102: {  	[sflag:s0] =	ssyncset.done $0x0  }
0x103: {  	[sflag:s0] =	ssyncadd.s32 $0xFFFFF000  }
0x104: {  	s2 =	simm.s32 $0x0;
	s8 =	rddreg [dreg:$0x7]  }
0x105: {  	[tilespmem:s2], [sflag:$0x1] =	stream.linear.gather [hbm4b:s8+s2], $0x400, $0x38;
	[tilespmem:$0x5080] =	vst v63  }
0x106: {  	s16 =	rddreg [dreg:$0x8];
	s9 =	simm.s32 $0x400  }
0x107: {  	[tilespmem:s9], [sflag:$0x1] =	stream.linear.gather [hbm4b:s16+s2], $0x400, $0x38;
	[tilespmem:$0x5080] =	vst v63  }
0x108: {  	s17 =	rddreg [dreg:$0x9];
	s18 =	simm.s32 $0x800  }
0x109: {  	[tilespmem:s18], [sflag:$0x1] =	stream.linear.gather [hbm4b:s17+s2], $0x400, $0x38;
	[tilespmem:$0x5080] =	vst v63  }
0x10a: {  	s19 =	rddreg [dreg:$0xa];
	s20 =	simm.s32 $0xC00  }
0x10b: {  	[tilespmem:s20], [sflag:$0x1] =	stream.linear.gather [hbm4b:s19+s2], $0x400, $0x38;
	[tilespmem:$0x5080] =	vst v63  }
0x10c: {  	_ =	swait.ge [sflag:s25], $0x400  }
0x10d: {  	[sflag:s25] =	ssyncset.done $0x0  }
0x10e: {  	[sflag:s25] =	ssyncadd.s32 $0xFFFFFC00  }
0x10f: {  	_ =	swait.ge [sflag:s25], $0x400  }
0x110: {  	[sflag:s25] =	ssyncset.done $0x0  }
0x111: {  	[sflag:s25] =	ssyncadd.s32 $0xFFFFFC00  }
0x112: {  	_ =	swait.ge [sflag:s25], $0x400  }
0x113: {  	[sflag:s25] =	ssyncset.done $0x0  }
0x114: {  	[sflag:s25] =	ssyncadd.s32 $0xFFFFFC00  }
0x115: {  	_ =	swait.ge [sflag:s25], $0x400  }
0x116: {  	[sflag:s25] =	ssyncset.done $0x0  }
0x117: {  	s12 =	sand.u32 $0xF00, s2;
	[sflag:s25] =	ssyncadd.s32 $0xFFFFFC00  }
0x118: {  	v3 =	vld [tilespmem:s12+$0x90]  }
0x119: {  	v2 =	vld [tilespmem:s12+$0x70]  }
0x11a: {  	v4 =	vld [tilespmem:s12+$0x40]  }
0x11b: {  	v1 =	vld [tilespmem:s12+$0xD0]  }
0x11c: {  	s10 =	simm.s32 $0xC61;
	v8 =	vld [tilespmem:s12+$0x30]  }
0x11d: {  	s13 =	simm.s32 $0x420;
	v9 =	vadd.s32 s10, v0;
	v11 =	vld [tilespmem:s12+$0xE0]  }
0x11e: {  	s11 =	simm.s32 $0x80;
	v12 =	vadd.s32 s13, v0;
	s9 =	simm.s32 $0xE71;
	v13 =	vld [tilespmem:s12+$0x20]  }
0x11f: {  	s10 =	sand.u32 $0xC00, s2;
	s8 =	sand.u32 $0x380, s11;
	s11 =	simm.s32 $0x0;
	v5 =	vadd.s32 s9, v0;
	v6 =	vld [tilespmem:s12+$0xF0]  }
0x120: {  	s14 =	simm.s32 $0x1;
	s8 =	sor.u32 s8, s10;
	v14 =	vadd.s32 s11, v0;
	v15 =	vld [tilespmem:s12+$0x0]  }
0x121: {  	v18 =	vadd.s32 s14, v0;
	s17 =	simm.s32 $0x630;
	v19 =	vld [tilespmem:s8+$0x0]  }
0x122: {  	s18 =	simm.s32 $0x840;
	v7 =	vld [tilespmem:s12+$0xA0];
	[tilespmem:v9+s26+$0x0] =	vst.idx.msk $0xffff, v11;
	v11 =	vadd.s32 s17, v0  }
0x123: {  	s15 =	simm.s32 $0x631;
	s13 =	simm.s32 $0x210;
	s19 =	simm.s32 $0xE70;
	v10 =	vld [tilespmem:s12+$0x10];
	[tilespmem:v12+s26+$0x0] =	vst.idx.msk $0xffff, v13;
	v12 =	vadd.s32 s18, v0  }
0x124: {  	s14 =	simm.s32 $0xE73;
	s11 =	simm.s32 $0x0;
	s20 =	simm.s32 $0x211;
	v16 =	vadd.s32 s19, v0;
	[tilespmem:v5+s26+$0x0] =	vst.idx.msk $0xffff, v6;
	v9 =	vld [tilespmem:s12+$0xB0]  }
0x125: {  	s10 =	simm.s32 $0x841;
	s16 =	simm.s32 $0xA51;
	s9 =	simm.s32 $0x421;
	v17 =	vadd.s32 s20, v0;
	v5 =	vadd.s32 s15, v0;
	[tilespmem:v14+s26+$0x0] =	vst.idx.msk $0xffff, v15;
	v14 =	vld [tilespmem:s12+$0xC0]  }
0x126: {  	s8 =	simm.s32 $0xC60;
	v6 =	vadd.s32 s16, v0;
	s15 =	simm.s32 $0xA50;
	v15 =	vadd.s32 s13, v0;
	v13 =	vld [tilespmem:s12+$0x50];
	[tilespmem:v18+s26+$0x0] =	vst.idx.msk $0xffff, v19;
	s13 =	simm.s32 $0x100  }
.LBB2_13:
0x127: {  	s16 =	sadd.s32 $0x80, s13;
	s17 =	sadd.s32 $0xFFFFF7C0, s14;
	[tilespmem:v11+s26+$0x0] =	vst.idx.msk $0xffff, v8;
	v18 =	vld [tilespmem:s12+$0x60];
	s12 =	sand.u32 $0xF00, s13;
	v19 =	vadd.s32 s8, v0;
	v20 =	vadd.s32 s10, v0  }
0x128: {  	s8 =	sand.u32 $0xC00, s13;
	v22 =	vadd.s32 s15, v0;
	v23 =	vadd.s32 s9, v0;
	s10 =	sand.u32 $0x380, s16;
	v21 =	vld [tilespmem:s12+$0x90];
	s16 =	sadd.s32 $0xFFFFFDF0, s14;
	[tilespmem:v12+s26+$0x0] =	vst.idx.msk $0xffff, v4  }
0x129: {  	s9 =	sadd.s32 $0xFFFFF190, s14;
	v24 =	vadd.s32 s17, v0;
	s8 =	sor.u32 s10, s8;
	s10 =	sadd.s32 $0xFFFFFBE0, s14;
	v25 =	vadd.s32 s16, v0;
	[tilespmem:v16+s26+$0x0] =	vst.idx.msk $0xffff, v2;
	v2 =	vld [tilespmem:s12+$0x70]  }
0x12a: {  	s15 =	sadd.s32 $0xFFFFF18F, s14;
	s11 =	sadd.s32 $0x10, s11;
	v26 =	vadd.s32 s9, v0;
	s16 =	sadd.s32 $0xFFFFF5AF, s14;
	v16 =	vadd.s32 s14, v0;
	v4 =	vld [tilespmem:s12+$0x40];
	[tilespmem:v17+s26+$0x0] =	vst.idx.msk $0xffff, v3  }
0x12b: {  	s9 =	sadd.s32 $0xFFFFF7BF, s14;
	p2 =	slt.u32 s11, $0xF0;
	v17 =	vadd.s32 s15, v0;
	v27 =	vadd.s32 s16, v0;
	v28 =	vld [tilespmem:s12+$0xD0];
	[tilespmem:v15+s26+$0x0] =	vst.idx.msk $0xffff, v10  }
0x12c: {  	v11 =	vadd.s32 s9, v0;
	s9 =	sadd.s32 $0xFFFFF9CF, s14;
	v10 =	vadd.s32 s10, v0;
	v8 =	vld [tilespmem:s12+$0x30];
	[tilespmem:v20+s26+$0x0] =	vst.idx.msk $0xffff, v14  }
0x12d: {  	v12 =	vadd.s32 s9, v0;
	v14 =	vld [tilespmem:s12+$0xF0];
	[tilespmem:v23+s26+$0x0] =	vst.idx.msk $0xffff, v7;
	v3 =	vmov v21  }
0x12e: {  	v15 =	vld [tilespmem:s12+$0xE0];
	[tilespmem:v22+s26+$0x0] =	vst.idx.msk $0xffff, v13  }
0x12f: {  	v13 =	vld [tilespmem:s12+$0x20];
	[tilespmem:v5+s26+$0x0] =	vst.idx.msk $0xffff, v9;
	v5 =	vmov v24  }
0x130: {  	v20 =	vld [tilespmem:s12+$0x0];
	[tilespmem:v6+s26+$0x0] =	vst.idx.msk $0xffff, v1;
	v1 =	vmov v28;
	v6 =	vmov v10  }
0x131: {  	v21 =	vld [tilespmem:s8+$0x0];
	[tilespmem:v19+s26+$0x0] =	vst.idx.msk $0xffff, v18  }
.Ltmp8:
0x132: {  	v7 =	vld [tilespmem:s12+$0xA0];
	[tilespmem:v16+s26+$0x0] =	vst.idx.msk $0xffff, v14;
	(pc) =	sbr.rel @p2 .LBB2_13-.Ltmp8, $4  }
0x133: {  	s9 =	sadd.s32 $0xFFFFFFFF, s14;
	v10 =	vld [tilespmem:s12+$0x10];
	[tilespmem:v25+s26+$0x0] =	vst.idx.msk $0xffff, v15  }
0x134: {  	s15 =	sadd.s32 $0xFFFFFBDF, s14;
	s8 =	sadd.s32 $0xFFFFFDEF, s14;
	v16 =	vadd.s32 s9, v0;
	s9 =	sadd.s32 $0xFFFFF3A0, s14;
	[tilespmem:v27+s26+$0x0] =	vst.idx.msk $0xffff, v13;
	v9 =	vld [tilespmem:s12+$0xB0]  }
0x135: {  	s10 =	sadd.s32 $0xFFFFF39F, s14;
	[tilespmem:v17+s26+$0x0] =	vst.idx.msk $0xffff, v20;
	v17 =	vadd.s32 s9, v0;
	s9 =	sadd.s32 $0xFFFFF5B0, s14;
	v14 =	vld [tilespmem:s12+$0xC0]  }
0x136: {  	s13 =	sadd.s32 $0x100, s13;
	v15 =	vadd.s32 s10, v0;
	s10 =	sadd.s32 $0xFFFFF9D0, s14;
	s14 =	sadd.s32 $0x2, s14;
	v13 =	vld [tilespmem:s12+$0x50];
	[tilespmem:v26+s26+$0x0] =	vst.idx.msk $0xffff, v21  }
0x137: {  	_ =	sdelay $0x3  }
0x138: {  	[tilespmem:v11+s26+$0x0] =	vst.idx.msk $0xffff, v8  }
0x139: {  	[tilespmem:v12+s26+$0x0] =	vst.idx.msk $0xffff, v4  }
0x13a: {  	v62 =	vadd.s32 s10, v0;
	[tilespmem:v16+s26+$0x0] =	vst.idx.msk $0xffff, v2  }
0x13b: {  	v4 =	vadd.s32 s9, v0;
	[tilespmem:v17+s26+$0x0] =	vst.idx.msk $0xffff, v3  }
0x13c: {  	v63 =	vadd.s32 s15, v0;
	[tilespmem:v6+s26+$0x0] =	vst.idx.msk $0xffff, v1  }
0x13d: {  	v2 =	vld [tilespmem:s12+$0x60];
	v3 =	vadd.s32 s8, v0;
	[tilespmem:v15+s26+$0x0] =	vst.idx.msk $0xffff, v10  }
0x13e: {  	[tilespmem:v5+s26+$0x0] =	vst.idx.msk $0xffff, v9  }
0x13f: {  	[tilespmem:v62+s26+$0x0] =	vst.idx.msk $0xffff, v14  }
0x140: {  	[tilespmem:v4+s26+$0x0] =	vst.idx.msk $0xffff, v7  }
0x141: {  	[tilespmem:v63+s26+$0x0] =	vst.idx.msk $0xffff, v13  }
0x142: {  	s12 =	simm.s32 $0x84;
	[tilespmem:v3+s26+$0x0] =	vst.idx.msk $0xffff, v2  }
0x143: {  	v1 =	vld [tilespmem:s12+$0x4073]  }
0x144: {  	v2 =	vld [tilespmem:s12+$0x3F7C]  }
0x145: {  	v3 =	vld [tilespmem:s12+$0x3F8C]  }
0x146: {  	v4 =	vld [tilespmem:s12+$0x3F9D]  }
0x147: {  	s11 =	simm.s32 $0x0;
	v5 =	vld [tilespmem:s12+$0x3FAD]  }
0x148: {  	v6 =	vld [tilespmem:s12+$0x3FBE];
	[tilespmem:s11+$0x20F0] =	vst v1  }
0x149: {  	[tilespmem:s11+$0x2000] =	vst v2;
	v1 =	vld [tilespmem:s12+$0x3FCE]  }
0x14a: {  	[tilespmem:s11+$0x2010] =	vst v3;
	v2 =	vld [tilespmem:s12+$0x3FDF]  }
0x14b: {  	[tilespmem:s11+$0x2020] =	vst v4;
	v3 =	vld [tilespmem:s12+$0x3FEF]  }
0x14c: {  	[tilespmem:s11+$0x2030] =	vst v5;
	v5 =	vld [tilespmem:s12+$0x4000]  }
0x14d: {  	[tilespmem:s11+$0x2040] =	vst v6;
	v4 =	vld [tilespmem:s12+$0x4010]  }
0x14e: {  	[tilespmem:s11+$0x2050] =	vst v1;
	v1 =	vld [tilespmem:s12+$0x4021]  }
0x14f: {  	[tilespmem:s11+$0x2060] =	vst v2;
	v2 =	vld [tilespmem:s12+$0x4031]  }
0x150: {  	[tilespmem:s11+$0x2070] =	vst v3;
	v3 =	vld [tilespmem:s12+$0x4042]  }
0x151: {  	s13 =	simm.s32 $0x0;
	s14 =	simm.s32 $0x630;
	[tilespmem:s11+$0x2080] =	vst v5;
	v5 =	vld [tilespmem:s12+$0x4052]  }
.LBB2_15:
0x152: {  	s13 =	sadd.s32 $0x10, s13;
	[tilespmem:s11+$0x2090] =	vst v4;
	v4 =	vld [tilespmem:s12+$0x4063];
	s12 =	sshra.s32 s14, $0x2  }
0x153: {  	v6 =	vld [tilespmem:s12+$0x4073];
	p2 =	slt.u32 s13, $0xF0;
	[tilespmem:s11+$0x20A0] =	vst v1  }
0x154: {  	v1 =	vld [tilespmem:s12+$0x3F7C];
	[tilespmem:s11+$0x20B0] =	vst v2  }
0x155: {  	v2 =	vld [tilespmem:s12+$0x3F8C];
	[tilespmem:s11+$0x20C0] =	vst v3  }
0x156: {  	s2 =	sadd.s32 $0x400, s2;
	v3 =	vld [tilespmem:s12+$0x3F9D];
	[tilespmem:s11+$0x20D0] =	vst v5  }
0x157: {  	v5 =	vld [tilespmem:s12+$0x3FAD];
	[tilespmem:s11+$0x20E0] =	vst v4;
	s11 =	sshra.s32 s2, $0x2  }
0x158: {  	v4 =	vld [tilespmem:s12+$0x3FBE];
	[tilespmem:s11+$0x20F0] =	vst v6  }
0x159: {  	[tilespmem:s11+$0x2000] =	vst v1;
	v1 =	vld [tilespmem:s12+$0x3FCE]  }
0x15a: {  	[tilespmem:s11+$0x2010] =	vst v2;
	v2 =	vld [tilespmem:s12+$0x3FDF]  }
0x15b: {  	[tilespmem:s11+$0x2020] =	vst v3;
	v3 =	vld [tilespmem:s12+$0x3FEF]  }
0x15c: {  	[tilespmem:s11+$0x2030] =	vst v5;
	v5 =	vld [tilespmem:s12+$0x4000]  }
.Ltmp9:
0x15d: {  	[tilespmem:s11+$0x2040] =	vst v4;
	v4 =	vld [tilespmem:s12+$0x4010];
	(pc) =	sbr.rel @p2 .LBB2_15-.Ltmp9, $4  }
0x15e: {  	[tilespmem:s11+$0x2050] =	vst v1;
	v1 =	vld [tilespmem:s12+$0x4021]  }
0x15f: {  	[tilespmem:s11+$0x2060] =	vst v2;
	v2 =	vld [tilespmem:s12+$0x4031]  }
0x160: {  	[tilespmem:s11+$0x2070] =	vst v3;
	v3 =	vld [tilespmem:s12+$0x4042]  }
0x161: {  	s14 =	sadd.s32 $0x420, s14;
	[tilespmem:s11+$0x2080] =	vst v5;
	v5 =	vld [tilespmem:s12+$0x4052]  }
0x162: {  	[tilespmem:s11+$0x2090] =	vst v4;
	v63 =	vld [tilespmem:s12+$0x4063]  }
0x163: {  	[tilespmem:s11+$0x20A0] =	vst v1  }
0x164: {  	[tilespmem:s11+$0x20B0] =	vst v2  }
0x165: {  	[tilespmem:s11+$0x20C0] =	vst v3  }
0x166: {  	[tilespmem:s11+$0x20D0] =	vst v5  }
0x167: {  	[tilespmem:s11+$0x20E0] =	vst v63  }
.Ltmp10:
0x168: {  	s2 =	rddreg [dreg:$0xb];
	(pc) =	sbr.rel .LBB2_17-.Ltmp10, $4  }
0x169: {  	[hbm4b:s2+s4] =	stream.linear.scatter [tilespmem:s28], [sflag:$0x3], $0x1000, $0x38;
	[tilespmem:$0x5080] =	vst v63  }
0x16a: {  	_ =	swait.ge [sflag:s31], $0x1000  }
0x16b: {  	[sflag:s31] =	ssyncset.done $0x0  }
0x16c: {  	[sflag:s31] =	ssyncadd.s32 $0xFFFFF000  }
.LBB2_18:
0x16d: {  	_ =	sfence.sel $0x180000  }
0x16e: {  	[bflag:$0x0] =	sbarrier.arrive $0xFFFF  }
0x16f: {  	_ =	strace $0x90000047  }
0x170: {  	s0 =	stileid.u32;
	[bflag:$0x2] =	sbarrier.arrive $0xFFFF  }
0x171: {  	p0 =	sne.s32 s0, $0x0;
	s0 =	rddreg [dreg:$0x3]  }
0x172: {  	s0 =	sadd.s32 @!p0 $0x100000, s0  }
0x173: {  	[sflag:s0] =	ssyncadd.tile.s32 @!p0 $0x1;
	_ =	shalt  }
.Lfunc_end2:
_tile_overlayer_lowered:
.L_overlay_start_2:
0x174: {  	(tag) =	ssettag $0x2  }
0x175: {  	s0 =	rddreg [dreg:$0x0];
	s2 =	stileid.u32  }
0x176: {  	s1 =	rddreg [dreg:$0x1];
	p0 =	sne.s32 s2, $0x0  }
0x177: {  	s3 =	rddreg [dreg:$0x2];
	[bflag:$0x3] =	sbarrier.arrive $0xFFFF;
	s2 =	simm.s32 @!p0 $0x1C05  }
0x178: {  	[timem:s3], [sflag:s2] =	dma.local @!p0 [hbm:s0], s1  }
0x179: {  	s0 =	simm.s32 @!p0 $0x5  }
0x17a: {  	_ =	swait.ge @!p0 [sflag:s0], s1  }
0x17b: {  	s1 =	ssub.s32 @!p0 $0x0, s1;
	[sflag:s0] =	ssyncset.done @!p0 $0x0  }
0x17c: {  	[sflag:s0] =	ssyncadd.s32 @!p0 s1  }
0x17d: {  	[bflag:$0x3] =	sbarrier.arrive $0xFFFF  }
0x17e: {  	_ =	shalt  }

// kernel: kernel.7.cloned.1.call-start
scs
__scs_entry_jumppad:
0x0: {  	(pc) =	sbr.rel $0x88, $3  }
0x1: {  	(tag) =	ssettag $0x0;
	lr =	simm.s32 $0x1  }
0x2: {  	[smem:$0x3F9F] =	sst lr;
	_ =	strace $0xD0000000  }
0x3: {  	_ = 	snop  }
0x4: {  	_ = 	snop  }
0x5: {  	_ = 	snop  }
0x6: {  	_ = 	snop  }
0x7: {  	_ = 	snop  }
__scs_overlays_trampoline_lowered:
0x8: {  	[smem:$0x3FAE] =	sst s0  }
0x9: {  	[smem:$0x3FAF] =	sst s1  }
0xa: {  	[smem:$0x3FB0] =	sst s2  }
0xb: {  	[smem:$0x3FB1] =	sst s3  }
0xc: {  	[smem:$0x3FB2] =	sst s4  }
0xd: {  	[smem:$0x3FB3] =	sst s5  }
0xe: {  	[smem:$0x3FB4] =	sst s6  }
0xf: {  	[smem:$0x3FB5] =	sst s7  }
0x10: {  	[smem:$0x3FB6] =	sst s8  }
0x11: {  	[smem:$0x3FB7] =	sst s9;
	s0 =	simm.s32 @!p0 $0x0  }
0x12: {  	s1 =	sld [smem:$0x3F9D];
	s0 =	simm.s32 @p0 $0x1  }
0x13: {  	[smem:$0x3FB8] =	sst s0;
	s0 =	simm.s32 @!p1 $0x0  }
0x14: {  	s2 =	sld [smem:$0x3F9C];
	s0 =	simm.s32 @p1 $0x1  }
0x15: {  	[smem:$0x3FB9] =	sst s0;
	s0 =	simm.s32 @!p2 $0x0  }
0x16: {  	s3 =	sld [smem:$0x3FDB];
	s0 =	simm.s32 @p2 $0x1  }
0x17: {  	s4 =	simm.s32 $0x1BF5;
	[smem:$0x3FBB] =	sst s0  }
0x18: {  	s0 =	sld [smem:$0x3F9E];
	_ =	swait.ge [sflag:s4], $0x0  }
0x19: {  	s7 =	sld [smem:$0x3F9F]  }
0x1a: {  	s8 =	sadd.s32 $0xFFFFE003, lr  }
0x1b: {  	s9 =	sadd.s32 $0xFFFFFEF7, lr;
	s5 =	simm.s32 $0xFFFFFFFF;
	p2 =	slt.u32 s8, $0xFFFFF086  }
0x1c: {  	p1 =	slt.u32 s9, $0xF7A;
	s5 =	simm.s32 @!p2 $0x0  }
0x1d: {  	s5 =	simm.s32 @p1 $0x1;
	p0 =	seq.s32 s7, s2  }
0x1e: {  	s7 =	smul.u32 @!p0 $0xF7A, s2;
	p2 =	seq.s32 @!p0 s5, $0x0  }
0x1f: {  	s9 =	smul.u32 $0xF7A, s1;
	s8 =	simm.s32 @!p0 $0x1BF5;
	p2 =	por !p2, p0  }
0x20: {  	[sflag:s8] =	ssyncset.s32 @!p0 $0xFFFFF086;
	s6 =	sadd.s32 @!p0 s3, s7;
	s7 =	simm.s32 @!p0 $0x108  }
0x21: {  	s3 =	sadd.s32 s3, s9;
	s6 =	sadd.s32 @!p0 $0x88, s6;
	s7 =	simm.s32 @p2 $0x1082  }
0x22: {  	[simem:s7], [sflag:s8] =	dma.local @!p0 [hbm:s6], $0xF7A  }
0x23: {  	s9 =	sor.u32 $0xD0000000, s2;
	s6 =	simm.s32 $0x108;
	_ =	swait.ge @!p0 [sflag:s8], $0x0  }
0x24: {  	s3 =	sadd.s32 $0x88, s3;
	s6 =	simm.s32 @!p1 $0x1082;
	[sflag:s4] =	ssyncset.s32 $0xFFFFF086  }
0x25: {  	[simem:s6], [sflag:s4] =	dma.local [hbm:s3], $0xF7A  }
0x26: {  	[smem:$0x3F9F] =	sst s1;
	(tag) =	ssettag s2;
	_ =	strace s9  }
0x27: {  	s1 =	sld [smem:$0x3FAF]  }
0x28: {  	s2 =	sld [smem:$0x3FB0]  }
0x29: {  	s4 =	sld [smem:$0x3FB2]  }
0x2a: {  	p0 =	seq.s32 s5, $0x0;
	s5 =	sld [smem:$0x3FB3]  }
0x2b: {  	s6 =	sld [smem:$0x3FB4]  }
0x2c: {  	s7 =	sld [smem:$0x3FB5]  }
0x2d: {  	s3 =	simm.s32 $0x108;
	s8 =	sld [smem:$0x3FB6]  }
0x2e: {  	s3 =	simm.s32 @!p0 $0x1082;
	s9 =	sld [smem:$0x3FB7]  }
0x2f: {  	lr =	sadd.s32 s0, s3;
	s0 =	sld [smem:$0x3FAE]  }
0x30: {  	s3 =	sld [smem:$0x3FB1]  }
0x31: {  	[smem:$0x3FBA] =	sst s10  }
0x32: {  	s10 =	sld [smem:$0x3FB8];
	_ =	sdelay $0x3  }
0x33: {  	p0 =	seq.s32 s10, $0x1;
	s10 =	sld [smem:$0x3FBA];
	_ =	sdelay $0x3  }
0x34: {  	[smem:$0x3FBA] =	sst s10  }
0x35: {  	s10 =	sld [smem:$0x3FB9];
	_ =	sdelay $0x3  }
0x36: {  	p1 =	seq.s32 s10, $0x1;
	s10 =	sld [smem:$0x3FBA];
	_ =	sdelay $0x3  }
0x37: {  	[smem:$0x3FBA] =	sst s10  }
0x38: {  	s10 =	sld [smem:$0x3FBB]  }
0x39: {  	_ = 	snop;
	(pc) =	sbr.ind lr, $3  }
0x3a: {  	_ = 	snop  }
0x3b: {  	_ = 	snop  }
0x3c: {  	p2 =	seq.s32 s10, $0x1;
	s10 =	sld [smem:$0x3FBA]  }
0x3d: {  	_ =	shalt  }
0x3e: {  	_ =	shalt  }
0x3f: {  	_ =	shalt  }
0x40: {  	_ =	shalt  }
0x41: {  	_ =	shalt  }
0x42: {  	_ =	shalt  }
0x43: {  	_ =	shalt  }
0x44: {  	_ =	shalt  }
0x45: {  	_ =	shalt  }
0x46: {  	_ =	shalt  }
0x47: {  	_ =	shalt  }
0x48: {  	_ =	shalt  }
0x49: {  	_ =	shalt  }
0x4a: {  	_ =	shalt  }
0x4b: {  	_ =	shalt  }
0x4c: {  	_ =	shalt  }
0x4d: {  	_ =	shalt  }
0x4e: {  	_ =	shalt  }
0x4f: {  	_ =	shalt  }
0x50: {  	_ =	shalt  }
0x51: {  	_ =	shalt  }
0x52: {  	_ =	shalt  }
0x53: {  	_ =	shalt  }
0x54: {  	_ =	shalt  }
0x55: {  	_ =	shalt  }
0x56: {  	_ =	shalt  }
0x57: {  	_ =	shalt  }
0x58: {  	_ =	shalt  }
0x59: {  	_ =	shalt  }
0x5a: {  	_ =	shalt  }
0x5b: {  	_ =	shalt  }
0x5c: {  	_ =	shalt  }
0x5d: {  	_ =	shalt  }
0x5e: {  	_ =	shalt  }
0x5f: {  	_ =	shalt  }
0x60: {  	_ =	shalt  }
0x61: {  	_ =	shalt  }
0x62: {  	_ =	shalt  }
0x63: {  	_ =	shalt  }
0x64: {  	_ =	shalt  }
0x65: {  	_ =	shalt  }
0x66: {  	_ =	shalt  }
0x67: {  	_ =	shalt  }
0x68: {  	_ =	shalt  }
0x69: {  	_ =	shalt  }
0x6a: {  	_ =	shalt  }
0x6b: {  	_ =	shalt  }
0x6c: {  	_ =	shalt  }
0x6d: {  	_ =	shalt  }
0x6e: {  	_ =	shalt  }
0x6f: {  	_ =	shalt  }
0x70: {  	_ =	shalt  }
0x71: {  	_ =	shalt  }
0x72: {  	_ =	shalt  }
0x73: {  	_ =	shalt  }
0x74: {  	_ =	shalt  }
0x75: {  	_ =	shalt  }
0x76: {  	_ =	shalt  }
0x77: {  	_ =	shalt  }
0x78: {  	_ =	shalt  }
0x79: {  	_ =	shalt  }
0x7a: {  	_ =	shalt  }
0x7b: {  	_ =	shalt  }
0x7c: {  	_ =	shalt  }
0x7d: {  	_ =	shalt  }
0x7e: {  	_ =	shalt  }
0x7f: {  	_ =	shalt  }
0x80: {  	_ =	shalt  }
0x81: {  	_ =	shalt  }
0x82: {  	_ =	shalt  }
0x83: {  	_ =	shalt  }
0x84: {  	_ =	shalt  }
0x85: {  	_ =	shalt  }
0x86: {  	_ =	shalt  }
0x87: {  	_ =	shalt  }
.Lfunc_end0:
.L_simem_size_0:
called_computation.1_lowered:
.L_overlay_start_0:
0x88: {  	s2 =	sld [smem:$0x3FD9]  }
0x89: {  	s3 =	sld [smem:$0x3FFE];
	_ =	sdelay $0x1  }
0x8a: {  	s1 =	srdreg.scid  }
0x8b: {  	s0 =	sand.u32 $0x1, s1  }
0x8c: {  	s17 =	sshll.u32 s0, $0xA;
	s2 =	sadd.s32 s3, s2  }
0x8d: {  	s2 =	sadd.s32 s2, s17  }
0x8e: {  	[smem:$0x3FC6] =	sst s2  }
0x8f: {  	_ = 	snop  }
0x90: {  	s2 =	sld [smem:$0x3FD0];
	(tm) =	ssettm $0x1  }
0x91: {  	s18 =	sld [smem:$0x3FFB];
	_ =	sdelay $0x3  }
0x92: {  	_ =	strace s18  }
0x93: {  	s3 =	sld [smem:$0x3FFC];
	_ =	sdelay $0x3  }
0x94: {  	_ =	strace s3  }
0x95: {  	s3 =	sld [smem:$0x3FFD];
	_ =	sdelay $0x3  }
0x96: {  	_ =	strace s3  }
0x97: {  	_ =	strace $0x8FFFFFFF  }
0x98: {  	s19 =	sld [smem:$0x3FDB];
	_ =	sdelay $0x1  }
0x99: {  	s4 =	simm.s32 $_scs_section_size  }
0x9a: {  	s5 =	simm.s32 $_size__tile_overlayer_lowered;
	s6 =	simm.s32 $_tile_overlayer_lowered  }
0x9b: {  	s22 =	simm.s32 $0x1BFF;
	s21 =	sshll.u32 s6, $0x1;
	s3 =	sadd.s32 s4, s19  }
0x9c: {  	s7 =	simm.s32 $0x0;
	s20 =	sshll.u32 s5, $0x1;
	s5 =	sadd.s32 s21, s3  }
0x9d: {  	[timem:s7], [sflag:s22] =	dma.local [hbm:s5], s20  }
0x9e: {  	_ =	swait.ge [sflag:s22], s20  }
0x9f: {  	s4 =	ssub.s32 $0x0, s20;
	[sflag:s22] =	ssyncset.done $0x0  }
0xa0: {  	[sflag:s22] =	ssyncadd.s32 s4;
	_ =	sdelay $0x1  }
0xa1: {  	s23 =	simm.s32 $0x1B8B  }
0xa2: {  	_ =	swait.ge [sflag:s23], $0x1  }
0xa3: {  	[sflag:s23] =	ssyncset.done $0x0  }
0xa4: {  	s25 =	simm.s32 $0x1B8E;
	s24 =	sld [smem:$0x3FFE];
	[sflag:s23] =	ssyncadd.s32 $0xFFFFFFFF  }
0xa5: {  	s26 =	simm.s32 $execute0_lowered;
	[smem:$0x3FD2] =	sst s25  }
0xa6: {  	s5 =	sshll.u32 s26, $0x1;
	_ =	strace $0x80000049;
	[dreg:$0x1] =	wrdreg $0xFFFFFFFF  }
0xa7: {  	s28 =	simm.s32 $_size_execute0_lowered;
	s3 =	sadd.s32 s3, s5;
	[dreg:$0x0] =	wrdreg $0x0  }
0xa8: {  	s5 =	sshll.u32 s28, $0x1;
	[dreg:$0x2] =	wrdreg s3  }
0xa9: {  	[dreg:$0x3] =	wrdreg s5  }
0xaa: {  	[dreg:$0x4] =	wrdreg $0xC0  }
0xab: {  	_ =	task [dreg:s7], $0x5FFFF  }
0xac: {  	[dreg:$0x1] =	wrdreg $0xFFFFFFFF  }
0xad: {  	[dreg:$0x0] =	wrdreg $0x60  }
0xae: {  	[dreg:$0x2] =	wrdreg s24  }
0xaf: {  	[dreg:$0x3] =	wrdreg s2  }
0xb0: {  	[dreg:$0x4] =	wrdreg $0x9  }
0xb1: {  	_ =	task.clear_ibuf [dreg:s7], $0x5FFFF;
	_ =	strace $0x90000049  }
0xb2: {  	s29 =	simm.s32 $0x9;
	_ =	strace $0x8000004B  }
0xb3: {  	_ =	swait.ge [sflag:s29], $0x1  }
0xb4: {  	[sflag:s29] =	ssyncadd.s32 $0xFFFFFFFF  }
0xb5: {  	_ =	strace $0x9000004B  }
0xb6: {  	_ =	sfence  }
0xb7: {  	s30 =	sld [smem:$0x0];
	_ =	sdelay $0x2  }
0xb8: {  	s31 =	sshll.u32 s1, $0xD;
	s1 =	sshrl.u32 s1, $0x2  }
0xb9: {  	s3 =	sand.u32 $0x4000, s31;
	s1 =	sadd.s32 s1, s30  }
0xba: {  	s0 =	sor.u32 s3, s0;
	s1 =	sshll.u32 s1, $0x11  }
0xbb: {  	s0 =	sor.u32 s1, s0  }
0xbc: {  	s0 =	sadd.s32 $0x8F2B, s0  }
0xbd: {  	[sflag:s0] =	ssyncadd.remote.s32 $0x1  }
0xbe: {  	_ =	sfence.sel $0xFFFF  }
0xbf: {  	[dreg:$0x0] =	wrdreg $0xFFFFFFFF;
	(pc) =	sbr.abs _section_cstart, $3  }
0xc0: {  	[dreg:$0x1] =	wrdreg $0xFFFFFFFF  }
0xc1: {  	_ =	task.clear_ibuf [dreg:s7], $0x2FFFF;
	_ =	strace $0x9FFFFFFF  }
0xc2: {  	(tm) =	ssettm $0x7FFFFFFF  }
0xc3: {  	_ =	shalt  }
tec
execute0_lowered:
.L_overlay_start_1:
0x0: {  	(tag) =	ssettag $0x1  }
0x1: {  	s0 =	rddreg [dreg:$0x0]  }
0x2: {  	s2 =	rddreg [dreg:$0x1];
	s3 =	simm.s32 $0x0;
	s1 =	srdreg.scid  }
0x3: {  	s4 =	stileid.u32;
	s14 =	simm.s32 $0x80;
	s25 =	simm.s32 $0x1  }
0x4: {  	s26 =	simm.s32 $0x13400;
	s20 =	simm.s32 $0x2;
	s21 =	simm.s32 $0x4  }
0x5: {  	s19 =	simm.s32 $0x12400;
	s10 =	simm.s32 $0x12C00;
	s13 =	simm.s32 $0x13000  }
0x6: {  	[smem:$0x7FF] =	sst s3;
	s1 =	sand.u32 $0x1, s1;
	s4 =	sshll.u32 s4, $0x1  }
0x7: {  	_ =	strace $0x8000004A;
	s6 =	sor.u32 s1, s4;
	s1 =	ssub.s32 $0x2, s1  }
0x8: {  	s4 =	sadd.s32 $0xA00, s0;
	s5 =	sshll.u32 s6, $0x6;
	s7 =	sshrl.u32 s1, $0x1  }
0x9: {  	s9 =	sshllo.u32 s6, $0x2;
	s0 =	sadd.s32 s5, s0;
	s1 =	ssub.s32 s1, s7  }
0xa: {  	s5 =	sshll.u32 s6, $0x2;
	s6 =	simm.s32 $0x12800;
	s0 =	sadd.s32 $0x3D1400, s0  }
0xb: {  	v0 =	vlaneseq.u32;
	s7 =	sor.u32 $0x1, s5;
	s31 =	smax.u32 s1, $0x1;
	[dreg:$0x3] =	wrdreg s0  }
0xc: {  	v0 =	vmul.u32 $0x81, v0;
	s8 =	sor.u32 $0x2, s5;
	s1 =	simm.s32 $0x0;
	[dreg:$0x4] =	wrdreg s31  }
.LBB2_1:
0xd: {  	[dreg:$0x5] =	wrdreg s1  }
0xe: {  	s0 =	rddreg [dreg:$0x3]  }
0xf: {  	s18 =	simm.s32 $0x200;
	s11 =	simm.s32 $0x4000;
	s22 =	simm.s32 $0x5  }
0x10: {  	[tilespmem:s3], [sflag:$0x5] =	stream.strided.gather [hbm4b:s0+s18], $0x3400, s11, s18, $0x38;
	[tilespmem:$0x14480] =	vst v63  }
0x11: {  	_ =	swait.ge [sflag:s22], $0x3400  }
0x12: {  	[sflag:s22] =	ssyncset.done $0x0  }
0x13: {  	s23 =	simm.s32 $0x3400;
	[sflag:s22] =	ssyncadd.s32 $0xFFFFCC00  }
0x14: {  	[tilespmem:s23], [sflag:$0x1] =	stream.indirect.gather [hbm4b:s4+s14], $0x20, s3, s14, $0xb8;
	[tilespmem:$0x14480] =	vst v63  }
0x15: {  	s24 =	simm.s32 $0x4400  }
0x16: {  	[tilespmem:s24], [sflag:$0x1] =	stream.indirect.gather [hbm4b:s4+s14], $0x20, s14, s14, $0xb8;
	[tilespmem:$0x14480] =	vst v63  }
0x17: {  	s28 =	simm.s32 $0x100;
	s29 =	simm.s32 $0x5400  }
0x18: {  	[tilespmem:s29], [sflag:$0x1] =	stream.indirect.gather [hbm4b:s4+s14], $0x20, s28, s14, $0xb8;
	[tilespmem:$0x14480] =	vst v63  }
0x19: {  	s30 =	simm.s32 $0x180;
	s31 =	simm.s32 $0x6400;
	s15 =	simm.s32 $0x0  }
0x1a: {  	[tilespmem:s31], [sflag:$0x1] =	stream.indirect.gather [hbm4b:s4+s14], $0x20, s30, s14, $0xb8;
	[tilespmem:$0x14480] =	vst v63  }
.LBB2_2:
0x1b: {  	s24 =	sshll.u32 s15, $0xA  }
0x1c: {  	s0 =	simm.s32 $0x7400;
	s23 =	sor.u32 $0x200, s24  }
0x1d: {  	[tilespmem:s0], [sflag:$0x2] =	stream.indirect.gather [hbm4b:s4+s14], $0x20, s23, s14, $0xb8;
	[tilespmem:$0x14480] =	vst v63  }
0x1e: {  	s16 =	simm.s32 $0x8400;
	s22 =	sor.u32 $0x280, s24  }
0x1f: {  	[tilespmem:s16], [sflag:$0x2] =	stream.indirect.gather [hbm4b:s4+s14], $0x20, s22, s14, $0xb8;
	[tilespmem:$0x14480] =	vst v63  }
0x20: {  	s17 =	simm.s32 $0x9400;
	s18 =	sor.u32 $0x300, s24  }
0x21: {  	[tilespmem:s17], [sflag:$0x2] =	stream.indirect.gather [hbm4b:s4+s14], $0x20, s18, s14, $0xb8;
	[tilespmem:$0x14480] =	vst v63  }
0x22: {  	s1 =	simm.s32 $0xA400;
	s16 =	sor.u32 $0x380, s24  }
0x23: {  	[tilespmem:s1], [sflag:$0x2] =	stream.indirect.gather [hbm4b:s4+s14], $0x20, s16, s14, $0xb8;
	[tilespmem:$0x14480] =	vst v63  }
0x24: {  	_ =	swait.ge [sflag:s25], $0x4000  }
0x25: {  	p0 =	seq.s32 s15, $0x0;
	[sflag:s25] =	ssyncset.done $0x0  }
0x26: {  	s0 =	simm.s32 @!p0 $0x3;
	[sflag:s25] =	ssyncadd.s32 $0xFFFFC000  }
0x27: {  	_ =	swait.ge @!p0 [sflag:s0], $0x4000  }
0x28: {  	[sflag:s0] =	ssyncset.done @!p0 $0x0  }
0x29: {  	s11 =	simm.s32 $0x3440;
	[sflag:s0] =	ssyncadd.s32 @!p0 $0xFFFFC000  }
0x2a: {  	s1 =	simm.s32 $0x2;
	v10 =	vld [tilespmem:s11+$0x0]  }
0x2b: {  	s28 =	simm.s32 $0x0;
	v11 =	vadd.s32 s1, v0;
	v1 =	vld [tilespmem:s11+$0xFFFFFFD0]  }
0x2c: {  	v13 =	vadd.s32 s28, v0;
	s28 =	simm.s32 $0x3;
	v14 =	vld [tilespmem:s11+$0xFFFFFFC0]  }
0x2d: {  	v9 =	vadd.s32 s28, v0;
	s28 =	simm.s32 $0x810;
	v7 =	vld [tilespmem:s11+$0x20]  }
0x2e: {  	s29 =	simm.s32 $0x813;
	v12 =	vadd.s32 s28, v0;
	v3 =	vld [tilespmem:s11+$0x10]  }
0x2f: {  	s12 =	simm.s32 $0x1;
	v6 =	vadd.s32 s29, v0;
	s17 =	simm.s32 $0x812;
	v8 =	vld [tilespmem:s11+$0x30]  }
0x30: {  	s31 =	simm.s32 $0x811;
	s30 =	simm.s32 $0x0;
	s29 =	simm.s32 $0x13440;
	v4 =	vadd.s32 s17, v0;
	v5 =	vld [tilespmem:s11+$0xFFFFFFE0];
	[tilespmem:v11+s26+$0x0] =	vst.idx.msk $0xffff, v10  }
0x31: {  	v2 =	vadd.s32 s12, v0;
	s28 =	simm.s32 $0xB440;
	s0 =	simm.s32 $0x34C0;
	[tilespmem:v13+s26+$0x0] =	vst.idx.msk $0xffff, v14;
	v10 =	vld [tilespmem:s11+$0xFFFFFFF0];
	v11 =	vadd.s32 s31, v0;
	s31 =	simm.s32 $0x4  }
.LBB2_3:
0x32: {  	s1 =	sadd.s32 $0x811, s31;
	s11 =	sadd.s32 $0x2, s31;
	v13 =	vld [tilespmem:s0+$0x0];
	s12 =	sadd.s32 $0x813, s31;
	[tilespmem:v9+s26+$0x0] =	vst.idx.msk $0xffff, v7  }
0x33: {  	v14 =	vadd.s32 s31, v0;
	s17 =	sadd.s32 $0x1, s31;
	s30 =	sadd.s32 $0x8, s30;
	v15 =	vadd.s32 s11, v0;
	s11 =	sadd.s32 $0x3, s31;
	[tilespmem:v12+s26+$0x0] =	vst.idx.msk $0xffff, v1;
	v1 =	vld [tilespmem:s0+$0xFFFFFFD0]  }
0x34: {  	v17 =	vadd.s32 s17, v0;
	s17 =	sadd.s32 $0x812, s31;
	p1 =	slt.u32 s30, $0xF8;
	v16 =	vld [tilespmem:s0+$0xFFFFFFC0];
	v9 =	vadd.s32 s11, v0;
	[tilespmem:v6+s26+$0x0] =	vst.idx.msk $0xffff, v8  }
.Ltmp0:
0x35: {  	s11 =	sadd.s32 $0x810, s31;
	v6 =	vadd.s32 s12, v0;
	v7 =	vld [tilespmem:s0+$0x20];
	[tilespmem:v4+s26+$0x0] =	vst.idx.msk $0xffff, v3;
	v4 =	vadd.s32 s17, v0;
	(pc) =	sbr.rel @p1 .LBB2_3-.Ltmp0, $4  }
0x36: {  	v12 =	vadd.s32 s11, v0;
	v3 =	vld [tilespmem:s0+$0x10];
	[tilespmem:v11+s26+$0x0] =	vst.idx.msk $0xffff, v10  }
0x37: {  	v8 =	vld [tilespmem:s0+$0x30];
	[tilespmem:v2+s26+$0x0] =	vst.idx.msk $0xffff, v5;
	v2 =	vmov v17  }
0x38: {  	v5 =	vld [tilespmem:s0+$0xFFFFFFE0];
	[tilespmem:v15+s26+$0x0] =	vst.idx.msk $0xffff, v13  }
0x39: {  	s31 =	sadd.s32 $0x4, s31;
	v11 =	vadd.s32 s1, v0;
	[tilespmem:v14+s26+$0x0] =	vst.idx.msk $0xffff, v16;
	v10 =	vld [tilespmem:s0+$0xFFFFFFF0];
	s0 =	sadd.s32 $0x80, s0  }
0x3a: {  	_ =	sdelay $0x3  }
0x3b: {  	[tilespmem:v9+s26+$0x0] =	vst.idx.msk $0xffff, v7  }
0x3c: {  	[tilespmem:v12+s26+$0x0] =	vst.idx.msk $0xffff, v1  }
0x3d: {  	[tilespmem:v4+s26+$0x0] =	vst.idx.msk $0xffff, v3  }
0x3e: {  	[tilespmem:v6+s26+$0x0] =	vst.idx.msk $0xffff, v8  }
0x3f: {  	[tilespmem:v2+s26+$0x0] =	vst.idx.msk $0xffff, v5  }
0x40: {  	[tilespmem:v11+s26+$0x0] =	vst.idx.msk $0xffff, v10  }
0x41: {  	v4 =	vld [tilespmem:s29+$0x30]  }
0x42: {  	v5 =	vld [tilespmem:s29+$0xFFFFFFD0]  }
0x43: {  	v6 =	vld [tilespmem:s29+$0xFFFFFFE0]  }
0x44: {  	v2 =	vld [tilespmem:s29+$0xFFFFFFF0]  }
0x45: {  	v1 =	vld [tilespmem:s29+$0x0]  }
0x46: {  	v3 =	vld [tilespmem:s29+$0x10];
	[tilespmem:s28+$0x30] =	vst v4  }
0x47: {  	[tilespmem:s28+$0xFFFFFFD0] =	vst v5;
	v4 =	vld [tilespmem:s29+$0x20]  }
0x48: {  	s0 =	simm.s32 $0x0;
	s30 =	simm.s32 $0x4470;
	v5 =	vld [tilespmem:s29+$0xFFFFFFC0];
	[tilespmem:s28+$0xFFFFFFE0] =	vst v6;
	s29 =	simm.s32 $0x134C1  }
.LBB2_5:
0x49: {  	v6 =	vld [tilespmem:s29+$0x30];
	s0 =	sadd.s32 $0x8, s0;
	[tilespmem:s28+$0xFFFFFFF0] =	vst v2  }
0x4a: {  	v7 =	vld [tilespmem:s29+$0xFFFFFFD0];
	p1 =	slt.u32 s0, $0xF8;
	[tilespmem:s28+$0x0] =	vst v1  }
0x4b: {  	v8 =	vld [tilespmem:s29+$0xFFFFFFE0];
	[tilespmem:s28+$0x10] =	vst v3  }
.Ltmp1:
0x4c: {  	v2 =	vld [tilespmem:s29+$0xFFFFFFF0];
	[tilespmem:s28+$0x20] =	vst v4;
	(pc) =	sbr.rel @p1 .LBB2_5-.Ltmp1, $4  }
0x4d: {  	v1 =	vld [tilespmem:s29+$0x0];
	[tilespmem:s28+$0xFFFFFFC0] =	vst v5;
	s28 =	sadd.s32 $0x80, s28  }
0x4e: {  	s1 =	simm.s32 $0x0;
	v3 =	vld [tilespmem:s29+$0x10];
	[tilespmem:s28+$0x30] =	vst v6  }
0x4f: {  	[tilespmem:s28+$0xFFFFFFD0] =	vst v7;
	v4 =	vld [tilespmem:s29+$0x20]  }
0x50: {  	v5 =	vld [tilespmem:s29+$0xFFFFFFC0];
	[tilespmem:s28+$0xFFFFFFE0] =	vst v8;
	s29 =	sadd.s32 $0x81, s29  }
0x51: {  	[tilespmem:s28+$0xFFFFFFF0] =	vst v2  }
0x52: {  	[tilespmem:s28+$0x0] =	vst v1  }
0x53: {  	[tilespmem:s28+$0x10] =	vst v3  }
0x54: {  	[tilespmem:s28+$0x20] =	vst v4  }
0x55: {  	[tilespmem:s28+$0xFFFFFFC0] =	vst v5  }
0x56: {  	s0 =	simm.s32 $0x2;
	v10 =	vld [tilespmem:s30+$0xFFFFFFD0]  }
0x57: {  	v11 =	vadd.s32 s0, v0;
	v1 =	vld [tilespmem:s30+$0xFFFFFFA0]  }
0x58: {  	v13 =	vadd.s32 s1, v0;
	s12 =	simm.s32 $0x3;
	v14 =	vld [tilespmem:s30+$0xFFFFFF90]  }
0x59: {  	v9 =	vadd.s32 s12, v0;
	s12 =	simm.s32 $0x810;
	v7 =	vld [tilespmem:s30+$0xFFFFFFF0]  }
0x5a: {  	s11 =	simm.s32 $0x813;
	v12 =	vadd.s32 s12, v0;
	v3 =	vld [tilespmem:s30+$0xFFFFFFE0]  }
0x5b: {  	s0 =	simm.s32 $0x812;
	v6 =	vadd.s32 s11, v0;
	v8 =	vld [tilespmem:s30+$0x0]  }
0x5c: {  	s1 =	simm.s32 $0x1;
	s17 =	simm.s32 $0x811;
	s29 =	simm.s32 $0x0;
	v4 =	vadd.s32 s0, v0;
	v5 =	vld [tilespmem:s30+$0xFFFFFFB0];
	[tilespmem:v11+s26+$0x0] =	vst.idx.msk $0xffff, v10  }
0x5d: {  	s31 =	simm.s32 $0x44F0;
	v2 =	vadd.s32 s1, v0;
	s28 =	simm.s32 $0xC470;
	[tilespmem:v13+s26+$0x0] =	vst.idx.msk $0xffff, v14;
	v10 =	vld [tilespmem:s30+$0xFFFFFFC0];
	v11 =	vadd.s32 s17, v0;
	s30 =	simm.s32 $0x4  }
.LBB2_7:
0x5e: {  	s0 =	sadd.s32 $0x811, s30;
	s1 =	sadd.s32 $0x2, s30;
	v13 =	vld [tilespmem:s31+$0xFFFFFFD0];
	s11 =	sadd.s32 $0x813, s30;
	[tilespmem:v9+s26+$0x0] =	vst.idx.msk $0xffff, v7  }
0x5f: {  	v14 =	vadd.s32 s30, v0;
	s12 =	sadd.s32 $0x1, s30;
	s29 =	sadd.s32 $0x8, s29;
	v15 =	vadd.s32 s1, v0;
	s1 =	sadd.s32 $0x3, s30;
	[tilespmem:v12+s26+$0x0] =	vst.idx.msk $0xffff, v1;
	v1 =	vld [tilespmem:s31+$0xFFFFFFA0]  }
0x60: {  	v17 =	vadd.s32 s12, v0;
	s12 =	sadd.s32 $0x812, s30;
	p1 =	slt.u32 s29, $0xF8;
	v16 =	vld [tilespmem:s31+$0xFFFFFF90];
	v9 =	vadd.s32 s1, v0;
	[tilespmem:v6+s26+$0x0] =	vst.idx.msk $0xffff, v8  }
.Ltmp2:
0x61: {  	s1 =	sadd.s32 $0x810, s30;
	v6 =	vadd.s32 s11, v0;
	v7 =	vld [tilespmem:s31+$0xFFFFFFF0];
	[tilespmem:v4+s26+$0x0] =	vst.idx.msk $0xffff, v3;
	v4 =	vadd.s32 s12, v0;
	(pc) =	sbr.rel @p1 .LBB2_7-.Ltmp2, $4  }
0x62: {  	v12 =	vadd.s32 s1, v0;
	v3 =	vld [tilespmem:s31+$0xFFFFFFE0];
	[tilespmem:v11+s26+$0x0] =	vst.idx.msk $0xffff, v10  }
0x63: {  	v8 =	vld [tilespmem:s31+$0x0];
	[tilespmem:v2+s26+$0x0] =	vst.idx.msk $0xffff, v5;
	v2 =	vmov v17  }
0x64: {  	s1 =	simm.s32 $0x13440;
	v5 =	vld [tilespmem:s31+$0xFFFFFFB0];
	[tilespmem:v15+s26+$0x0] =	vst.idx.msk $0xffff, v13  }
0x65: {  	s30 =	sadd.s32 $0x4, s30;
	v11 =	vadd.s32 s0, v0;
	[tilespmem:v14+s26+$0x0] =	vst.idx.msk $0xffff, v16;
	v10 =	vld [tilespmem:s31+$0xFFFFFFC0];
	s31 =	sadd.s32 $0x80, s31  }
0x66: {  	_ =	sdelay $0x3  }
0x67: {  	[tilespmem:v9+s26+$0x0] =	vst.idx.msk $0xffff, v7  }
0x68: {  	[tilespmem:v12+s26+$0x0] =	vst.idx.msk $0xffff, v1  }
0x69: {  	[tilespmem:v4+s26+$0x0] =	vst.idx.msk $0xffff, v3  }
0x6a: {  	[tilespmem:v6+s26+$0x0] =	vst.idx.msk $0xffff, v8  }
0x6b: {  	[tilespmem:v2+s26+$0x0] =	vst.idx.msk $0xffff, v5  }
0x6c: {  	[tilespmem:v11+s26+$0x0] =	vst.idx.msk $0xffff, v10  }
0x6d: {  	v4 =	vld [tilespmem:s1+$0x30]  }
0x6e: {  	v5 =	vld [tilespmem:s1+$0xFFFFFFD0]  }
0x6f: {  	v6 =	vld [tilespmem:s1+$0xFFFFFFE0]  }
0x70: {  	v2 =	vld [tilespmem:s1+$0xFFFFFFF0]  }
0x71: {  	v1 =	vld [tilespmem:s1+$0x0]  }
0x72: {  	v3 =	vld [tilespmem:s1+$0x10];
	[tilespmem:s28+$0x0] =	vst v4  }
0x73: {  	[tilespmem:s28+$0xFFFFFFA0] =	vst v5;
	v4 =	vld [tilespmem:s1+$0x20]  }
0x74: {  	s0 =	simm.s32 $0x0;
	s29 =	simm.s32 $0x5470;
	s30 =	simm.s32 $0x134C1;
	v5 =	vld [tilespmem:s1+$0xFFFFFFC0];
	[tilespmem:s28+$0xFFFFFFB0] =	vst v6  }
.LBB2_9:
0x75: {  	v6 =	vld [tilespmem:s30+$0x30];
	s0 =	sadd.s32 $0x8, s0;
	[tilespmem:s28+$0xFFFFFFC0] =	vst v2  }
0x76: {  	v7 =	vld [tilespmem:s30+$0xFFFFFFD0];
	p1 =	slt.u32 s0, $0xF8;
	[tilespmem:s28+$0xFFFFFFD0] =	vst v1  }
0x77: {  	v8 =	vld [tilespmem:s30+$0xFFFFFFE0];
	[tilespmem:s28+$0xFFFFFFE0] =	vst v3  }
.Ltmp3:
0x78: {  	v2 =	vld [tilespmem:s30+$0xFFFFFFF0];
	[tilespmem:s28+$0xFFFFFFF0] =	vst v4;
	(pc) =	sbr.rel @p1 .LBB2_9-.Ltmp3, $4  }
0x79: {  	v1 =	vld [tilespmem:s30+$0x0];
	[tilespmem:s28+$0xFFFFFF90] =	vst v5;
	s28 =	sadd.s32 $0x80, s28  }
0x7a: {  	s1 =	simm.s32 $0x0;
	v3 =	vld [tilespmem:s30+$0x10];
	[tilespmem:s28+$0x0] =	vst v6  }
0x7b: {  	[tilespmem:s28+$0xFFFFFFA0] =	vst v7;
	v4 =	vld [tilespmem:s30+$0x20]  }
0x7c: {  	v5 =	vld [tilespmem:s30+$0xFFFFFFC0];
	[tilespmem:s28+$0xFFFFFFB0] =	vst v8;
	s30 =	sadd.s32 $0x81, s30  }
0x7d: {  	[tilespmem:s28+$0xFFFFFFC0] =	vst v2  }
0x7e: {  	[tilespmem:s28+$0xFFFFFFD0] =	vst v1  }
0x7f: {  	[tilespmem:s28+$0xFFFFFFE0] =	vst v3  }
0x80: {  	[tilespmem:s28+$0xFFFFFFF0] =	vst v4  }
0x81: {  	[tilespmem:s28+$0xFFFFFF90] =	vst v5  }
0x82: {  	s0 =	simm.s32 $0x2;
	v10 =	vld [tilespmem:s29+$0xFFFFFFD0]  }
0x83: {  	v11 =	vadd.s32 s0, v0;
	v1 =	vld [tilespmem:s29+$0xFFFFFFA0]  }
0x84: {  	v13 =	vadd.s32 s1, v0;
	s12 =	simm.s32 $0x3;
	v14 =	vld [tilespmem:s29+$0xFFFFFF90]  }
0x85: {  	v9 =	vadd.s32 s12, v0;
	s12 =	simm.s32 $0x810;
	v7 =	vld [tilespmem:s29+$0xFFFFFFF0]  }
0x86: {  	s11 =	simm.s32 $0x813;
	v12 =	vadd.s32 s12, v0;
	v3 =	vld [tilespmem:s29+$0xFFFFFFE0]  }
0x87: {  	s0 =	simm.s32 $0x812;
	v6 =	vadd.s32 s11, v0;
	v8 =	vld [tilespmem:s29+$0x0]  }
0x88: {  	s1 =	simm.s32 $0x1;
	s17 =	simm.s32 $0x811;
	s30 =	simm.s32 $0x0;
	v4 =	vadd.s32 s0, v0;
	v5 =	vld [tilespmem:s29+$0xFFFFFFB0];
	[tilespmem:v11+s26+$0x0] =	vst.idx.msk $0xffff, v10  }
0x89: {  	s31 =	simm.s32 $0x54F0;
	v2 =	vadd.s32 s1, v0;
	s28 =	simm.s32 $0xD470;
	[tilespmem:v13+s26+$0x0] =	vst.idx.msk $0xffff, v14;
	v10 =	vld [tilespmem:s29+$0xFFFFFFC0];
	v11 =	vadd.s32 s17, v0;
	s29 =	simm.s32 $0x4  }
.LBB2_11:
0x8a: {  	s0 =	sadd.s32 $0x811, s29;
	s1 =	sadd.s32 $0x2, s29;
	v13 =	vld [tilespmem:s31+$0xFFFFFFD0];
	s11 =	sadd.s32 $0x813, s29;
	[tilespmem:v9+s26+$0x0] =	vst.idx.msk $0xffff, v7  }
0x8b: {  	v14 =	vadd.s32 s29, v0;
	s12 =	sadd.s32 $0x1, s29;
	s30 =	sadd.s32 $0x8, s30;
	v15 =	vadd.s32 s1, v0;
	s1 =	sadd.s32 $0x3, s29;
	[tilespmem:v12+s26+$0x0] =	vst.idx.msk $0xffff, v1;
	v1 =	vld [tilespmem:s31+$0xFFFFFFA0]  }
0x8c: {  	v17 =	vadd.s32 s12, v0;
	s12 =	sadd.s32 $0x812, s29;
	p1 =	slt.u32 s30, $0xF8;
	v16 =	vld [tilespmem:s31+$0xFFFFFF90];
	v9 =	vadd.s32 s1, v0;
	[tilespmem:v6+s26+$0x0] =	vst.idx.msk $0xffff, v8  }
.Ltmp4:
0x8d: {  	s1 =	sadd.s32 $0x810, s29;
	v6 =	vadd.s32 s11, v0;
	v7 =	vld [tilespmem:s31+$0xFFFFFFF0];
	[tilespmem:v4+s26+$0x0] =	vst.idx.msk $0xffff, v3;
	v4 =	vadd.s32 s12, v0;
	(pc) =	sbr.rel @p1 .LBB2_11-.Ltmp4, $4  }
0x8e: {  	v12 =	vadd.s32 s1, v0;
	v3 =	vld [tilespmem:s31+$0xFFFFFFE0];
	[tilespmem:v11+s26+$0x0] =	vst.idx.msk $0xffff, v10  }
0x8f: {  	v8 =	vld [tilespmem:s31+$0x0];
	[tilespmem:v2+s26+$0x0] =	vst.idx.msk $0xffff, v5;
	v2 =	vmov v17  }
0x90: {  	s1 =	simm.s32 $0x13440;
	v5 =	vld [tilespmem:s31+$0xFFFFFFB0];
	[tilespmem:v15+s26+$0x0] =	vst.idx.msk $0xffff, v13  }
0x91: {  	s29 =	sadd.s32 $0x4, s29;
	v11 =	vadd.s32 s0, v0;
	[tilespmem:v14+s26+$0x0] =	vst.idx.msk $0xffff, v16;
	v10 =	vld [tilespmem:s31+$0xFFFFFFC0];
	s31 =	sadd.s32 $0x80, s31  }
0x92: {  	_ =	sdelay $0x3  }
0x93: {  	[tilespmem:v9+s26+$0x0] =	vst.idx.msk $0xffff, v7  }
0x94: {  	[tilespmem:v12+s26+$0x0] =	vst.idx.msk $0xffff, v1  }
0x95: {  	[tilespmem:v4+s26+$0x0] =	vst.idx.msk $0xffff, v3  }
0x96: {  	[tilespmem:v6+s26+$0x0] =	vst.idx.msk $0xffff, v8  }
0x97: {  	[tilespmem:v2+s26+$0x0] =	vst.idx.msk $0xffff, v5  }
0x98: {  	[tilespmem:v11+s26+$0x0] =	vst.idx.msk $0xffff, v10  }
0x99: {  	v4 =	vld [tilespmem:s1+$0x30]  }
0x9a: {  	v5 =	vld [tilespmem:s1+$0xFFFFFFD0]  }
0x9b: {  	v6 =	vld [tilespmem:s1+$0xFFFFFFE0]  }
0x9c: {  	v2 =	vld [tilespmem:s1+$0xFFFFFFF0]  }
0x9d: {  	v1 =	vld [tilespmem:s1+$0x0]  }
0x9e: {  	v3 =	vld [tilespmem:s1+$0x10];
	[tilespmem:s28+$0x0] =	vst v4  }
0x9f: {  	[tilespmem:s28+$0xFFFFFFA0] =	vst v5;
	v4 =	vld [tilespmem:s1+$0x20]  }
0xa0: {  	s0 =	simm.s32 $0x0;
	s29 =	simm.s32 $0x6470;
	s30 =	simm.s32 $0x134C1;
	v5 =	vld [tilespmem:s1+$0xFFFFFFC0];
	[tilespmem:s28+$0xFFFFFFB0] =	vst v6  }
.LBB2_13:
0xa1: {  	v6 =	vld [tilespmem:s30+$0x30];
	s0 =	sadd.s32 $0x8, s0;
	[tilespmem:s28+$0xFFFFFFC0] =	vst v2  }
0xa2: {  	v7 =	vld [tilespmem:s30+$0xFFFFFFD0];
	p1 =	slt.u32 s0, $0xF8;
	[tilespmem:s28+$0xFFFFFFD0] =	vst v1  }
0xa3: {  	v8 =	vld [tilespmem:s30+$0xFFFFFFE0];
	[tilespmem:s28+$0xFFFFFFE0] =	vst v3  }
.Ltmp5:
0xa4: {  	v2 =	vld [tilespmem:s30+$0xFFFFFFF0];
	[tilespmem:s28+$0xFFFFFFF0] =	vst v4;
	(pc) =	sbr.rel @p1 .LBB2_13-.Ltmp5, $4  }
0xa5: {  	v1 =	vld [tilespmem:s30+$0x0];
	[tilespmem:s28+$0xFFFFFF90] =	vst v5;
	s28 =	sadd.s32 $0x80, s28  }
0xa6: {  	s1 =	simm.s32 $0x0;
	v3 =	vld [tilespmem:s30+$0x10];
	[tilespmem:s28+$0x0] =	vst v6  }
0xa7: {  	[tilespmem:s28+$0xFFFFFFA0] =	vst v7;
	v4 =	vld [tilespmem:s30+$0x20]  }
0xa8: {  	v5 =	vld [tilespmem:s30+$0xFFFFFFC0];
	[tilespmem:s28+$0xFFFFFFB0] =	vst v8;
	s30 =	sadd.s32 $0x81, s30  }
0xa9: {  	[tilespmem:s28+$0xFFFFFFC0] =	vst v2  }
0xaa: {  	[tilespmem:s28+$0xFFFFFFD0] =	vst v1  }
0xab: {  	[tilespmem:s28+$0xFFFFFFE0] =	vst v3  }
0xac: {  	[tilespmem:s28+$0xFFFFFFF0] =	vst v4  }
0xad: {  	[tilespmem:s28+$0xFFFFFF90] =	vst v5  }
0xae: {  	s0 =	simm.s32 $0x2;
	v10 =	vld [tilespmem:s29+$0xFFFFFFD0]  }
0xaf: {  	v11 =	vadd.s32 s0, v0;
	v1 =	vld [tilespmem:s29+$0xFFFFFFA0]  }
0xb0: {  	v13 =	vadd.s32 s1, v0;
	s12 =	simm.s32 $0x3;
	v14 =	vld [tilespmem:s29+$0xFFFFFF90]  }
0xb1: {  	v9 =	vadd.s32 s12, v0;
	s12 =	simm.s32 $0x810;
	v7 =	vld [tilespmem:s29+$0xFFFFFFF0]  }
0xb2: {  	s11 =	simm.s32 $0x813;
	v12 =	vadd.s32 s12, v0;
	v3 =	vld [tilespmem:s29+$0xFFFFFFE0]  }
0xb3: {  	s0 =	simm.s32 $0x812;
	v6 =	vadd.s32 s11, v0;
	v8 =	vld [tilespmem:s29+$0x0]  }
0xb4: {  	s1 =	simm.s32 $0x1;
	s17 =	simm.s32 $0x811;
	s30 =	simm.s32 $0x0;
	v4 =	vadd.s32 s0, v0;
	v5 =	vld [tilespmem:s29+$0xFFFFFFB0];
	[tilespmem:v11+s26+$0x0] =	vst.idx.msk $0xffff, v10  }
0xb5: {  	s31 =	simm.s32 $0x64F0;
	v2 =	vadd.s32 s1, v0;
	s28 =	simm.s32 $0xE470;
	[tilespmem:v13+s26+$0x0] =	vst.idx.msk $0xffff, v14;
	v10 =	vld [tilespmem:s29+$0xFFFFFFC0];
	v11 =	vadd.s32 s17, v0;
	s29 =	simm.s32 $0x4  }
.LBB2_15:
0xb6: {  	s0 =	sadd.s32 $0x811, s29;
	s1 =	sadd.s32 $0x2, s29;
	v13 =	vld [tilespmem:s31+$0xFFFFFFD0];
	s11 =	sadd.s32 $0x813, s29;
	[tilespmem:v9+s26+$0x0] =	vst.idx.msk $0xffff, v7  }
0xb7: {  	v14 =	vadd.s32 s29, v0;
	s12 =	sadd.s32 $0x1, s29;
	s30 =	sadd.s32 $0x8, s30;
	v15 =	vadd.s32 s1, v0;
	s1 =	sadd.s32 $0x3, s29;
	[tilespmem:v12+s26+$0x0] =	vst.idx.msk $0xffff, v1;
	v1 =	vld [tilespmem:s31+$0xFFFFFFA0]  }
0xb8: {  	v17 =	vadd.s32 s12, v0;
	s12 =	sadd.s32 $0x812, s29;
	p1 =	slt.u32 s30, $0xF8;
	v16 =	vld [tilespmem:s31+$0xFFFFFF90];
	v9 =	vadd.s32 s1, v0;
	[tilespmem:v6+s26+$0x0] =	vst.idx.msk $0xffff, v8  }
.Ltmp6:
0xb9: {  	s1 =	sadd.s32 $0x810, s29;
	v6 =	vadd.s32 s11, v0;
	v7 =	vld [tilespmem:s31+$0xFFFFFFF0];
	[tilespmem:v4+s26+$0x0] =	vst.idx.msk $0xffff, v3;
	v4 =	vadd.s32 s12, v0;
	(pc) =	sbr.rel @p1 .LBB2_15-.Ltmp6, $4  }
0xba: {  	v12 =	vadd.s32 s1, v0;
	v3 =	vld [tilespmem:s31+$0xFFFFFFE0];
	[tilespmem:v11+s26+$0x0] =	vst.idx.msk $0xffff, v10  }
0xbb: {  	v8 =	vld [tilespmem:s31+$0x0];
	[tilespmem:v2+s26+$0x0] =	vst.idx.msk $0xffff, v5;
	v2 =	vmov v17  }
0xbc: {  	s1 =	simm.s32 $0x13440;
	v5 =	vld [tilespmem:s31+$0xFFFFFFB0];
	[tilespmem:v15+s26+$0x0] =	vst.idx.msk $0xffff, v13  }
0xbd: {  	s29 =	sadd.s32 $0x4, s29;
	v11 =	vadd.s32 s0, v0;
	[tilespmem:v14+s26+$0x0] =	vst.idx.msk $0xffff, v16;
	v10 =	vld [tilespmem:s31+$0xFFFFFFC0];
	s31 =	sadd.s32 $0x80, s31  }
0xbe: {  	_ =	sdelay $0x3  }
0xbf: {  	[tilespmem:v9+s26+$0x0] =	vst.idx.msk $0xffff, v7  }
0xc0: {  	[tilespmem:v12+s26+$0x0] =	vst.idx.msk $0xffff, v1  }
0xc1: {  	[tilespmem:v4+s26+$0x0] =	vst.idx.msk $0xffff, v3  }
0xc2: {  	[tilespmem:v6+s26+$0x0] =	vst.idx.msk $0xffff, v8  }
0xc3: {  	[tilespmem:v2+s26+$0x0] =	vst.idx.msk $0xffff, v5  }
0xc4: {  	[tilespmem:v11+s26+$0x0] =	vst.idx.msk $0xffff, v10  }
0xc5: {  	v4 =	vld [tilespmem:s1+$0x30]  }
0xc6: {  	v5 =	vld [tilespmem:s1+$0xFFFFFFD0]  }
0xc7: {  	v6 =	vld [tilespmem:s1+$0xFFFFFFE0]  }
0xc8: {  	v2 =	vld [tilespmem:s1+$0xFFFFFFF0]  }
0xc9: {  	v1 =	vld [tilespmem:s1+$0x0]  }
0xca: {  	v3 =	vld [tilespmem:s1+$0x10];
	[tilespmem:s28+$0x0] =	vst v4  }
0xcb: {  	[tilespmem:s28+$0xFFFFFFA0] =	vst v5;
	v5 =	vld [tilespmem:s1+$0x20]  }
0xcc: {  	s0 =	simm.s32 $0x0;
	s29 =	simm.s32 $0x134C1;
	v4 =	vld [tilespmem:s1+$0xFFFFFFC0];
	[tilespmem:s28+$0xFFFFFFB0] =	vst v6  }
.LBB2_17:
0xcd: {  	v6 =	vld [tilespmem:s29+$0x30];
	s0 =	sadd.s32 $0x8, s0;
	[tilespmem:s28+$0xFFFFFFC0] =	vst v2  }
0xce: {  	v7 =	vld [tilespmem:s29+$0xFFFFFFD0];
	p1 =	slt.u32 s0, $0xF8;
	[tilespmem:s28+$0xFFFFFFD0] =	vst v1  }
0xcf: {  	v8 =	vld [tilespmem:s29+$0xFFFFFFE0];
	[tilespmem:s28+$0xFFFFFFE0] =	vst v3  }
.Ltmp7:
0xd0: {  	v2 =	vld [tilespmem:s29+$0xFFFFFFF0];
	[tilespmem:s28+$0xFFFFFFF0] =	vst v5;
	(pc) =	sbr.rel @p1 .LBB2_17-.Ltmp7, $4  }
0xd1: {  	v1 =	vld [tilespmem:s29+$0x0];
	[tilespmem:s28+$0xFFFFFF90] =	vst v4;
	s28 =	sadd.s32 $0x80, s28  }
0xd2: {  	v3 =	vld [tilespmem:s29+$0x10];
	[tilespmem:s28+$0x0] =	vst v6  }
0xd3: {  	[tilespmem:s28+$0xFFFFFFA0] =	vst v7;
	v5 =	vld [tilespmem:s29+$0x20]  }
0xd4: {  	v4 =	vld [tilespmem:s29+$0xFFFFFFC0];
	[tilespmem:s28+$0xFFFFFFB0] =	vst v8;
	s29 =	sadd.s32 $0x81, s29  }
0xd5: {  	[tilespmem:s28+$0xFFFFFFC0] =	vst v2  }
0xd6: {  	[tilespmem:s28+$0xFFFFFFD0] =	vst v1  }
0xd7: {  	s0 =	sor.u32 s5, s24;
	[tilespmem:s28+$0xFFFFFFE0] =	vst v3  }
0xd8: {  	s0 =	sshll.u32 s0, $0x7;
	[tilespmem:s28+$0xFFFFFFF0] =	vst v5  }
0xd9: {  	s1 =	simm.s32 $0xB400;
	s0 =	sadd.s32 s2, s0;
	[tilespmem:s28+$0xFFFFFF90] =	vst v4;
	s28 =	sor.u32 $0x80, s24  }
0xda: {  	[hbm4b:s0+s3] =	stream.linear.scatter [tilespmem:s1], [sflag:$0x3], $0x400, $0x38;
	[tilespmem:$0x14480] =	vst v63  }
0xdb: {  	s11 =	sor.u32 s5, s28  }
0xdc: {  	s0 =	sshll.u32 s11, $0x7  }
0xdd: {  	s0 =	sand.u32 $0x1FFFFE00, s0  }
0xde: {  	s12 =	simm.s32 $0xB800;
	s0 =	sadd.s32 s2, s0  }
0xdf: {  	[hbm4b:s0+s3] =	stream.linear.scatter [tilespmem:s12], [sflag:$0x3], $0x400, $0x38;
	[tilespmem:$0x14480] =	vst v63  }
0xe0: {  	s0 =	sor.u32 $0x100, s24  }
0xe1: {  	s17 =	sor.u32 s5, s0  }
0xe2: {  	s1 =	sshll.u32 s17, $0x7  }
0xe3: {  	s1 =	sand.u32 $0x1FFFFE00, s1  }
0xe4: {  	s11 =	simm.s32 $0xBC00;
	s1 =	sadd.s32 s2, s1  }
0xe5: {  	[hbm4b:s1+s3] =	stream.linear.scatter [tilespmem:s11], [sflag:$0x3], $0x400, $0x38;
	[tilespmem:$0x14480] =	vst v63  }
0xe6: {  	s1 =	sor.u32 $0x180, s24  }
0xe7: {  	s29 =	sor.u32 s5, s1  }
0xe8: {  	s11 =	sshll.u32 s29, $0x7  }
0xe9: {  	s11 =	sand.u32 $0x1FFFFE00, s11  }
0xea: {  	s30 =	sor.u32 s7, s24;
	s12 =	simm.s32 $0xC000;
	s11 =	sadd.s32 s2, s11  }
0xeb: {  	[hbm4b:s11+s3] =	stream.linear.scatter [tilespmem:s12], [sflag:$0x3], $0x400, $0x38;
	[tilespmem:$0x14480] =	vst v63  }
0xec: {  	s11 =	sshll.u32 s30, $0x7  }
0xed: {  	s11 =	sand.u32 $0x1FFFFE80, s11  }
0xee: {  	s31 =	simm.s32 $0xC400;
	s17 =	sor.u32 s7, s28;
	s11 =	sadd.s32 s2, s11  }
0xef: {  	[hbm4b:s11+s3] =	stream.linear.scatter [tilespmem:s31], [sflag:$0x3], $0x400, $0x38;
	[tilespmem:$0x14480] =	vst v63  }
0xf0: {  	s11 =	sshll.u32 s17, $0x7  }
0xf1: {  	s11 =	sand.u32 $0x1FFFFE80, s11  }
0xf2: {  	s29 =	simm.s32 $0xC800;
	s30 =	sor.u32 s7, s0;
	s11 =	sadd.s32 s2, s11  }
0xf3: {  	[hbm4b:s11+s3] =	stream.linear.scatter [tilespmem:s29], [sflag:$0x3], $0x400, $0x38;
	[tilespmem:$0x14480] =	vst v63  }
0xf4: {  	s11 =	sshll.u32 s30, $0x7  }
0xf5: {  	s11 =	sand.u32 $0x1FFFFE80, s11  }
0xf6: {  	s31 =	simm.s32 $0xCC00;
	s17 =	sor.u32 s7, s1;
	s11 =	sadd.s32 s2, s11  }
0xf7: {  	[hbm4b:s11+s3] =	stream.linear.scatter [tilespmem:s31], [sflag:$0x3], $0x400, $0x38;
	[tilespmem:$0x14480] =	vst v63  }
0xf8: {  	s11 =	sshll.u32 s17, $0x7  }
0xf9: {  	s11 =	sand.u32 $0x1FFFFE80, s11  }
0xfa: {  	s29 =	simm.s32 $0xD000;
	s30 =	sor.u32 s8, s24;
	s11 =	sadd.s32 s2, s11  }
0xfb: {  	[hbm4b:s11+s3] =	stream.linear.scatter [tilespmem:s29], [sflag:$0x3], $0x400, $0x38;
	[tilespmem:$0x14480] =	vst v63  }
0xfc: {  	s11 =	sshll.u32 s30, $0x7  }
0xfd: {  	s11 =	sand.u32 $0x1FFFFF00, s11  }
0xfe: {  	s31 =	simm.s32 $0xD400;
	s17 =	sor.u32 s8, s28;
	s11 =	sadd.s32 s2, s11  }
0xff: {  	[hbm4b:s11+s3] =	stream.linear.scatter [tilespmem:s31], [sflag:$0x3], $0x400, $0x38;
	[tilespmem:$0x14480] =	vst v63  }
0x100: {  	s11 =	sshll.u32 s17, $0x7  }
0x101: {  	s11 =	sand.u32 $0x1FFFFF00, s11  }
0x102: {  	s29 =	simm.s32 $0xD800;
	s30 =	sor.u32 s8, s0;
	s11 =	sadd.s32 s2, s11  }
0x103: {  	[hbm4b:s11+s3] =	stream.linear.scatter [tilespmem:s29], [sflag:$0x3], $0x400, $0x38;
	[tilespmem:$0x14480] =	vst v63  }
0x104: {  	s11 =	sshll.u32 s30, $0x7  }
0x105: {  	s11 =	sand.u32 $0x1FFFFF00, s11  }
0x106: {  	s31 =	simm.s32 $0xDC00;
	s17 =	sor.u32 s8, s1;
	s11 =	sadd.s32 s2, s11  }
0x107: {  	[hbm4b:s11+s3] =	stream.linear.scatter [tilespmem:s31], [sflag:$0x3], $0x400, $0x38;
	[tilespmem:$0x14480] =	vst v63  }
0x108: {  	s11 =	sshll.u32 s17, $0x7  }
0x109: {  	s11 =	sand.u32 $0x1FFFFF00, s11  }
0x10a: {  	s29 =	simm.s32 $0xE000;
	s30 =	sor.u32 s9, s24;
	s11 =	sadd.s32 s2, s11  }
0x10b: {  	[hbm4b:s11+s3] =	stream.linear.scatter [tilespmem:s29], [sflag:$0x3], $0x400, $0x38;
	[tilespmem:$0x14480] =	vst v63  }
0x10c: {  	s11 =	sshll.u32 s30, $0x7  }
0x10d: {  	s11 =	sand.u32 $0x1FFFFF80, s11  }
0x10e: {  	s31 =	simm.s32 $0xE400;
	s17 =	sor.u32 s9, s28;
	s11 =	sadd.s32 s2, s11  }
0x10f: {  	[hbm4b:s11+s3] =	stream.linear.scatter [tilespmem:s31], [sflag:$0x3], $0x400, $0x38;
	[tilespmem:$0x14480] =	vst v63  }
0x110: {  	s0 =	sor.u32 s9, s0;
	s11 =	sshll.u32 s17, $0x7  }
0x111: {  	s0 =	sshll.u32 s0, $0x7;
	s11 =	sand.u32 $0x1FFFFF80, s11  }
0x112: {  	s0 =	sand.u32 $0x1FFFFF80, s0;
	s28 =	simm.s32 $0xE800;
	s11 =	sadd.s32 s2, s11  }
0x113: {  	[hbm4b:s11+s3] =	stream.linear.scatter [tilespmem:s28], [sflag:$0x3], $0x400, $0x38;
	[tilespmem:$0x14480] =	vst v63  }
0x114: {  	p1 =	sne.s32 s15, $0xC;
	s0 =	sadd.s32 s2, s0;
	s29 =	simm.s32 $0xEC00  }
0x115: {  	[hbm4b:s0+s3] =	stream.linear.scatter [tilespmem:s29], [sflag:$0x3], $0x400, $0x38;
	[tilespmem:$0x14480] =	vst v63  }
.Ltmp8:
0x116: {  	s30 =	sor.u32 s9, s1;
	(pc) =	sbr.rel @p1 .LBB2_20-.Ltmp8, $4  }
0x117: {  	s0 =	sshll.u32 s30, $0x7  }
0x118: {  	s0 =	sand.u32 $0x1FFFFF80, s0  }
0x119: {  	s31 =	simm.s32 $0xF000;
	s0 =	sadd.s32 s2, s0  }
0x11a: {  	[hbm4b:s0+s3] =	stream.linear.scatter [tilespmem:s31], [sflag:$0x3], $0x400, $0x38;
	[tilespmem:$0x14480] =	vst v63  }
.Ltmp9:
0x11b: {  	(pc) =	sbr.rel .LBB2_21-.Ltmp9, $4  }
0x11c: {  	_ = 	snop  }
0x11d: {  	_ =	swait.ge [sflag:s20], $0x4000  }
0x11e: {  	[sflag:s20] =	ssyncset.done $0x0  }
0x11f: {  	[sflag:s20] =	ssyncadd.s32 $0xFFFFC000  }
.LBB2_20:
0x120: {  	s0 =	sadd.s32 $0x400, s24;
	s1 =	simm.s32 $0x3400  }
0x121: {  	[tilespmem:s1], [sflag:$0x1] =	stream.indirect.gather [hbm4b:s4+s14], $0x20, s0, s14, $0xb8;
	[tilespmem:$0x14480] =	vst v63  }
0x122: {  	s12 =	sadd.s32 $0x480, s24;
	s17 =	simm.s32 $0x4400  }
0x123: {  	[tilespmem:s17], [sflag:$0x1] =	stream.indirect.gather [hbm4b:s4+s14], $0x20, s12, s14, $0xb8;
	[tilespmem:$0x14480] =	vst v63  }
0x124: {  	s28 =	sadd.s32 $0x500, s24;
	s29 =	simm.s32 $0x5400  }
0x125: {  	[tilespmem:s29], [sflag:$0x1] =	stream.indirect.gather [hbm4b:s4+s14], $0x20, s28, s14, $0xb8;
	[tilespmem:$0x14480] =	vst v63  }
.Ltmp10:
0x126: {  	s30 =	sadd.s32 $0x580, s24;
	s31 =	simm.s32 $0x6400;
	(pc) =	sbr.rel @p0 .LBB2_22-.Ltmp10, $4  }
0x127: {  	[tilespmem:s31], [sflag:$0x1] =	stream.indirect.gather [hbm4b:s4+s14], $0x20, s30, s14, $0xb8;
	[tilespmem:$0x14480] =	vst v63  }
0x128: {  	_ =	swait.ge [sflag:s20], $0x4000  }
0x129: {  	[sflag:s20] =	ssyncset.done $0x0  }
0x12a: {  	[sflag:s20] =	ssyncadd.s32 $0xFFFFC000  }
.LBB2_21:
0x12b: {  	_ =	swait.ge [sflag:s21], $0x4000  }
0x12c: {  	[sflag:s21] =	ssyncset.done $0x0  }
0x12d: {  	[sflag:s21] =	ssyncadd.s32 $0xFFFFC000  }
.LBB2_22:
0x12e: {  	s0 =	simm.s32 $0x7440  }
0x12f: {  	s1 =	simm.s32 $0x2;
	v10 =	vld [tilespmem:s0+$0x0]  }
0x130: {  	s11 =	simm.s32 $0x0;
	v1 =	vld [tilespmem:s0+$0xFFFFFFD0];
	v11 =	vadd.s32 s1, v0  }
0x131: {  	s17 =	simm.s32 $0x3;
	v13 =	vadd.s32 s11, v0;
	v14 =	vld [tilespmem:s0+$0xFFFFFFC0]  }
0x132: {  	v7 =	vld [tilespmem:s0+$0x20];
	v9 =	vadd.s32 s17, v0;
	s17 =	simm.s32 $0x810  }
0x133: {  	s12 =	simm.s32 $0x813;
	v3 =	vld [tilespmem:s0+$0x10];
	v12 =	vadd.s32 s17, v0  }
0x134: {  	s15 =	sadd.s32 $0x1, s15;
	s24 =	simm.s32 $0x812;
	v8 =	vld [tilespmem:s0+$0x30];
	v6 =	vadd.s32 s12, v0  }
0x135: {  	s31 =	simm.s32 $0x811;
	s28 =	simm.s32 $0x0;
	s11 =	simm.s32 $0x1;
	v4 =	vadd.s32 s24, v0;
	v5 =	vld [tilespmem:s0+$0xFFFFFFE0];
	[tilespmem:v11+s26+$0x0] =	vst.idx.msk $0xffff, v10  }
0x136: {  	s29 =	simm.s32 $0x4;
	s30 =	simm.s32 $0x74C0;
	s24 =	simm.s32 $0xF440;
	v2 =	vadd.s32 s11, v0;
	[tilespmem:v13+s26+$0x0] =	vst.idx.msk $0xffff, v14;
	v10 =	vld [tilespmem:s0+$0xFFFFFFF0];
	v11 =	vadd.s32 s31, v0  }
.LBB2_23:
0x137: {  	s0 =	sadd.s32 $0x811, s29;
	s1 =	sadd.s32 $0x2, s29;
	v13 =	vld [tilespmem:s30+$0x0];
	s11 =	sadd.s32 $0x813, s29;
	[tilespmem:v9+s26+$0x0] =	vst.idx.msk $0xffff, v7  }
0x138: {  	v14 =	vadd.s32 s29, v0;
	s12 =	sadd.s32 $0x1, s29;
	s28 =	sadd.s32 $0x8, s28;
	v15 =	vadd.s32 s1, v0;
	s1 =	sadd.s32 $0x3, s29;
	[tilespmem:v12+s26+$0x0] =	vst.idx.msk $0xffff, v1;
	v1 =	vld [tilespmem:s30+$0xFFFFFFD0]  }
0x139: {  	v17 =	vadd.s32 s12, v0;
	s12 =	sadd.s32 $0x812, s29;
	p0 =	slt.u32 s28, $0xF8;
	v16 =	vld [tilespmem:s30+$0xFFFFFFC0];
	v9 =	vadd.s32 s1, v0;
	[tilespmem:v6+s26+$0x0] =	vst.idx.msk $0xffff, v8  }
.Ltmp11:
0x13a: {  	s1 =	sadd.s32 $0x810, s29;
	v6 =	vadd.s32 s11, v0;
	v7 =	vld [tilespmem:s30+$0x20];
	[tilespmem:v4+s26+$0x0] =	vst.idx.msk $0xffff, v3;
	v4 =	vadd.s32 s12, v0;
	(pc) =	sbr.rel @p0 .LBB2_23-.Ltmp11, $4  }
0x13b: {  	v12 =	vadd.s32 s1, v0;
	v3 =	vld [tilespmem:s30+$0x10];
	[tilespmem:v11+s26+$0x0] =	vst.idx.msk $0xffff, v10  }
0x13c: {  	v8 =	vld [tilespmem:s30+$0x30];
	[tilespmem:v2+s26+$0x0] =	vst.idx.msk $0xffff, v5;
	v2 =	vmov v17  }
0x13d: {  	s1 =	simm.s32 $0x13440;
	v5 =	vld [tilespmem:s30+$0xFFFFFFE0];
	[tilespmem:v15+s26+$0x0] =	vst.idx.msk $0xffff, v13  }
0x13e: {  	s29 =	sadd.s32 $0x4, s29;
	v11 =	vadd.s32 s0, v0;
	[tilespmem:v14+s26+$0x0] =	vst.idx.msk $0xffff, v16;
	v10 =	vld [tilespmem:s30+$0xFFFFFFF0];
	s30 =	sadd.s32 $0x80, s30  }
0x13f: {  	_ =	sdelay $0x3  }
0x140: {  	[tilespmem:v9+s26+$0x0] =	vst.idx.msk $0xffff, v7  }
0x141: {  	[tilespmem:v12+s26+$0x0] =	vst.idx.msk $0xffff, v1  }
0x142: {  	[tilespmem:v4+s26+$0x0] =	vst.idx.msk $0xffff, v3  }
0x143: {  	[tilespmem:v6+s26+$0x0] =	vst.idx.msk $0xffff, v8  }
0x144: {  	[tilespmem:v2+s26+$0x0] =	vst.idx.msk $0xffff, v5  }
0x145: {  	[tilespmem:v11+s26+$0x0] =	vst.idx.msk $0xffff, v10  }
0x146: {  	v4 =	vld [tilespmem:s1+$0x30]  }
0x147: {  	v5 =	vld [tilespmem:s1+$0xFFFFFFD0]  }
0x148: {  	v6 =	vld [tilespmem:s1+$0xFFFFFFE0]  }
0x149: {  	v2 =	vld [tilespmem:s1+$0xFFFFFFF0]  }
0x14a: {  	v1 =	vld [tilespmem:s1+$0x0]  }
0x14b: {  	v3 =	vld [tilespmem:s1+$0x10];
	[tilespmem:s24+$0x30] =	vst v4  }
0x14c: {  	[tilespmem:s24+$0xFFFFFFD0] =	vst v5;
	v4 =	vld [tilespmem:s1+$0x20]  }
0x14d: {  	s0 =	simm.s32 $0x0;
	s28 =	simm.s32 $0x8470;
	s29 =	simm.s32 $0x134C1;
	v5 =	vld [tilespmem:s1+$0xFFFFFFC0];
	[tilespmem:s24+$0xFFFFFFE0] =	vst v6  }
.LBB2_25:
0x14e: {  	v6 =	vld [tilespmem:s29+$0x30];
	s0 =	sadd.s32 $0x8, s0;
	[tilespmem:s24+$0xFFFFFFF0] =	vst v2  }
0x14f: {  	v7 =	vld [tilespmem:s29+$0xFFFFFFD0];
	p0 =	slt.u32 s0, $0xF8;
	[tilespmem:s24+$0x0] =	vst v1  }
0x150: {  	v8 =	vld [tilespmem:s29+$0xFFFFFFE0];
	[tilespmem:s24+$0x10] =	vst v3  }
.Ltmp12:
0x151: {  	v2 =	vld [tilespmem:s29+$0xFFFFFFF0];
	[tilespmem:s24+$0x20] =	vst v4;
	(pc) =	sbr.rel @p0 .LBB2_25-.Ltmp12, $4  }
0x152: {  	v1 =	vld [tilespmem:s29+$0x0];
	[tilespmem:s24+$0xFFFFFFC0] =	vst v5;
	s24 =	sadd.s32 $0x80, s24  }
0x153: {  	s1 =	simm.s32 $0x0;
	v3 =	vld [tilespmem:s29+$0x10];
	[tilespmem:s24+$0x30] =	vst v6  }
0x154: {  	[tilespmem:s24+$0xFFFFFFD0] =	vst v7;
	v4 =	vld [tilespmem:s29+$0x20]  }
0x155: {  	v5 =	vld [tilespmem:s29+$0xFFFFFFC0];
	[tilespmem:s24+$0xFFFFFFE0] =	vst v8;
	s29 =	sadd.s32 $0x81, s29  }
0x156: {  	[tilespmem:s24+$0xFFFFFFF0] =	vst v2  }
0x157: {  	[tilespmem:s24+$0x0] =	vst v1  }
0x158: {  	[tilespmem:s24+$0x10] =	vst v3  }
0x159: {  	[tilespmem:s24+$0x20] =	vst v4  }
0x15a: {  	[tilespmem:s24+$0xFFFFFFC0] =	vst v5  }
0x15b: {  	s0 =	simm.s32 $0x2;
	v10 =	vld [tilespmem:s28+$0xFFFFFFD0]  }
0x15c: {  	v11 =	vadd.s32 s0, v0;
	v1 =	vld [tilespmem:s28+$0xFFFFFFA0]  }
0x15d: {  	v13 =	vadd.s32 s1, v0;
	s12 =	simm.s32 $0x1;
	s17 =	simm.s32 $0x3;
	v14 =	vld [tilespmem:s28+$0xFFFFFF90]  }
0x15e: {  	v2 =	vadd.s32 s12, v0;
	v9 =	vadd.s32 s17, v0;
	s12 =	simm.s32 $0x810;
	v7 =	vld [tilespmem:s28+$0xFFFFFFF0]  }
0x15f: {  	s11 =	simm.s32 $0x813;
	v12 =	vadd.s32 s12, v0;
	v3 =	vld [tilespmem:s28+$0xFFFFFFE0]  }
0x160: {  	v6 =	vadd.s32 s11, v0;
	s24 =	simm.s32 $0x812;
	v8 =	vld [tilespmem:s28+$0x0]  }
0x161: {  	s31 =	simm.s32 $0x811;
	s29 =	simm.s32 $0x0;
	v4 =	vadd.s32 s24, v0;
	v5 =	vld [tilespmem:s28+$0xFFFFFFB0];
	[tilespmem:v11+s26+$0x0] =	vst.idx.msk $0xffff, v10  }
0x162: {  	s30 =	simm.s32 $0x84F0;
	s24 =	simm.s32 $0x10470;
	[tilespmem:v13+s26+$0x0] =	vst.idx.msk $0xffff, v14;
	v10 =	vld [tilespmem:s28+$0xFFFFFFC0];
	v11 =	vadd.s32 s31, v0;
	s28 =	simm.s32 $0x4  }
.LBB2_27:
0x163: {  	s0 =	sadd.s32 $0x811, s28;
	s1 =	sadd.s32 $0x2, s28;
	v13 =	vld [tilespmem:s30+$0xFFFFFFD0];
	s11 =	sadd.s32 $0x813, s28;
	[tilespmem:v9+s26+$0x0] =	vst.idx.msk $0xffff, v7  }
0x164: {  	v14 =	vadd.s32 s28, v0;
	s12 =	sadd.s32 $0x1, s28;
	s29 =	sadd.s32 $0x8, s29;
	v15 =	vadd.s32 s1, v0;
	s1 =	sadd.s32 $0x3, s28;
	[tilespmem:v12+s26+$0x0] =	vst.idx.msk $0xffff, v1;
	v1 =	vld [tilespmem:s30+$0xFFFFFFA0]  }
0x165: {  	v17 =	vadd.s32 s12, v0;
	s12 =	sadd.s32 $0x812, s28;
	p0 =	slt.u32 s29, $0xF8;
	v16 =	vld [tilespmem:s30+$0xFFFFFF90];
	v9 =	vadd.s32 s1, v0;
	[tilespmem:v6+s26+$0x0] =	vst.idx.msk $0xffff, v8  }
.Ltmp13:
0x166: {  	s1 =	sadd.s32 $0x810, s28;
	v6 =	vadd.s32 s11, v0;
	v7 =	vld [tilespmem:s30+$0xFFFFFFF0];
	[tilespmem:v4+s26+$0x0] =	vst.idx.msk $0xffff, v3;
	v4 =	vadd.s32 s12, v0;
	(pc) =	sbr.rel @p0 .LBB2_27-.Ltmp13, $4  }
0x167: {  	v12 =	vadd.s32 s1, v0;
	v3 =	vld [tilespmem:s30+$0xFFFFFFE0];
	[tilespmem:v11+s26+$0x0] =	vst.idx.msk $0xffff, v10  }
0x168: {  	v8 =	vld [tilespmem:s30+$0x0];
	[tilespmem:v2+s26+$0x0] =	vst.idx.msk $0xffff, v5;
	v2 =	vmov v17  }
0x169: {  	s1 =	simm.s32 $0x13440;
	v5 =	vld [tilespmem:s30+$0xFFFFFFB0];
	[tilespmem:v15+s26+$0x0] =	vst.idx.msk $0xffff, v13  }
0x16a: {  	s28 =	sadd.s32 $0x4, s28;
	v11 =	vadd.s32 s0, v0;
	[tilespmem:v14+s26+$0x0] =	vst.idx.msk $0xffff, v16;
	v10 =	vld [tilespmem:s30+$0xFFFFFFC0];
	s30 =	sadd.s32 $0x80, s30  }
0x16b: {  	_ =	sdelay $0x3  }
0x16c: {  	[tilespmem:v9+s26+$0x0] =	vst.idx.msk $0xffff, v7  }
0x16d: {  	[tilespmem:v12+s26+$0x0] =	vst.idx.msk $0xffff, v1  }
0x16e: {  	[tilespmem:v4+s26+$0x0] =	vst.idx.msk $0xffff, v3  }
0x16f: {  	[tilespmem:v6+s26+$0x0] =	vst.idx.msk $0xffff, v8  }
0x170: {  	[tilespmem:v2+s26+$0x0] =	vst.idx.msk $0xffff, v5  }
0x171: {  	[tilespmem:v11+s26+$0x0] =	vst.idx.msk $0xffff, v10  }
0x172: {  	v4 =	vld [tilespmem:s1+$0x30]  }
0x173: {  	v5 =	vld [tilespmem:s1+$0xFFFFFFD0]  }
0x174: {  	v6 =	vld [tilespmem:s1+$0xFFFFFFE0]  }
0x175: {  	v2 =	vld [tilespmem:s1+$0xFFFFFFF0]  }
0x176: {  	v1 =	vld [tilespmem:s1+$0x0]  }
0x177: {  	v3 =	vld [tilespmem:s1+$0x10];
	[tilespmem:s24+$0x0] =	vst v4  }
0x178: {  	[tilespmem:s24+$0xFFFFFFA0] =	vst v5;
	v4 =	vld [tilespmem:s1+$0x20]  }
0x179: {  	s0 =	simm.s32 $0x0;
	s28 =	simm.s32 $0x9470;
	s29 =	simm.s32 $0x134C1;
	v5 =	vld [tilespmem:s1+$0xFFFFFFC0];
	[tilespmem:s24+$0xFFFFFFB0] =	vst v6  }
.LBB2_29:
0x17a: {  	v6 =	vld [tilespmem:s29+$0x30];
	s0 =	sadd.s32 $0x8, s0;
	[tilespmem:s24+$0xFFFFFFC0] =	vst v2  }
0x17b: {  	v7 =	vld [tilespmem:s29+$0xFFFFFFD0];
	p0 =	slt.u32 s0, $0xF8;
	[tilespmem:s24+$0xFFFFFFD0] =	vst v1  }
0x17c: {  	v8 =	vld [tilespmem:s29+$0xFFFFFFE0];
	[tilespmem:s24+$0xFFFFFFE0] =	vst v3  }
.Ltmp14:
0x17d: {  	v2 =	vld [tilespmem:s29+$0xFFFFFFF0];
	[tilespmem:s24+$0xFFFFFFF0] =	vst v4;
	(pc) =	sbr.rel @p0 .LBB2_29-.Ltmp14, $4  }
0x17e: {  	v1 =	vld [tilespmem:s29+$0x0];
	[tilespmem:s24+$0xFFFFFF90] =	vst v5;
	s24 =	sadd.s32 $0x80, s24  }
0x17f: {  	s1 =	simm.s32 $0x0;
	v3 =	vld [tilespmem:s29+$0x10];
	[tilespmem:s24+$0x0] =	vst v6  }
0x180: {  	[tilespmem:s24+$0xFFFFFFA0] =	vst v7;
	v4 =	vld [tilespmem:s29+$0x20]  }
0x181: {  	v5 =	vld [tilespmem:s29+$0xFFFFFFC0];
	[tilespmem:s24+$0xFFFFFFB0] =	vst v8;
	s29 =	sadd.s32 $0x81, s29  }
0x182: {  	[tilespmem:s24+$0xFFFFFFC0] =	vst v2  }
0x183: {  	[tilespmem:s24+$0xFFFFFFD0] =	vst v1  }
0x184: {  	[tilespmem:s24+$0xFFFFFFE0] =	vst v3  }
0x185: {  	[tilespmem:s24+$0xFFFFFFF0] =	vst v4  }
0x186: {  	[tilespmem:s24+$0xFFFFFF90] =	vst v5  }
0x187: {  	s0 =	simm.s32 $0x2;
	v10 =	vld [tilespmem:s28+$0xFFFFFFD0]  }
0x188: {  	v11 =	vadd.s32 s0, v0;
	v1 =	vld [tilespmem:s28+$0xFFFFFFA0]  }
0x189: {  	v13 =	vadd.s32 s1, v0;
	s12 =	simm.s32 $0x1;
	s17 =	simm.s32 $0x3;
	v14 =	vld [tilespmem:s28+$0xFFFFFF90]  }
0x18a: {  	v2 =	vadd.s32 s12, v0;
	v9 =	vadd.s32 s17, v0;
	s12 =	simm.s32 $0x810;
	v7 =	vld [tilespmem:s28+$0xFFFFFFF0]  }
0x18b: {  	s11 =	simm.s32 $0x813;
	v12 =	vadd.s32 s12, v0;
	v3 =	vld [tilespmem:s28+$0xFFFFFFE0]  }
0x18c: {  	v6 =	vadd.s32 s11, v0;
	s24 =	simm.s32 $0x812;
	v8 =	vld [tilespmem:s28+$0x0]  }
0x18d: {  	s31 =	simm.s32 $0x811;
	s29 =	simm.s32 $0x0;
	v4 =	vadd.s32 s24, v0;
	v5 =	vld [tilespmem:s28+$0xFFFFFFB0];
	[tilespmem:v11+s26+$0x0] =	vst.idx.msk $0xffff, v10  }
0x18e: {  	s30 =	simm.s32 $0x94F0;
	s24 =	simm.s32 $0x11470;
	[tilespmem:v13+s26+$0x0] =	vst.idx.msk $0xffff, v14;
	v10 =	vld [tilespmem:s28+$0xFFFFFFC0];
	v11 =	vadd.s32 s31, v0;
	s28 =	simm.s32 $0x4  }
.LBB2_31:
0x18f: {  	s0 =	sadd.s32 $0x811, s28;
	s1 =	sadd.s32 $0x2, s28;
	v13 =	vld [tilespmem:s30+$0xFFFFFFD0];
	s11 =	sadd.s32 $0x813, s28;
	[tilespmem:v9+s26+$0x0] =	vst.idx.msk $0xffff, v7  }
0x190: {  	v14 =	vadd.s32 s28, v0;
	s12 =	sadd.s32 $0x1, s28;
	s29 =	sadd.s32 $0x8, s29;
	v15 =	vadd.s32 s1, v0;
	s1 =	sadd.s32 $0x3, s28;
	[tilespmem:v12+s26+$0x0] =	vst.idx.msk $0xffff, v1;
	v1 =	vld [tilespmem:s30+$0xFFFFFFA0]  }
0x191: {  	v17 =	vadd.s32 s12, v0;
	s12 =	sadd.s32 $0x812, s28;
	p0 =	slt.u32 s29, $0xF8;
	v16 =	vld [tilespmem:s30+$0xFFFFFF90];
	v9 =	vadd.s32 s1, v0;
	[tilespmem:v6+s26+$0x0] =	vst.idx.msk $0xffff, v8  }
.Ltmp15:
0x192: {  	s1 =	sadd.s32 $0x810, s28;
	v6 =	vadd.s32 s11, v0;
	v7 =	vld [tilespmem:s30+$0xFFFFFFF0];
	[tilespmem:v4+s26+$0x0] =	vst.idx.msk $0xffff, v3;
	v4 =	vadd.s32 s12, v0;
	(pc) =	sbr.rel @p0 .LBB2_31-.Ltmp15, $4  }
0x193: {  	v12 =	vadd.s32 s1, v0;
	v3 =	vld [tilespmem:s30+$0xFFFFFFE0];
	[tilespmem:v11+s26+$0x0] =	vst.idx.msk $0xffff, v10  }
0x194: {  	v8 =	vld [tilespmem:s30+$0x0];
	[tilespmem:v2+s26+$0x0] =	vst.idx.msk $0xffff, v5;
	v2 =	vmov v17  }
0x195: {  	s1 =	simm.s32 $0x13440;
	v5 =	vld [tilespmem:s30+$0xFFFFFFB0];
	[tilespmem:v15+s26+$0x0] =	vst.idx.msk $0xffff, v13  }
0x196: {  	s28 =	sadd.s32 $0x4, s28;
	v11 =	vadd.s32 s0, v0;
	[tilespmem:v14+s26+$0x0] =	vst.idx.msk $0xffff, v16;
	v10 =	vld [tilespmem:s30+$0xFFFFFFC0];
	s30 =	sadd.s32 $0x80, s30  }
0x197: {  	_ =	sdelay $0x3  }
0x198: {  	[tilespmem:v9+s26+$0x0] =	vst.idx.msk $0xffff, v7  }
0x199: {  	[tilespmem:v12+s26+$0x0] =	vst.idx.msk $0xffff, v1  }
0x19a: {  	[tilespmem:v4+s26+$0x0] =	vst.idx.msk $0xffff, v3  }
0x19b: {  	[tilespmem:v6+s26+$0x0] =	vst.idx.msk $0xffff, v8  }
0x19c: {  	[tilespmem:v2+s26+$0x0] =	vst.idx.msk $0xffff, v5  }
0x19d: {  	[tilespmem:v11+s26+$0x0] =	vst.idx.msk $0xffff, v10  }
0x19e: {  	v4 =	vld [tilespmem:s1+$0x30]  }
0x19f: {  	v5 =	vld [tilespmem:s1+$0xFFFFFFD0]  }
0x1a0: {  	v6 =	vld [tilespmem:s1+$0xFFFFFFE0]  }
0x1a1: {  	v2 =	vld [tilespmem:s1+$0xFFFFFFF0]  }
0x1a2: {  	v1 =	vld [tilespmem:s1+$0x0]  }
0x1a3: {  	v3 =	vld [tilespmem:s1+$0x10];
	[tilespmem:s24+$0x0] =	vst v4  }
0x1a4: {  	[tilespmem:s24+$0xFFFFFFA0] =	vst v5;
	v4 =	vld [tilespmem:s1+$0x20]  }
0x1a5: {  	s0 =	simm.s32 $0x0;
	s28 =	simm.s32 $0xA470;
	s29 =	simm.s32 $0x134C1;
	v5 =	vld [tilespmem:s1+$0xFFFFFFC0];
	[tilespmem:s24+$0xFFFFFFB0] =	vst v6  }
.LBB2_33:
0x1a6: {  	v6 =	vld [tilespmem:s29+$0x30];
	s0 =	sadd.s32 $0x8, s0;
	[tilespmem:s24+$0xFFFFFFC0] =	vst v2  }
0x1a7: {  	v7 =	vld [tilespmem:s29+$0xFFFFFFD0];
	p0 =	slt.u32 s0, $0xF8;
	[tilespmem:s24+$0xFFFFFFD0] =	vst v1  }
0x1a8: {  	v8 =	vld [tilespmem:s29+$0xFFFFFFE0];
	[tilespmem:s24+$0xFFFFFFE0] =	vst v3  }
.Ltmp16:
0x1a9: {  	v2 =	vld [tilespmem:s29+$0xFFFFFFF0];
	[tilespmem:s24+$0xFFFFFFF0] =	vst v4;
	(pc) =	sbr.rel @p0 .LBB2_33-.Ltmp16, $4  }
0x1aa: {  	v1 =	vld [tilespmem:s29+$0x0];
	[tilespmem:s24+$0xFFFFFF90] =	vst v5;
	s24 =	sadd.s32 $0x80, s24  }
0x1ab: {  	s1 =	simm.s32 $0x0;
	v3 =	vld [tilespmem:s29+$0x10];
	[tilespmem:s24+$0x0] =	vst v6  }
0x1ac: {  	[tilespmem:s24+$0xFFFFFFA0] =	vst v7;
	v4 =	vld [tilespmem:s29+$0x20]  }
0x1ad: {  	v5 =	vld [tilespmem:s29+$0xFFFFFFC0];
	[tilespmem:s24+$0xFFFFFFB0] =	vst v8;
	s29 =	sadd.s32 $0x81, s29  }
0x1ae: {  	[tilespmem:s24+$0xFFFFFFC0] =	vst v2  }
0x1af: {  	[tilespmem:s24+$0xFFFFFFD0] =	vst v1  }
0x1b0: {  	[tilespmem:s24+$0xFFFFFFE0] =	vst v3  }
0x1b1: {  	[tilespmem:s24+$0xFFFFFFF0] =	vst v4  }
0x1b2: {  	[tilespmem:s24+$0xFFFFFF90] =	vst v5  }
0x1b3: {  	s0 =	simm.s32 $0x2;
	v10 =	vld [tilespmem:s28+$0xFFFFFFD0]  }
0x1b4: {  	v11 =	vadd.s32 s0, v0;
	v1 =	vld [tilespmem:s28+$0xFFFFFFA0]  }
0x1b5: {  	v13 =	vadd.s32 s1, v0;
	s12 =	simm.s32 $0x1;
	s17 =	simm.s32 $0x3;
	v14 =	vld [tilespmem:s28+$0xFFFFFF90]  }
0x1b6: {  	v2 =	vadd.s32 s12, v0;
	v9 =	vadd.s32 s17, v0;
	s12 =	simm.s32 $0x810;
	v7 =	vld [tilespmem:s28+$0xFFFFFFF0]  }
0x1b7: {  	s11 =	simm.s32 $0x813;
	v12 =	vadd.s32 s12, v0;
	v3 =	vld [tilespmem:s28+$0xFFFFFFE0]  }
0x1b8: {  	v6 =	vadd.s32 s11, v0;
	s24 =	simm.s32 $0x812;
	v8 =	vld [tilespmem:s28+$0x0]  }
0x1b9: {  	s31 =	simm.s32 $0x811;
	s29 =	simm.s32 $0x0;
	v4 =	vadd.s32 s24, v0;
	v5 =	vld [tilespmem:s28+$0xFFFFFFB0];
	[tilespmem:v11+s26+$0x0] =	vst.idx.msk $0xffff, v10  }
0x1ba: {  	s30 =	simm.s32 $0xA4F0;
	s24 =	simm.s32 $0x12470;
	[tilespmem:v13+s26+$0x0] =	vst.idx.msk $0xffff, v14;
	v10 =	vld [tilespmem:s28+$0xFFFFFFC0];
	v11 =	vadd.s32 s31, v0;
	s28 =	simm.s32 $0x4  }
.LBB2_35:
0x1bb: {  	s0 =	sadd.s32 $0x811, s28;
	s1 =	sadd.s32 $0x2, s28;
	v13 =	vld [tilespmem:s30+$0xFFFFFFD0];
	s11 =	sadd.s32 $0x813, s28;
	[tilespmem:v9+s26+$0x0] =	vst.idx.msk $0xffff, v7  }
0x1bc: {  	v14 =	vadd.s32 s28, v0;
	s12 =	sadd.s32 $0x1, s28;
	s29 =	sadd.s32 $0x8, s29;
	v15 =	vadd.s32 s1, v0;
	s1 =	sadd.s32 $0x3, s28;
	[tilespmem:v12+s26+$0x0] =	vst.idx.msk $0xffff, v1;
	v1 =	vld [tilespmem:s30+$0xFFFFFFA0]  }
0x1bd: {  	v17 =	vadd.s32 s12, v0;
	s12 =	sadd.s32 $0x812, s28;
	p0 =	slt.u32 s29, $0xF8;
	v16 =	vld [tilespmem:s30+$0xFFFFFF90];
	v9 =	vadd.s32 s1, v0;
	[tilespmem:v6+s26+$0x0] =	vst.idx.msk $0xffff, v8  }
.Ltmp17:
0x1be: {  	s1 =	sadd.s32 $0x810, s28;
	v6 =	vadd.s32 s11, v0;
	v7 =	vld [tilespmem:s30+$0xFFFFFFF0];
	[tilespmem:v4+s26+$0x0] =	vst.idx.msk $0xffff, v3;
	v4 =	vadd.s32 s12, v0;
	(pc) =	sbr.rel @p0 .LBB2_35-.Ltmp17, $4  }
0x1bf: {  	v12 =	vadd.s32 s1, v0;
	v3 =	vld [tilespmem:s30+$0xFFFFFFE0];
	[tilespmem:v11+s26+$0x0] =	vst.idx.msk $0xffff, v10  }
0x1c0: {  	v8 =	vld [tilespmem:s30+$0x0];
	[tilespmem:v2+s26+$0x0] =	vst.idx.msk $0xffff, v5;
	v2 =	vmov v17  }
0x1c1: {  	s1 =	simm.s32 $0x13440;
	v5 =	vld [tilespmem:s30+$0xFFFFFFB0];
	[tilespmem:v15+s26+$0x0] =	vst.idx.msk $0xffff, v13  }
0x1c2: {  	s28 =	sadd.s32 $0x4, s28;
	v11 =	vadd.s32 s0, v0;
	[tilespmem:v14+s26+$0x0] =	vst.idx.msk $0xffff, v16;
	v10 =	vld [tilespmem:s30+$0xFFFFFFC0];
	s30 =	sadd.s32 $0x80, s30  }
0x1c3: {  	_ =	sdelay $0x3  }
0x1c4: {  	[tilespmem:v9+s26+$0x0] =	vst.idx.msk $0xffff, v7  }
0x1c5: {  	[tilespmem:v12+s26+$0x0] =	vst.idx.msk $0xffff, v1  }
0x1c6: {  	[tilespmem:v4+s26+$0x0] =	vst.idx.msk $0xffff, v3  }
0x1c7: {  	[tilespmem:v6+s26+$0x0] =	vst.idx.msk $0xffff, v8  }
0x1c8: {  	[tilespmem:v2+s26+$0x0] =	vst.idx.msk $0xffff, v5  }
0x1c9: {  	[tilespmem:v11+s26+$0x0] =	vst.idx.msk $0xffff, v10  }
0x1ca: {  	v4 =	vld [tilespmem:s1+$0x30]  }
0x1cb: {  	v5 =	vld [tilespmem:s1+$0xFFFFFFD0]  }
0x1cc: {  	v6 =	vld [tilespmem:s1+$0xFFFFFFE0]  }
0x1cd: {  	v3 =	vld [tilespmem:s1+$0xFFFFFFF0]  }
0x1ce: {  	v1 =	vld [tilespmem:s1+$0x0]  }
0x1cf: {  	v2 =	vld [tilespmem:s1+$0x10];
	[tilespmem:s24+$0x0] =	vst v4  }
0x1d0: {  	[tilespmem:s24+$0xFFFFFFA0] =	vst v5;
	v5 =	vld [tilespmem:s1+$0x20]  }
0x1d1: {  	s0 =	simm.s32 $0x0;
	s28 =	simm.s32 $0x134C1;
	v4 =	vld [tilespmem:s1+$0xFFFFFFC0];
	[tilespmem:s24+$0xFFFFFFB0] =	vst v6  }
.LBB2_37:
0x1d2: {  	v6 =	vld [tilespmem:s28+$0x30];
	s0 =	sadd.s32 $0x8, s0;
	[tilespmem:s24+$0xFFFFFFC0] =	vst v3  }
0x1d3: {  	v7 =	vld [tilespmem:s28+$0xFFFFFFD0];
	p0 =	slt.u32 s0, $0xF8;
	[tilespmem:s24+$0xFFFFFFD0] =	vst v1  }
0x1d4: {  	v8 =	vld [tilespmem:s28+$0xFFFFFFE0];
	[tilespmem:s24+$0xFFFFFFE0] =	vst v2  }
.Ltmp18:
0x1d5: {  	v3 =	vld [tilespmem:s28+$0xFFFFFFF0];
	[tilespmem:s24+$0xFFFFFFF0] =	vst v5;
	(pc) =	sbr.rel @p0 .LBB2_37-.Ltmp18, $4  }
0x1d6: {  	v1 =	vld [tilespmem:s28+$0x0];
	[tilespmem:s24+$0xFFFFFF90] =	vst v4;
	s24 =	sadd.s32 $0x80, s24  }
0x1d7: {  	v2 =	vld [tilespmem:s28+$0x10];
	[tilespmem:s24+$0x0] =	vst v6  }
0x1d8: {  	[tilespmem:s24+$0xFFFFFFA0] =	vst v7;
	v5 =	vld [tilespmem:s28+$0x20]  }
0x1d9: {  	v4 =	vld [tilespmem:s28+$0xFFFFFFC0];
	[tilespmem:s24+$0xFFFFFFB0] =	vst v8;
	s28 =	sadd.s32 $0x81, s28  }
0x1da: {  	[tilespmem:s24+$0xFFFFFFC0] =	vst v3  }
0x1db: {  	s0 =	sor.u32 s5, s23;
	[tilespmem:s24+$0xFFFFFFD0] =	vst v1  }
0x1dc: {  	s0 =	sshll.u32 s0, $0x7;
	[tilespmem:s24+$0xFFFFFFE0] =	vst v2  }
0x1dd: {  	s0 =	sand.u32 $0x1FFFFE00, s0;
	[tilespmem:s24+$0xFFFFFFF0] =	vst v5  }
0x1de: {  	s1 =	simm.s32 $0xF400;
	s30 =	sor.u32 s5, s22;
	s0 =	sadd.s32 s2, s0;
	[tilespmem:s24+$0xFFFFFF90] =	vst v4  }
0x1df: {  	[hbm4b:s0+s3] =	stream.linear.scatter [tilespmem:s1], [sflag:$0x4], $0x400, $0x38;
	[tilespmem:$0x14480] =	vst v63  }
0x1e0: {  	s0 =	sshll.u32 s30, $0x7  }
0x1e1: {  	s0 =	sand.u32 $0x1FFFFE00, s0  }
0x1e2: {  	s31 =	simm.s32 $0xF800;
	s11 =	sor.u32 s5, s18;
	s0 =	sadd.s32 s2, s0  }
0x1e3: {  	[hbm4b:s0+s3] =	stream.linear.scatter [tilespmem:s31], [sflag:$0x4], $0x400, $0x38;
	[tilespmem:$0x14480] =	vst v63  }
0x1e4: {  	s0 =	sshll.u32 s11, $0x7  }
0x1e5: {  	s0 =	sand.u32 $0x1FFFFE00, s0  }
0x1e6: {  	s12 =	simm.s32 $0xFC00;
	s17 =	sor.u32 s5, s16;
	s0 =	sadd.s32 s2, s0  }
0x1e7: {  	[hbm4b:s0+s3] =	stream.linear.scatter [tilespmem:s12], [sflag:$0x4], $0x400, $0x38;
	[tilespmem:$0x14480] =	vst v63  }
0x1e8: {  	s0 =	sshll.u32 s17, $0x7  }
0x1e9: {  	s0 =	sand.u32 $0x1FFFFE00, s0  }
0x1ea: {  	s28 =	sor.u32 s7, s23;
	s24 =	simm.s32 $0x10000;
	s0 =	sadd.s32 s2, s0  }
0x1eb: {  	[hbm4b:s0+s3] =	stream.linear.scatter [tilespmem:s24], [sflag:$0x4], $0x400, $0x38;
	[tilespmem:$0x14480] =	vst v63  }
0x1ec: {  	s0 =	sshll.u32 s28, $0x7  }
0x1ed: {  	s0 =	sand.u32 $0x1FFFFE80, s0  }
0x1ee: {  	s29 =	simm.s32 $0x10400;
	s30 =	sor.u32 s7, s22;
	s0 =	sadd.s32 s2, s0  }
0x1ef: {  	[hbm4b:s0+s3] =	stream.linear.scatter [tilespmem:s29], [sflag:$0x4], $0x400, $0x38;
	[tilespmem:$0x14480] =	vst v63  }
0x1f0: {  	s0 =	sshll.u32 s30, $0x7  }
0x1f1: {  	s0 =	sand.u32 $0x1FFFFE80, s0  }
0x1f2: {  	s31 =	simm.s32 $0x10800;
	s11 =	sor.u32 s7, s18;
	s0 =	sadd.s32 s2, s0  }
0x1f3: {  	[hbm4b:s0+s3] =	stream.linear.scatter [tilespmem:s31], [sflag:$0x4], $0x400, $0x38;
	[tilespmem:$0x14480] =	vst v63  }
0x1f4: {  	s0 =	sshll.u32 s11, $0x7  }
0x1f5: {  	s0 =	sand.u32 $0x1FFFFE80, s0  }
0x1f6: {  	s12 =	simm.s32 $0x10C00;
	s17 =	sor.u32 s7, s16;
	s0 =	sadd.s32 s2, s0  }
0x1f7: {  	[hbm4b:s0+s3] =	stream.linear.scatter [tilespmem:s12], [sflag:$0x4], $0x400, $0x38;
	[tilespmem:$0x14480] =	vst v63  }
0x1f8: {  	s0 =	sshll.u32 s17, $0x7  }
0x1f9: {  	s0 =	sand.u32 $0x1FFFFE80, s0  }
0x1fa: {  	s24 =	simm.s32 $0x11000;
	s28 =	sor.u32 s8, s23;
	s0 =	sadd.s32 s2, s0  }
0x1fb: {  	[hbm4b:s0+s3] =	stream.linear.scatter [tilespmem:s24], [sflag:$0x4], $0x400, $0x38;
	[tilespmem:$0x14480] =	vst v63  }
0x1fc: {  	s0 =	sshll.u32 s28, $0x7  }
0x1fd: {  	s0 =	sand.u32 $0x1FFFFF00, s0  }
0x1fe: {  	s29 =	simm.s32 $0x11400;
	s30 =	sor.u32 s8, s22;
	s0 =	sadd.s32 s2, s0  }
0x1ff: {  	[hbm4b:s0+s3] =	stream.linear.scatter [tilespmem:s29], [sflag:$0x4], $0x400, $0x38;
	[tilespmem:$0x14480] =	vst v63  }
0x200: {  	s0 =	sshll.u32 s30, $0x7  }
0x201: {  	s0 =	sand.u32 $0x1FFFFF00, s0  }
0x202: {  	s31 =	simm.s32 $0x11800;
	s11 =	sor.u32 s8, s18;
	s0 =	sadd.s32 s2, s0  }
0x203: {  	[hbm4b:s0+s3] =	stream.linear.scatter [tilespmem:s31], [sflag:$0x4], $0x400, $0x38;
	[tilespmem:$0x14480] =	vst v63  }
0x204: {  	s0 =	sshll.u32 s11, $0x7  }
0x205: {  	s0 =	sand.u32 $0x1FFFFF00, s0  }
0x206: {  	s12 =	simm.s32 $0x11C00;
	s17 =	sor.u32 s8, s16;
	s0 =	sadd.s32 s2, s0  }
0x207: {  	[hbm4b:s0+s3] =	stream.linear.scatter [tilespmem:s12], [sflag:$0x4], $0x400, $0x38;
	[tilespmem:$0x14480] =	vst v63  }
0x208: {  	s0 =	sshll.u32 s17, $0x7  }
0x209: {  	s0 =	sand.u32 $0x1FFFFF00, s0  }
0x20a: {  	s24 =	simm.s32 $0x12000;
	s28 =	sor.u32 s9, s23;
	s0 =	sadd.s32 s2, s0  }
0x20b: {  	[hbm4b:s0+s3] =	stream.linear.scatter [tilespmem:s24], [sflag:$0x4], $0x400, $0x38;
	[tilespmem:$0x14480] =	vst v63  }
0x20c: {  	s0 =	sshll.u32 s28, $0x7  }
0x20d: {  	s0 =	sand.u32 $0x1FFFFF80, s0  }
0x20e: {  	s29 =	sor.u32 s9, s22;
	s0 =	sadd.s32 s2, s0  }
0x20f: {  	[hbm4b:s0+s3] =	stream.linear.scatter [tilespmem:s19], [sflag:$0x4], $0x400, $0x38;
	[tilespmem:$0x14480] =	vst v63  }
0x210: {  	s0 =	sshll.u32 s29, $0x7  }
0x211: {  	s0 =	sand.u32 $0x1FFFFF80, s0  }
0x212: {  	s30 =	sor.u32 s9, s18;
	s0 =	sadd.s32 s2, s0  }
0x213: {  	[hbm4b:s0+s3] =	stream.linear.scatter [tilespmem:s6], [sflag:$0x4], $0x400, $0x38;
	[tilespmem:$0x14480] =	vst v63  }
0x214: {  	s0 =	sshll.u32 s30, $0x7  }
0x215: {  	s0 =	sand.u32 $0x1FFFFF80, s0  }
0x216: {  	p0 =	sne.s32 s15, $0xD;
	s0 =	sadd.s32 s2, s0  }
0x217: {  	[hbm4b:s0+s3] =	stream.linear.scatter [tilespmem:s10], [sflag:$0x4], $0x400, $0x38;
	[tilespmem:$0x14480] =	vst v63  }
.Ltmp19:
0x218: {  	s31 =	sor.u32 s9, s16;
	(pc) =	sbr.rel @p0 .LBB2_2-.Ltmp19, $4  }
0x219: {  	s0 =	sshll.u32 s31, $0x7  }
0x21a: {  	s0 =	sand.u32 $0x1FFFFF80, s0  }
0x21b: {  	s0 =	sadd.s32 s2, s0  }
0x21c: {  	[hbm4b:s0+s3] =	stream.linear.scatter [tilespmem:s13], [sflag:$0x4], $0x400, $0x38;
	[tilespmem:$0x14480] =	vst v63  }
0x21d: {  	s0 =	simm.s32 $0x3  }
0x21e: {  	_ =	swait.ge [sflag:s0], $0x4000  }
0x21f: {  	[sflag:s0] =	ssyncset.done $0x0  }
0x220: {  	[sflag:s0] =	ssyncadd.s32 $0xFFFFC000  }
0x221: {  	_ =	swait.ge [sflag:s21], $0x4000  }
0x222: {  	s1 =	rddreg [dreg:$0x5]  }
0x223: {  	s31 =	rddreg [dreg:$0x4];
	s1 =	sadd.s32 $0x1, s1  }
0x224: {  	p0 =	sne.s32 s1, s31  }
.Ltmp20:
0x225: {  	_ = 	snop;
	(pc) =	sbr.rel @p0 .LBB2_1-.Ltmp20, $3  }
0x226: {  	_ =	sdelay $0x1  }
0x227: {  	[sflag:s21] =	ssyncset.done $0x0  }
0x228: {  	[sflag:s21] =	ssyncadd.s32 $0xFFFFC000  }
0x229: {  	_ =	sfence.sel $0x180000  }
0x22a: {  	[bflag:$0x0] =	sbarrier.arrive $0xFFFF  }
0x22b: {  	_ =	strace $0x9000004A  }
0x22c: {  	s0 =	stileid.u32;
	[bflag:$0x2] =	sbarrier.arrive $0xFFFF  }
0x22d: {  	p0 =	sne.s32 s0, $0x0;
	s0 =	rddreg [dreg:$0x2]  }
0x22e: {  	s0 =	sadd.s32 @!p0 $0x100000, s0  }
0x22f: {  	[sflag:s0] =	ssyncadd.tile.s32 @!p0 $0x1;
	_ =	shalt  }
.Lfunc_end2:
_tile_overlayer_lowered:
.L_overlay_start_2:
0x230: {  	(tag) =	ssettag $0x2  }
0x231: {  	s0 =	rddreg [dreg:$0x0];
	s2 =	stileid.u32  }
0x232: {  	s1 =	rddreg [dreg:$0x1];
	p0 =	sne.s32 s2, $0x0  }
0x233: {  	s3 =	rddreg [dreg:$0x2];
	[bflag:$0x3] =	sbarrier.arrive $0xFFFF;
	s2 =	simm.s32 @!p0 $0x1C05  }
0x234: {  	[timem:s3], [sflag:s2] =	dma.local @!p0 [hbm:s0], s1  }
0x235: {  	s0 =	simm.s32 @!p0 $0x5  }
0x236: {  	_ =	swait.ge @!p0 [sflag:s0], s1  }
0x237: {  	s1 =	ssub.s32 @!p0 $0x0, s1;
	[sflag:s0] =	ssyncset.done @!p0 $0x0  }
0x238: {  	[sflag:s0] =	ssyncadd.s32 @!p0 s1  }
0x239: {  	[bflag:$0x3] =	sbarrier.arrive $0xFFFF  }
0x23a: {  	_ =	shalt  }

</sc_bundles>
